<compile_context>
chip_gen: v7x
topology: tpu7x:2x2x1
jax: 0.10.2.dev20260603
libtpu: 0.0.44.dev20260713+nightly
codegen_flags: <defaults>
</compile_context>

<pallas_src>
import jax
import jax.numpy as jnp
from jax import lax
from jax.experimental import pallas as pl
from jax.experimental.pallas import tpu as pltpu
from jax.experimental.pallas import tpu_sc as plsc

N = 100000
D = 128
DO = 256
NE = 100
NW = 32
NS = 16
SPAN = 3128
C = 248
CHUNKS = [C] * (SPAN // C) + ([SPAN % C] if SPAN % C else [])
OFFS = [sum(CHUNKS[:i]) for i in range(len(CHUNKS))]


def _body(element_hbm, x_hbm, table_hbm, out_hbm,
          idx_v, emb_v, table_s, x_s,
          sem_g, sem_xs, sem_w0, sem_w1, sem_xw0, sem_xw1):
    wid = lax.axis_index("s") * 2 + lax.axis_index("c")
    sid = lax.axis_index("s")
    sem_w = (sem_w0, sem_w1)
    sem_xw = (sem_xw0, sem_xw1)

    @pl.when(sid == 0)
    def _():
        pltpu.sync_copy(table_hbm, table_s)

    base = jnp.minimum(wid * SPAN, N - SPAN)
    pltpu.sync_copy(element_hbm.at[pl.ds(base, SPAN)], idx_v)
    plsc.subcore_barrier()

    def emb_write(j):
        b, off, c = j % 2, OFFS[j], CHUNKS[j]
        return pltpu.make_async_copy(
            emb_v.at[b, pl.ds(0, c), :],
            out_hbm.at[pl.ds(base + off, c), pl.ds(0, D)], sem_w[b])

    def x_write(j):
        b, off, c = j % 2, OFFS[j], CHUNKS[j]
        return pltpu.make_async_copy(
            x_s.at[sid, b, pl.ds(0, c), :],
            out_hbm.at[pl.ds(base + off, c), pl.ds(D, D)], sem_xw[b])

    for j, (off, c) in enumerate(zip(OFFS, CHUNKS)):
        b = j % 2
        if j >= 2:
            emb_write(j - 2).wait()
            x_write(j - 2).wait()
        g = pltpu.make_async_copy(
            table_s.at[idx_v.at[pl.ds(off, c)]],
            emb_v.at[b, pl.ds(0, c), :], sem_g)
        g.start()
        xs = pltpu.make_async_copy(
            x_hbm.at[pl.ds(base + off, c), :],
            x_s.at[sid, b, pl.ds(0, c), :], sem_xs)
        xs.start()
        g.wait()
        emb_write(j).start()
        xs.wait()
        x_write(j).start()

    for j in (len(CHUNKS) - 2, len(CHUNKS) - 1):
        emb_write(j).wait()
        x_write(j).wait()


@jax.jit
def _sc_embed_concat(element, x, embed_table):
    mesh = plsc.VectorSubcoreMesh(core_axis_name="c", subcore_axis_name="s")
    return pl.kernel(
        _body,
        out_type=jax.ShapeDtypeStruct((N, DO), jnp.float32),
        mesh=mesh,
        scratch_types=[
            pltpu.VMEM((SPAN,), jnp.int32),
            pltpu.VMEM((2, C, D), jnp.float32),
            pltpu.VMEM_SHARED((NE, D), jnp.float32),
            pltpu.VMEM_SHARED((NS, 2, C, D), jnp.float32),
            pltpu.SemaphoreType.DMA,
            pltpu.SemaphoreType.DMA,
            pltpu.SemaphoreType.DMA,
            pltpu.SemaphoreType.DMA,
            pltpu.SemaphoreType.DMA,
            pltpu.SemaphoreType.DMA,
        ],
    )(element, x, embed_table)


def kernel(element, x, embed_table):
    return _sc_embed_concat(element.astype(jnp.int32), x, embed_table)

# --- scband reference (transcript-rebuilt; emitter-appended) ---
"""Pipeline reference for scband-element-embedding-44796508897969 (READ-ONLY COPY).

The authoritative reference and input builder live on the scoring server;
editing this copy changes nothing except your own understanding.
"""

import jax, jax.numpy as jnp
import numpy as np

N = 100000
D_FEAT = 128
NUM_EMB = 100
EMB_DIM = 128


def _assure_2d(x):
    return x if x.ndim >= 2 else x[:, None]


def setup_inputs(seed: int = 0) -> dict:
    key = jax.random.key(seed)
    k1, k2, k3 = jax.random.split(key, 3)
    element = jax.random.randint(k1, (N,), 0, NUM_EMB, dtype=jnp.int64 if jax.config.jax_enable_x64 else jnp.int32)
    x = jax.random.normal(k2, (N, D_FEAT), dtype=jnp.float32)
    embed_table = jax.random.normal(k3, (NUM_EMB, EMB_DIM), dtype=jnp.float32)
    return {"element": element, "x": x, "embed_table": embed_table}


def reference(element, x, embed_table):
    emb = jnp.take(embed_table, element, axis=0)
    x2d = _assure_2d(x)
    out = jnp.concatenate([emb, x2d], axis=-1)
    return out

if __name__ == "__main__":
    import jax
    _d = setup_inputs()
    print(jax.jit(kernel)(*tuple(_d.values())))

</pallas_src>

<mosaic_0001>
#map = affine_map<(d0, d1) -> (0)>
#map1 = affine_map<(d0, d1) -> (0, 0)>
module attributes {stable_mosaic.version = 14 : i64} {
  func.func @_body(%arg0: i32, %arg1: i32, %arg2: memref<100000xi32, #tpu.memory_space<hbm>>, %arg3: memref<100000x128xf32, #tpu.memory_space<hbm>>, %arg4: memref<100x128xf32, #tpu.memory_space<hbm>>, %arg5: memref<100000x256xf32, #tpu.memory_space<hbm>>, %arg6: memref<3128xi32, #tpu.memory_space<vmem>>, %arg7: memref<2x248x128xf32, #tpu.memory_space<vmem>>, %arg8: memref<100x128xf32, #tpu.memory_space<vmem_shared>>, %arg9: memref<16x2x248x128xf32, #tpu.memory_space<vmem_shared>>, %arg10: memref<!tpu.dma_semaphore, #tpu.memory_space<semaphore_mem>>, %arg11: memref<!tpu.dma_semaphore, #tpu.memory_space<semaphore_mem>>, %arg12: memref<!tpu.dma_semaphore, #tpu.memory_space<semaphore_mem>>, %arg13: memref<!tpu.dma_semaphore, #tpu.memory_space<semaphore_mem>>, %arg14: memref<!tpu.dma_semaphore, #tpu.memory_space<semaphore_mem>>, %arg15: memref<!tpu.dma_semaphore, #tpu.memory_space<semaphore_mem>>) attributes {dimension_semantics = [#tpu.dimension_semantics<core_parallel>, #tpu.dimension_semantics<subcore_parallel>], iteration_bounds = array<i64: 2, 16>, scalar_prefetch = 0 : i64, scratch_operands = 10 : i64, tpu.core_type = #tpu.core_type<sc_vector_subcore>, window_params = [{transform_indices = #map}, {transform_indices = #map1}, {transform_indices = #map1}, {transform_indices = #map1}]} {
    %mul3A = arith.constant 2 : i32
    %mul3A_0 = arith.muli %arg1, %mul3A : i32
    %add3A = arith.addi %mul3A_0, %arg0 : i32
    %eq3A = arith.constant 0 : i32
    %eq3A_1 = arith.cmpi eq, %arg1, %eq3A : i32
    %convert_element_type3A = arith.extui %eq3A_1 : i1 to i32
    %cond3A = arith.constant 0 : i32
    %cond3A_2 = arith.cmpi ne, %convert_element_type3A, %cond3A : i32
    scf.if %cond3A_2 {
      "tpu.region"() ({
        %run_scoped3A = tpu.sem_alloc : memref<!tpu.dma_semaphore, #tpu.memory_space<semaphore_mem>>
        tpu.enqueue_dma source(%arg4 : memref<100x128xf32, #tpu.memory_space<hbm>>) target(%arg8 : memref<100x128xf32, #tpu.memory_space<vmem_shared>>) target_semaphore(%run_scoped3A : memref<!tpu.dma_semaphore, #tpu.memory_space<semaphore_mem>>)
        tpu.wait_dma2 semaphore(%run_scoped3A : memref<!tpu.dma_semaphore, #tpu.memory_space<semaphore_mem>>) src(%arg4 : memref<100x128xf32, #tpu.memory_space<hbm>>) dst(%arg8 : memref<100x128xf32, #tpu.memory_space<vmem_shared>>)
        tpu.yield
      }) : () -> ()
    } else {
    }
    %mul3A_3 = arith.constant 3128 : i32
    %mul3A_4 = arith.muli %add3A, %mul3A_3 : i32
    %min3A = arith.constant 96872 : i32
    %min3A_5 = arith.minsi %mul3A_4, %min3A : i32
    "tpu.region"() ({
      %run_scoped3A = tpu.sem_alloc : memref<!tpu.dma_semaphore, #tpu.memory_space<semaphore_mem>>
      %dma_start3A_1096 = tpu.memref_slice %arg2[%min3A_5] : memref<100000xi32, #tpu.memory_space<hbm>> -> memref<3128xi32, #tpu.memory_space<hbm>>
      %dma_start3A_1097 = tpu.memref_slice %arg2[%min3A_5] : memref<100000xi32, #tpu.memory_space<hbm>> -> memref<3128xi32, #tpu.memory_space<hbm>>
      tpu.enqueue_dma source(%dma_start3A_1097 : memref<3128xi32, #tpu.memory_space<hbm>>) target(%arg6 : memref<3128xi32, #tpu.memory_space<vmem>>) target_semaphore(%run_scoped3A : memref<!tpu.dma_semaphore, #tpu.memory_space<semaphore_mem>>)
      %dma_wait3A_1098 = tpu.memref_slice %arg2[%min3A_5] : memref<100000xi32, #tpu.memory_space<hbm>> -> memref<3128xi32, #tpu.memory_space<hbm>>
      %dma_wait3A_1099 = tpu.memref_slice %arg2[%min3A_5] : memref<100000xi32, #tpu.memory_space<hbm>> -> memref<3128xi32, #tpu.memory_space<hbm>>
      tpu.wait_dma2 semaphore(%run_scoped3A : memref<!tpu.dma_semaphore, #tpu.memory_space<semaphore_mem>>) src(%dma_wait3A_1099 : memref<3128xi32, #tpu.memory_space<hbm>>) dst(%arg6 : memref<3128xi32, #tpu.memory_space<vmem>>)
      tpu.yield
    }) : () -> ()
    %barrier3A = arith.constant 0 : index
    tpu.barrier barrier_id(%barrier3A)
    %dma_start3A = arith.constant 0 : i32
    %dma_start3A_6 = arith.constant 0 : i32
    %dma_start3A_7 = arith.constant 0 : i32
    %dma_start3A_8 = tpu.memref_slice %arg7[%dma_start3A, %dma_start3A_6, %dma_start3A_7] : memref<2x248x128xf32, #tpu.memory_space<vmem>> -> memref<1x248x128xf32, #tpu.memory_space<vmem>>
    %dma_start3A_9 = tpu.memref_squeeze %dma_start3A_8 : memref<1x248x128xf32, #tpu.memory_space<vmem>> -> memref<248x128xf32, #tpu.memory_space<vmem>>
    %dma_start3A_10 = arith.constant 0 : i32
    %dma_start3A_11 = tpu.memref_slice %arg6[%dma_start3A_10] : memref<3128xi32, #tpu.memory_space<vmem>> -> memref<248xi32, #tpu.memory_space<vmem>>
    %dma_start3A_12 = arith.constant 0 : i32
    %dma_start3A_13 = arith.constant 0 : i32
    %dma_start3A_14 = tpu.memref_slice %arg8[%dma_start3A_12, %dma_start3A_13] : memref<100x128xf32, #tpu.memory_space<vmem_shared>> -> memref<100x128xf32, #tpu.memory_space<vmem_shared>>
    tpu.enqueue_indirect_dma source(%dma_start3A_14 : memref<100x128xf32, #tpu.memory_space<vmem_shared>>) target(%dma_start3A_9 : memref<248x128xf32, #tpu.memory_space<vmem>>) offsets(%dma_start3A_11 : memref<248xi32, #tpu.memory_space<vmem>>) semaphore(%arg10 : memref<!tpu.dma_semaphore, #tpu.memory_space<semaphore_mem>>)
    %add3A_15 = arith.constant 0 : i32
    %add3A_16 = arith.addi %min3A_5, %add3A_15 : i32
    %dma_start3A_17 = arith.constant 0 : i32
    %dma_start3A_18 = arith.constant 0 : i32
    %dma_start3A_19 = arith.constant 0 : i32
    %dma_start3A_20 = tpu.memref_slice %arg9[%arg1, %dma_start3A_17, %dma_start3A_18, %dma_start3A_19] : memref<16x2x248x128xf32, #tpu.memory_space<vmem_shared>> -> memref<1x1x248x128xf32, #tpu.memory_space<vmem_shared>>
    %dma_start3A_21 = tpu.memref_squeeze %dma_start3A_20 : memref<1x1x248x128xf32, #tpu.memory_space<vmem_shared>> -> memref<248x128xf32, #tpu.memory_space<vmem_shared>>
    %dma_start3A_22 = arith.constant 0 : i32
    %dma_start3A_23 = tpu.memref_slice %arg3[%add3A_16, %dma_start3A_22] : memref<100000x128xf32, #tpu.memory_space<hbm>> -> memref<248x128xf32, #tpu.memory_space<hbm>>
    tpu.enqueue_dma source(%dma_start3A_23 : memref<248x128xf32, #tpu.memory_space<hbm>>) target(%dma_start3A_21 : memref<248x128xf32, #tpu.memory_space<vmem_shared>>) target_semaphore(%arg11 : memref<!tpu.dma_semaphore, #tpu.memory_space<semaphore_mem>>)
    %dma_wait3A = arith.constant 0 : i32
    %dma_wait3A_24 = arith.constant 0 : i32
    %dma_wait3A_25 = arith.constant 0 : i32
    %dma_wait3A_26 = tpu.memref_slice %arg7[%dma_wait3A, %dma_wait3A_24, %dma_wait3A_25] : memref<2x248x128xf32, #tpu.memory_space<vmem>> -> memref<1x248x128xf32, #tpu.memory_space<vmem>>
    %dma_wait3A_27 = tpu.memref_squeeze %dma_wait3A_26 : memref<1x248x128xf32, #tpu.memory_space<vmem>> -> memref<248x128xf32, #tpu.memory_space<vmem>>
    %dma_wait3A_28 = arith.constant 0 : i32
    %dma_wait3A_29 = tpu.memref_slice %arg6[%dma_wait3A_28] : memref<3128xi32, #tpu.memory_space<vmem>> -> memref<248xi32, #tpu.memory_space<vmem>>
    %dma_wait3A_30 = arith.constant 0 : i32
    %dma_wait3A_31 = arith.constant 0 : i32
    %dma_wait3A_32 = tpu.memref_slice %arg8[%dma_wait3A_30, %dma_wait3A_31] : memref<100x128xf32, #tpu.memory_space<vmem_shared>> -> memref<100x128xf32, #tpu.memory_space<vmem_shared>>
    tpu.wait_indirect_dma semaphore(%arg10 : memref<!tpu.dma_semaphore, #tpu.memory_space<semaphore_mem>>) src(%dma_wait3A_32 : memref<100x128xf32, #tpu.memory_space<vmem_shared>>) dst(%dma_wait3A_27 : memref<248x128xf32, #tpu.memory_space<vmem>>)
    %add3A_33 = arith.constant 0 : i32
    %add3A_34 = arith.addi %min3A_5, %add3A_33 : i32
    %dma_start3A_35 = arith.constant 0 : i32
    %dma_start3A_36 = arith.constant 0 : i32
    %dma_start3A_37 = arith.constant 0 : i32
    %dma_start3A_38 = tpu.memref_slice %arg7[%dma_start3A_35, %dma_start3A_36, %dma_start3A_37] : memref<2x248x128xf32, #tpu.memory_space<vmem>> -> memref<1x248x128xf32, #tpu.memory_space<vmem>>
    %dma_start3A_39 = tpu.memref_squeeze %dma_start3A_38 : memref<1x248x128xf32, #tpu.memory_space<vmem>> -> memref<248x128xf32, #tpu.memory_space<vmem>>
    %dma_start3A_40 = arith.constant 0 : i32
    %dma_start3A_41 = tpu.memref_slice %arg5[%add3A_34, %dma_start3A_40] : memref<100000x256xf32, #tpu.memory_space<hbm>> -> memref<248x128xf32, #tpu.memory_space<hbm>>
    %dma_start3A_42 = arith.constant 0 : i32
    %dma_start3A_43 = tpu.memref_slice %arg5[%add3A_34, %dma_start3A_42] : memref<100000x256xf32, #tpu.memory_space<hbm>> -> memref<248x128xf32, #tpu.memory_space<hbm>>
    %dma_start3A_44 = arith.constant 0 : i32
    %dma_start3A_45 = arith.constant 0 : i32
    %dma_start3A_46 = tpu.memref_slice %arg7[%dma_start3A_35, %dma_start3A_44, %dma_start3A_45] : memref<2x248x128xf32, #tpu.memory_space<vmem>> -> memref<1x248x128xf32, #tpu.memory_space<vmem>>
    %dma_start3A_47 = tpu.memref_squeeze %dma_start3A_46 : memref<1x248x128xf32, #tpu.memory_space<vmem>> -> memref<248x128xf32, #tpu.memory_space<vmem>>
    tpu.enqueue_dma source(%dma_start3A_47 : memref<248x128xf32, #tpu.memory_space<vmem>>) target(%dma_start3A_43 : memref<248x128xf32, #tpu.memory_space<hbm>>) target_semaphore(%arg12 : memref<!tpu.dma_semaphore, #tpu.memory_space<semaphore_mem>>)
    %dma_wait3A_48 = arith.constant 0 : i32
    %dma_wait3A_49 = arith.constant 0 : i32
    %dma_wait3A_50 = arith.constant 0 : i32
    %dma_wait3A_51 = tpu.memref_slice %arg9[%arg1, %dma_wait3A_48, %dma_wait3A_49, %dma_wait3A_50] : memref<16x2x248x128xf32, #tpu.memory_space<vmem_shared>> -> memref<1x1x248x128xf32, #tpu.memory_space<vmem_shared>>
    %dma_wait3A_52 = tpu.memref_squeeze %dma_wait3A_51 : memref<1x1x248x128xf32, #tpu.memory_space<vmem_shared>> -> memref<248x128xf32, #tpu.memory_space<vmem_shared>>
    %dma_wait3A_53 = arith.constant 0 : i32
    %dma_wait3A_54 = tpu.memref_slice %arg3[%add3A_16, %dma_wait3A_53] : memref<100000x128xf32, #tpu.memory_space<hbm>> -> memref<248x128xf32, #tpu.memory_space<hbm>>
    tpu.wait_dma2 semaphore(%arg11 : memref<!tpu.dma_semaphore, #tpu.memory_space<semaphore_mem>>) src(%dma_wait3A_54 : memref<248x128xf32, #tpu.memory_space<hbm>>) dst(%dma_wait3A_52 : memref<248x128xf32, #tpu.memory_space<vmem_shared>>)
    %add3A_55 = arith.constant 0 : i32
    %add3A_56 = arith.addi %min3A_5, %add3A_55 : i32
    %dma_start3A_57 = arith.constant 0 : i32
    %dma_start3A_58 = arith.constant 128 : i32
    %dma_start3A_59 = tpu.memref_slice %arg5[%add3A_56, %dma_start3A_58] : memref<100000x256xf32, #tpu.memory_space<hbm>> -> memref<248x128xf32, #tpu.memory_space<hbm>>
    %dma_start3A_60 = arith.constant 0 : i32
    %dma_start3A_61 = arith.constant 0 : i32
    %dma_start3A_62 = tpu.memref_slice %arg9[%arg1, %dma_start3A_57, %dma_start3A_60, %dma_start3A_61] : memref<16x2x248x128xf32, #tpu.memory_space<vmem_shared>> -> memref<1x1x248x128xf32, #tpu.memory_space<vmem_shared>>
    %dma_start3A_63 = tpu.memref_squeeze %dma_start3A_62 : memref<1x1x248x128xf32, #tpu.memory_space<vmem_shared>> -> memref<248x128xf32, #tpu.memory_space<vmem_shared>>
    tpu.enqueue_dma source(%dma_start3A_63 : memref<248x128xf32, #tpu.memory_space<vmem_shared>>) target(%dma_start3A_59 : memref<248x128xf32, #tpu.memory_space<hbm>>) target_semaphore(%arg14 : memref<!tpu.dma_semaphore, #tpu.memory_space<semaphore_mem>>)
    %dma_start3A_64 = arith.constant 1 : i32
    %dma_start3A_65 = arith.constant 0 : i32
    %dma_start3A_66 = arith.constant 0 : i32
    %dma_start3A_67 = tpu.memref_slice %arg7[%dma_start3A_64, %dma_start3A_65, %dma_start3A_66] : memref<2x248x128xf32, #tpu.memory_space<vmem>> -> memref<1x248x128xf32, #tpu.memory_space<vmem>>
    %dma_start3A_68 = tpu.memref_squeeze %dma_start3A_67 : memref<1x248x128xf32, #tpu.memory_space<vmem>> -> memref<248x128xf32, #tpu.memory_space<vmem>>
    %dma_start3A_69 = arith.constant 248 : i32
    %dma_start3A_70 = tpu.memref_slice %arg6[%dma_start3A_69] : memref<3128xi32, #tpu.memory_space<vmem>> -> memref<248xi32, #tpu.memory_space<vmem>>
    %dma_start3A_71 = arith.constant 0 : i32
    %dma_start3A_72 = arith.constant 0 : i32
    %dma_start3A_73 = tpu.memref_slice %arg8[%dma_start3A_71, %dma_start3A_72] : memref<100x128xf32, #tpu.memory_space<vmem_shared>> -> memref<100x128xf32, #tpu.memory_space<vmem_shared>>
    tpu.enqueue_indirect_dma source(%dma_start3A_73 : memref<100x128xf32, #tpu.memory_space<vmem_shared>>) target(%dma_start3A_68 : memref<248x128xf32, #tpu.memory_space<vmem>>) offsets(%dma_start3A_70 : memref<248xi32, #tpu.memory_space<vmem>>) semaphore(%arg10 : memref<!tpu.dma_semaphore, #tpu.memory_space<semaphore_mem>>)
    %add3A_74 = arith.constant 248 : i32
    %add3A_75 = arith.addi %min3A_5, %add3A_74 : i32
    %dma_start3A_76 = arith.constant 1 : i32
    %dma_start3A_77 = arith.constant 0 : i32
    %dma_start3A_78 = arith.constant 0 : i32
    %dma_start3A_79 = tpu.memref_slice %arg9[%arg1, %dma_start3A_76, %dma_start3A_77, %dma_start3A_78] : memref<16x2x248x128xf32, #tpu.memory_space<vmem_shared>> -> memref<1x1x248x128xf32, #tpu.memory_space<vmem_shared>>
    %dma_start3A_80 = tpu.memref_squeeze %dma_start3A_79 : memref<1x1x248x128xf32, #tpu.memory_space<vmem_shared>> -> memref<248x128xf32, #tpu.memory_space<vmem_shared>>
    %dma_start3A_81 = arith.constant 0 : i32
    %dma_start3A_82 = tpu.memref_slice %arg3[%add3A_75, %dma_start3A_81] : memref<100000x128xf32, #tpu.memory_space<hbm>> -> memref<248x128xf32, #tpu.memory_space<hbm>>
    tpu.enqueue_dma source(%dma_start3A_82 : memref<248x128xf32, #tpu.memory_space<hbm>>) target(%dma_start3A_80 : memref<248x128xf32, #tpu.memory_space<vmem_shared>>) target_semaphore(%arg11 : memref<!tpu.dma_semaphore, #tpu.memory_space<semaphore_mem>>)
    %dma_wait3A_83 = arith.constant 1 : i32
    %dma_wait3A_84 = arith.constant 0 : i32
    %dma_wait3A_85 = arith.constant 0 : i32
    %dma_wait3A_86 = tpu.memref_slice %arg7[%dma_wait3A_83, %dma_wait3A_84, %dma_wait3A_85] : memref<2x248x128xf32, #tpu.memory_space<vmem>> -> memref<1x248x128xf32, #tpu.memory_space<vmem>>
    %dma_wait3A_87 = tpu.memref_squeeze %dma_wait3A_86 : memref<1x248x128xf32, #tpu.memory_space<vmem>> -> memref<248x128xf32, #tpu.memory_space<vmem>>
    %dma_wait3A_88 = arith.constant 248 : i32
    %dma_wait3A_89 = tpu.memref_slice %arg6[%dma_wait3A_88] : memref<3128xi32, #tpu.memory_space<vmem>> -> memref<248xi32, #tpu.memory_space<vmem>>
    %dma_wait3A_90 = arith.constant 0 : i32
    %dma_wait3A_91 = arith.constant 0 : i32
    %dma_wait3A_92 = tpu.memref_slice %arg8[%dma_wait3A_90, %dma_wait3A_91] : memref<100x128xf32, #tpu.memory_space<vmem_shared>> -> memref<100x128xf32, #tpu.memory_space<vmem_shared>>
    tpu.wait_indirect_dma semaphore(%arg10 : memref<!tpu.dma_semaphore, #tpu.memory_space<semaphore_mem>>) src(%dma_wait3A_92 : memref<100x128xf32, #tpu.memory_space<vmem_shared>>) dst(%dma_wait3A_87 : memref<248x128xf32, #tpu.memory_space<vmem>>)
    %add3A_93 = arith.constant 248 : i32
    %add3A_94 = arith.addi %min3A_5, %add3A_93 : i32
    %dma_start3A_95 = arith.constant 1 : i32
    %dma_start3A_96 = arith.constant 0 : i32
    %dma_start3A_97 = arith.constant 0 : i32
    %dma_start3A_98 = tpu.memref_slice %arg7[%dma_start3A_95, %dma_start3A_96, %dma_start3A_97] : memref<2x248x128xf32, #tpu.memory_space<vmem>> -> memref<1x248x128xf32, #tpu.memory_space<vmem>>
    %dma_start3A_99 = tpu.memref_squeeze %dma_start3A_98 : memref<1x248x128xf32, #tpu.memory_space<vmem>> -> memref<248x128xf32, #tpu.memory_space<vmem>>
    %dma_start3A_100 = arith.constant 0 : i32
    %dma_start3A_101 = tpu.memref_slice %arg5[%add3A_94, %dma_start3A_100] : memref<100000x256xf32, #tpu.memory_space<hbm>> -> memref<248x128xf32, #tpu.memory_space<hbm>>
    %dma_start3A_102 = arith.constant 0 : i32
    %dma_start3A_103 = tpu.memref_slice %arg5[%add3A_94, %dma_start3A_102] : memref<100000x256xf32, #tpu.memory_space<hbm>> -> memref<248x128xf32, #tpu.memory_space<hbm>>
    %dma_start3A_104 = arith.constant 0 : i32
    %dma_start3A_105 = arith.constant 0 : i32
    %dma_start3A_106 = tpu.memref_slice %arg7[%dma_start3A_95, %dma_start3A_104, %dma_start3A_105] : memref<2x248x128xf32, #tpu.memory_space<vmem>> -> memref<1x248x128xf32, #tpu.memory_space<vmem>>
    %dma_start3A_107 = tpu.memref_squeeze %dma_start3A_106 : memref<1x248x128xf32, #tpu.memory_space<vmem>> -> memref<248x128xf32, #tpu.memory_space<vmem>>
    tpu.enqueue_dma source(%dma_start3A_107 : memref<248x128xf32, #tpu.memory_space<vmem>>) target(%dma_start3A_103 : memref<248x128xf32, #tpu.memory_space<hbm>>) target_semaphore(%arg13 : memref<!tpu.dma_semaphore, #tpu.memory_space<semaphore_mem>>)
    %dma_wait3A_108 = arith.constant 1 : i32
    %dma_wait3A_109 = arith.constant 0 : i32
    %dma_wait3A_110 = arith.constant 0 : i32
    %dma_wait3A_111 = tpu.memref_slice %arg9[%arg1, %dma_wait3A_108, %dma_wait3A_109, %dma_wait3A_110] : memref<16x2x248x128xf32, #tpu.memory_space<vmem_shared>> -> memref<1x1x248x128xf32, #tpu.memory_space<vmem_shared>>
    %dma_wait3A_112 = tpu.memref_squeeze %dma_wait3A_111 : memref<1x1x248x128xf32, #tpu.memory_space<vmem_shared>> -> memref<248x128xf32, #tpu.memory_space<vmem_shared>>
    %dma_wait3A_113 = arith.constant 0 : i32
    %dma_wait3A_114 = tpu.memref_slice %arg3[%add3A_75, %dma_wait3A_113] : memref<100000x128xf32, #tpu.memory_space<hbm>> -> memref<248x128xf32, #tpu.memory_space<hbm>>
    tpu.wait_dma2 semaphore(%arg11 : memref<!tpu.dma_semaphore, #tpu.memory_space<semaphore_mem>>) src(%dma_wait3A_114 : memref<248x128xf32, #tpu.memory_space<hbm>>) dst(%dma_wait3A_112 : memref<248x128xf32, #tpu.memory_space<vmem_shared>>)
    %add3A_115 = arith.constant 248 : i32
    %add3A_116 = arith.addi %min3A_5, %add3A_115 : i32
    %dma_start3A_117 = arith.constant 1 : i32
    %dma_start3A_118 = arith.constant 128 : i32
    %dma_start3A_119 = tpu.memref_slice %arg5[%add3A_116, %dma_start3A_118] : memref<100000x256xf32, #tpu.memory_space<hbm>> -> memref<248x128xf32, #tpu.memory_space<hbm>>
    %dma_start3A_120 = arith.constant 0 : i32
    %dma_start3A_121 = arith.constant 0 : i32
    %dma_start3A_122 = tpu.memref_slice %arg9[%arg1, %dma_start3A_117, %dma_start3A_120, %dma_start3A_121] : memref<16x2x248x128xf32, #tpu.memory_space<vmem_shared>> -> memref<1x1x248x128xf32, #tpu.memory_space<vmem_shared>>
    %dma_start3A_123 = tpu.memref_squeeze %dma_start3A_122 : memref<1x1x248x128xf32, #tpu.memory_space<vmem_shared>> -> memref<248x128xf32, #tpu.memory_space<vmem_shared>>
    tpu.enqueue_dma source(%dma_start3A_123 : memref<248x128xf32, #tpu.memory_space<vmem_shared>>) target(%dma_start3A_119 : memref<248x128xf32, #tpu.memory_space<hbm>>) target_semaphore(%arg15 : memref<!tpu.dma_semaphore, #tpu.memory_space<semaphore_mem>>)
    %add3A_124 = arith.constant 0 : i32
    %add3A_125 = arith.addi %min3A_5, %add3A_124 : i32
    %dma_wait3A_126 = arith.constant 0 : i32
    %dma_wait3A_127 = arith.constant 0 : i32
    %dma_wait3A_128 = arith.constant 0 : i32
    %dma_wait3A_129 = tpu.memref_slice %arg7[%dma_wait3A_126, %dma_wait3A_127, %dma_wait3A_128] : memref<2x248x128xf32, #tpu.memory_space<vmem>> -> memref<1x248x128xf32, #tpu.memory_space<vmem>>
    %dma_wait3A_130 = tpu.memref_squeeze %dma_wait3A_129 : memref<1x248x128xf32, #tpu.memory_space<vmem>> -> memref<248x128xf32, #tpu.memory_space<vmem>>
    %dma_wait3A_131 = arith.constant 0 : i32
    %dma_wait3A_132 = tpu.memref_slice %arg5[%add3A_125, %dma_wait3A_131] : memref<100000x256xf32, #tpu.memory_space<hbm>> -> memref<248x128xf32, #tpu.memory_space<hbm>>
    %dma_wait3A_133 = arith.constant 0 : i32
    %dma_wait3A_134 = tpu.memref_slice %arg5[%add3A_125, %dma_wait3A_133] : memref<100000x256xf32, #tpu.memory_space<hbm>> -> memref<248x128xf32, #tpu.memory_space<hbm>>
    %dma_wait3A_135 = arith.constant 0 : i32
    %dma_wait3A_136 = arith.constant 0 : i32
    %dma_wait3A_137 = tpu.memref_slice %arg7[%dma_wait3A_126, %dma_wait3A_135, %dma_wait3A_136] : memref<2x248x128xf32, #tpu.memory_space<vmem>> -> memref<1x248x128xf32, #tpu.memory_space<vmem>>
    %dma_wait3A_138 = tpu.memref_squeeze %dma_wait3A_137 : memref<1x248x128xf32, #tpu.memory_space<vmem>> -> memref<248x128xf32, #tpu.memory_space<vmem>>
    tpu.wait_dma2 semaphore(%arg12 : memref<!tpu.dma_semaphore, #tpu.memory_space<semaphore_mem>>) src(%dma_wait3A_138 : memref<248x128xf32, #tpu.memory_space<vmem>>) dst(%dma_wait3A_134 : memref<248x128xf32, #tpu.memory_space<hbm>>)
    %add3A_139 = arith.constant 0 : i32
    %add3A_140 = arith.addi %min3A_5, %add3A_139 : i32
    %dma_wait3A_141 = arith.constant 0 : i32
    %dma_wait3A_142 = arith.constant 128 : i32
    %dma_wait3A_143 = tpu.memref_slice %arg5[%add3A_140, %dma_wait3A_142] : memref<100000x256xf32, #tpu.memory_space<hbm>> -> memref<248x128xf32, #tpu.memory_space<hbm>>
    %dma_wait3A_144 = arith.constant 0 : i32
    %dma_wait3A_145 = arith.constant 0 : i32
    %dma_wait3A_146 = tpu.memref_slice %arg9[%arg1, %dma_wait3A_141, %dma_wait3A_144, %dma_wait3A_145] : memref<16x2x248x128xf32, #tpu.memory_space<vmem_shared>> -> memref<1x1x248x128xf32, #tpu.memory_space<vmem_shared>>
    %dma_wait3A_147 = tpu.memref_squeeze %dma_wait3A_146 : memref<1x1x248x128xf32, #tpu.memory_space<vmem_shared>> -> memref<248x128xf32, #tpu.memory_space<vmem_shared>>
    tpu.wait_dma2 semaphore(%arg14 : memref<!tpu.dma_semaphore, #tpu.memory_space<semaphore_mem>>) src(%dma_wait3A_147 : memref<248x128xf32, #tpu.memory_space<vmem_shared>>) dst(%dma_wait3A_143 : memref<248x128xf32, #tpu.memory_space<hbm>>)
    %dma_start3A_148 = arith.constant 0 : i32
    %dma_start3A_149 = arith.constant 0 : i32
    %dma_start3A_150 = arith.constant 0 : i32
    %dma_start3A_151 = tpu.memref_slice %arg7[%dma_start3A_148, %dma_start3A_149, %dma_start3A_150] : memref<2x248x128xf32, #tpu.memory_space<vmem>> -> memref<1x248x128xf32, #tpu.memory_space<vmem>>
    %dma_start3A_152 = tpu.memref_squeeze %dma_start3A_151 : memref<1x248x128xf32, #tpu.memory_space<vmem>> -> memref<248x128xf32, #tpu.memory_space<vmem>>
    %dma_start3A_153 = arith.constant 496 : i32
    %dma_start3A_154 = tpu.memref_slice %arg6[%dma_start3A_153] : memref<3128xi32, #tpu.memory_space<vmem>> -> memref<248xi32, #tpu.memory_space<vmem>>
    %dma_start3A_155 = arith.constant 0 : i32
    %dma_start3A_156 = arith.constant 0 : i32
    %dma_start3A_157 = tpu.memref_slice %arg8[%dma_start3A_155, %dma_start3A_156] : memref<100x128xf32, #tpu.memory_space<vmem_shared>> -> memref<100x128xf32, #tpu.memory_space<vmem_shared>>
    tpu.enqueue_indirect_dma source(%dma_start3A_157 : memref<100x128xf32, #tpu.memory_space<vmem_shared>>) target(%dma_start3A_152 : memref<248x128xf32, #tpu.memory_space<vmem>>) offsets(%dma_start3A_154 : memref<248xi32, #tpu.memory_space<vmem>>) semaphore(%arg10 : memref<!tpu.dma_semaphore, #tpu.memory_space<semaphore_mem>>)
    %add3A_158 = arith.constant 496 : i32
    %add3A_159 = arith.addi %min3A_5, %add3A_158 : i32
    %dma_start3A_160 = arith.constant 0 : i32
    %dma_start3A_161 = arith.constant 0 : i32
    %dma_start3A_162 = arith.constant 0 : i32
    %dma_start3A_163 = tpu.memref_slice %arg9[%arg1, %dma_start3A_160, %dma_start3A_161, %dma_start3A_162] : memref<16x2x248x128xf32, #tpu.memory_space<vmem_shared>> -> memref<1x1x248x128xf32, #tpu.memory_space<vmem_shared>>
    %dma_start3A_164 = tpu.memref_squeeze %dma_start3A_163 : memref<1x1x248x128xf32, #tpu.memory_space<vmem_shared>> -> memref<248x128xf32, #tpu.memory_space<vmem_shared>>
    %dma_start3A_165 = arith.constant 0 : i32
    %dma_start3A_166 = tpu.memref_slice %arg3[%add3A_159, %dma_start3A_165] : memref<100000x128xf32, #tpu.memory_space<hbm>> -> memref<248x128xf32, #tpu.memory_space<hbm>>
    tpu.enqueue_dma source(%dma_start3A_166 : memref<248x128xf32, #tpu.memory_space<hbm>>) target(%dma_start3A_164 : memref<248x128xf32, #tpu.memory_space<vmem_shared>>) target_semaphore(%arg11 : memref<!tpu.dma_semaphore, #tpu.memory_space<semaphore_mem>>)
    %dma_wait3A_167 = arith.constant 0 : i32
    %dma_wait3A_168 = arith.constant 0 : i32
    %dma_wait3A_169 = arith.constant 0 : i32
    %dma_wait3A_170 = tpu.memref_slice %arg7[%dma_wait3A_167, %dma_wait3A_168, %dma_wait3A_169] : memref<2x248x128xf32, #tpu.memory_space<vmem>> -> memref<1x248x128xf32, #tpu.memory_space<vmem>>
    %dma_wait3A_171 = tpu.memref_squeeze %dma_wait3A_170 : memref<1x248x128xf32, #tpu.memory_space<vmem>> -> memref<248x128xf32, #tpu.memory_space<vmem>>
    %dma_wait3A_172 = arith.constant 496 : i32
    %dma_wait3A_173 = tpu.memref_slice %arg6[%dma_wait3A_172] : memref<3128xi32, #tpu.memory_space<vmem>> -> memref<248xi32, #tpu.memory_space<vmem>>
    %dma_wait3A_174 = arith.constant 0 : i32
    %dma_wait3A_175 = arith.constant 0 : i32
    %dma_wait3A_176 = tpu.memref_slice %arg8[%dma_wait3A_174, %dma_wait3A_175] : memref<100x128xf32, #tpu.memory_space<vmem_shared>> -> memref<100x128xf32, #tpu.memory_space<vmem_shared>>
    tpu.wait_indirect_dma semaphore(%arg10 : memref<!tpu.dma_semaphore, #tpu.memory_space<semaphore_mem>>) src(%dma_wait3A_176 : memref<100x128xf32, #tpu.memory_space<vmem_shared>>) dst(%dma_wait3A_171 : memref<248x128xf32, #tpu.memory_space<vmem>>)
    %add3A_177 = arith.constant 496 : i32
    %add3A_178 = arith.addi %min3A_5, %add3A_177 : i32
    %dma_start3A_179 = arith.constant 0 : i32
    %dma_start3A_180 = arith.constant 0 : i32
    %dma_start3A_181 = arith.constant 0 : i32
    %dma_start3A_182 = tpu.memref_slice %arg7[%dma_start3A_179, %dma_start3A_180, %dma_start3A_181] : memref<2x248x128xf32, #tpu.memory_space<vmem>> -> memref<1x248x128xf32, #tpu.memory_space<vmem>>
    %dma_start3A_183 = tpu.memref_squeeze %dma_start3A_182 : memref<1x248x128xf32, #tpu.memory_space<vmem>> -> memref<248x128xf32, #tpu.memory_space<vmem>>
    %dma_start3A_184 = arith.constant 0 : i32
    %dma_start3A_185 = tpu.memref_slice %arg5[%add3A_178, %dma_start3A_184] : memref<100000x256xf32, #tpu.memory_space<hbm>> -> memref<248x128xf32, #tpu.memory_space<hbm>>
    %dma_start3A_186 = arith.constant 0 : i32
    %dma_start3A_187 = tpu.memref_slice %arg5[%add3A_178, %dma_start3A_186] : memref<100000x256xf32, #tpu.memory_space<hbm>> -> memref<248x128xf32, #tpu.memory_space<hbm>>
    %dma_start3A_188 = arith.constant 0 : i32
    %dma_start3A_189 = arith.constant 0 : i32
    %dma_start3A_190 = tpu.memref_slice %arg7[%dma_start3A_179, %dma_start3A_188, %dma_start3A_189] : memref<2x248x128xf32, #tpu.memory_space<vmem>> -> memref<1x248x128xf32, #tpu.memory_space<vmem>>
    %dma_start3A_191 = tpu.memref_squeeze %dma_start3A_190 : memref<1x248x128xf32, #tpu.memory_space<vmem>> -> memref<248x128xf32, #tpu.memory_space<vmem>>
    tpu.enqueue_dma source(%dma_start3A_191 : memref<248x128xf32, #tpu.memory_space<vmem>>) target(%dma_start3A_187 : memref<248x128xf32, #tpu.memory_space<hbm>>) target_semaphore(%arg12 : memref<!tpu.dma_semaphore, #tpu.memory_space<semaphore_mem>>)
    %dma_wait3A_192 = arith.constant 0 : i32
    %dma_wait3A_193 = arith.constant 0 : i32
    %dma_wait3A_194 = arith.constant 0 : i32
    %dma_wait3A_195 = tpu.memref_slice %arg9[%arg1, %dma_wait3A_192, %dma_wait3A_193, %dma_wait3A_194] : memref<16x2x248x128xf32, #tpu.memory_space<vmem_shared>> -> memref<1x1x248x128xf32, #tpu.memory_space<vmem_shared>>
    %dma_wait3A_196 = tpu.memref_squeeze %dma_wait3A_195 : memref<1x1x248x128xf32, #tpu.memory_space<vmem_shared>> -> memref<248x128xf32, #tpu.memory_space<vmem_shared>>
    %dma_wait3A_197 = arith.constant 0 : i32
    %dma_wait3A_198 = tpu.memref_slice %arg3[%add3A_159, %dma_wait3A_197] : memref<100000x128xf32, #tpu.memory_space<hbm>> -> memref<248x128xf32, #tpu.memory_space<hbm>>
    tpu.wait_dma2 semaphore(%arg11 : memref<!tpu.dma_semaphore, #tpu.memory_space<semaphore_mem>>) src(%dma_wait3A_198 : memref<248x128xf32, #tpu.memory_space<hbm>>) dst(%dma_wait3A_196 : memref<248x128xf32, #tpu.memory_space<vmem_shared>>)
    %add3A_199 = arith.constant 496 : i32
    %add3A_200 = arith.addi %min3A_5, %add3A_199 : i32
    %dma_start3A_201 = arith.constant 0 : i32
    %dma_start3A_202 = arith.constant 128 : i32
    %dma_start3A_203 = tpu.memref_slice %arg5[%add3A_200, %dma_start3A_202] : memref<100000x256xf32, #tpu.memory_space<hbm>> -> memref<248x128xf32, #tpu.memory_space<hbm>>
    %dma_start3A_204 = arith.constant 0 : i32
    %dma_start3A_205 = arith.constant 0 : i32
    %dma_start3A_206 = tpu.memref_slice %arg9[%arg1, %dma_start3A_201, %dma_start3A_204, %dma_start3A_205] : memref<16x2x248x128xf32, #tpu.memory_space<vmem_shared>> -> memref<1x1x248x128xf32, #tpu.memory_space<vmem_shared>>
    %dma_start3A_207 = tpu.memref_squeeze %dma_start3A_206 : memref<1x1x248x128xf32, #tpu.memory_space<vmem_shared>> -> memref<248x128xf32, #tpu.memory_space<vmem_shared>>
    tpu.enqueue_dma source(%dma_start3A_207 : memref<248x128xf32, #tpu.memory_space<vmem_shared>>) target(%dma_start3A_203 : memref<248x128xf32, #tpu.memory_space<hbm>>) target_semaphore(%arg14 : memref<!tpu.dma_semaphore, #tpu.memory_space<semaphore_mem>>)
    %add3A_208 = arith.constant 248 : i32
    %add3A_209 = arith.addi %min3A_5, %add3A_208 : i32
    %dma_wait3A_210 = arith.constant 1 : i32
    %dma_wait3A_211 = arith.constant 0 : i32
    %dma_wait3A_212 = arith.constant 0 : i32
    %dma_wait3A_213 = tpu.memref_slice %arg7[%dma_wait3A_210, %dma_wait3A_211, %dma_wait3A_212] : memref<2x248x128xf32, #tpu.memory_space<vmem>> -> memref<1x248x128xf32, #tpu.memory_space<vmem>>
    %dma_wait3A_214 = tpu.memref_squeeze %dma_wait3A_213 : memref<1x248x128xf32, #tpu.memory_space<vmem>> -> memref<248x128xf32, #tpu.memory_space<vmem>>
    %dma_wait3A_215 = arith.constant 0 : i32
    %dma_wait3A_216 = tpu.memref_slice %arg5[%add3A_209, %dma_wait3A_215] : memref<100000x256xf32, #tpu.memory_space<hbm>> -> memref<248x128xf32, #tpu.memory_space<hbm>>
    %dma_wait3A_217 = arith.constant 0 : i32
    %dma_wait3A_218 = tpu.memref_slice %arg5[%add3A_209, %dma_wait3A_217] : memref<100000x256xf32, #tpu.memory_space<hbm>> -> memref<248x128xf32, #tpu.memory_space<hbm>>
    %dma_wait3A_219 = arith.constant 0 : i32
    %dma_wait3A_220 = arith.constant 0 : i32
    %dma_wait3A_221 = tpu.memref_slice %arg7[%dma_wait3A_210, %dma_wait3A_219, %dma_wait3A_220] : memref<2x248x128xf32, #tpu.memory_space<vmem>> -> memref<1x248x128xf32, #tpu.memory_space<vmem>>
    %dma_wait3A_222 = tpu.memref_squeeze %dma_wait3A_221 : memref<1x248x128xf32, #tpu.memory_space<vmem>> -> memref<248x128xf32, #tpu.memory_space<vmem>>
    tpu.wait_dma2 semaphore(%arg13 : memref<!tpu.dma_semaphore, #tpu.memory_space<semaphore_mem>>) src(%dma_wait3A_222 : memref<248x128xf32, #tpu.memory_space<vmem>>) dst(%dma_wait3A_218 : memref<248x128xf32, #tpu.memory_space<hbm>>)
    %add3A_223 = arith.constant 248 : i32
    %add3A_224 = arith.addi %min3A_5, %add3A_223 : i32
    %dma_wait3A_225 = arith.constant 1 : i32
    %dma_wait3A_226 = arith.constant 128 : i32
    %dma_wait3A_227 = tpu.memref_slice %arg5[%add3A_224, %dma_wait3A_226] : memref<100000x256xf32, #tpu.memory_space<hbm>> -> memref<248x128xf32, #tpu.memory_space<hbm>>
    %dma_wait3A_228 = arith.constant 0 : i32
    %dma_wait3A_229 = arith.constant 0 : i32
    %dma_wait3A_230 = tpu.memref_slice %arg9[%arg1, %dma_wait3A_225, %dma_wait3A_228, %dma_wait3A_229] : memref<16x2x248x128xf32, #tpu.memory_space<vmem_shared>> -> memref<1x1x248x128xf32, #tpu.memory_space<vmem_shared>>
    %dma_wait3A_231 = tpu.memref_squeeze %dma_wait3A_230 : memref<1x1x248x128xf32, #tpu.memory_space<vmem_shared>> -> memref<248x128xf32, #tpu.memory_space<vmem_shared>>
    tpu.wait_dma2 semaphore(%arg15 : memref<!tpu.dma_semaphore, #tpu.memory_space<semaphore_mem>>) src(%dma_wait3A_231 : memref<248x128xf32, #tpu.memory_space<vmem_shared>>) dst(%dma_wait3A_227 : memref<248x128xf32, #tpu.memory_space<hbm>>)
    %dma_start3A_232 = arith.constant 1 : i32
    %dma_start3A_233 = arith.constant 0 : i32
    %dma_start3A_234 = arith.constant 0 : i32
    %dma_start3A_235 = tpu.memref_slice %arg7[%dma_start3A_232, %dma_start3A_233, %dma_start3A_234] : memref<2x248x128xf32, #tpu.memory_space<vmem>> -> memref<1x248x128xf32, #tpu.memory_space<vmem>>
    %dma_start3A_236 = tpu.memref_squeeze %dma_start3A_235 : memref<1x248x128xf32, #tpu.memory_space<vmem>> -> memref<248x128xf32, #tpu.memory_space<vmem>>
    %dma_start3A_237 = arith.constant 744 : i32
    %dma_start3A_238 = tpu.memref_slice %arg6[%dma_start3A_237] : memref<3128xi32, #tpu.memory_space<vmem>> -> memref<248xi32, #tpu.memory_space<vmem>>
    %dma_start3A_239 = arith.constant 0 : i32
    %dma_start3A_240 = arith.constant 0 : i32
    %dma_start3A_241 = tpu.memref_slice %arg8[%dma_start3A_239, %dma_start3A_240] : memref<100x128xf32, #tpu.memory_space<vmem_shared>> -> memref<100x128xf32, #tpu.memory_space<vmem_shared>>
    tpu.enqueue_indirect_dma source(%dma_start3A_241 : memref<100x128xf32, #tpu.memory_space<vmem_shared>>) target(%dma_start3A_236 : memref<248x128xf32, #tpu.memory_space<vmem>>) offsets(%dma_start3A_238 : memref<248xi32, #tpu.memory_space<vmem>>) semaphore(%arg10 : memref<!tpu.dma_semaphore, #tpu.memory_space<semaphore_mem>>)
    %add3A_242 = arith.constant 744 : i32
    %add3A_243 = arith.addi %min3A_5, %add3A_242 : i32
    %dma_start3A_244 = arith.constant 1 : i32
    %dma_start3A_245 = arith.constant 0 : i32
    %dma_start3A_246 = arith.constant 0 : i32
    %dma_start3A_247 = tpu.memref_slice %arg9[%arg1, %dma_start3A_244, %dma_start3A_245, %dma_start3A_246] : memref<16x2x248x128xf32, #tpu.memory_space<vmem_shared>> -> memref<1x1x248x128xf32, #tpu.memory_space<vmem_shared>>
    %dma_start3A_248 = tpu.memref_squeeze %dma_start3A_247 : memref<1x1x248x128xf32, #tpu.memory_space<vmem_shared>> -> memref<248x128xf32, #tpu.memory_space<vmem_shared>>
    %dma_start3A_249 = arith.constant 0 : i32
    %dma_start3A_250 = tpu.memref_slice %arg3[%add3A_243, %dma_start3A_249] : memref<100000x128xf32, #tpu.memory_space<hbm>> -> memref<248x128xf32, #tpu.memory_space<hbm>>
    tpu.enqueue_dma source(%dma_start3A_250 : memref<248x128xf32, #tpu.memory_space<hbm>>) target(%dma_start3A_248 : memref<248x128xf32, #tpu.memory_space<vmem_shared>>) target_semaphore(%arg11 : memref<!tpu.dma_semaphore, #tpu.memory_space<semaphore_mem>>)
    %dma_wait3A_251 = arith.constant 1 : i32
    %dma_wait3A_252 = arith.constant 0 : i32
    %dma_wait3A_253 = arith.constant 0 : i32
    %dma_wait3A_254 = tpu.memref_slice %arg7[%dma_wait3A_251, %dma_wait3A_252, %dma_wait3A_253] : memref<2x248x128xf32, #tpu.memory_space<vmem>> -> memref<1x248x128xf32, #tpu.memory_space<vmem>>
    %dma_wait3A_255 = tpu.memref_squeeze %dma_wait3A_254 : memref<1x248x128xf32, #tpu.memory_space<vmem>> -> memref<248x128xf32, #tpu.memory_space<vmem>>
    %dma_wait3A_256 = arith.constant 744 : i32
    %dma_wait3A_257 = tpu.memref_slice %arg6[%dma_wait3A_256] : memref<3128xi32, #tpu.memory_space<vmem>> -> memref<248xi32, #tpu.memory_space<vmem>>
    %dma_wait3A_258 = arith.constant 0 : i32
    %dma_wait3A_259 = arith.constant 0 : i32
    %dma_wait3A_260 = tpu.memref_slice %arg8[%dma_wait3A_258, %dma_wait3A_259] : memref<100x128xf32, #tpu.memory_space<vmem_shared>> -> memref<100x128xf32, #tpu.memory_space<vmem_shared>>
    tpu.wait_indirect_dma semaphore(%arg10 : memref<!tpu.dma_semaphore, #tpu.memory_space<semaphore_mem>>) src(%dma_wait3A_260 : memref<100x128xf32, #tpu.memory_space<vmem_shared>>) dst(%dma_wait3A_255 : memref<248x128xf32, #tpu.memory_space<vmem>>)
    %add3A_261 = arith.constant 744 : i32
    %add3A_262 = arith.addi %min3A_5, %add3A_261 : i32
    %dma_start3A_263 = arith.constant 1 : i32
    %dma_start3A_264 = arith.constant 0 : i32
    %dma_start3A_265 = arith.constant 0 : i32
    %dma_start3A_266 = tpu.memref_slice %arg7[%dma_start3A_263, %dma_start3A_264, %dma_start3A_265] : memref<2x248x128xf32, #tpu.memory_space<vmem>> -> memref<1x248x128xf32, #tpu.memory_space<vmem>>
    %dma_start3A_267 = tpu.memref_squeeze %dma_start3A_266 : memref<1x248x128xf32, #tpu.memory_space<vmem>> -> memref<248x128xf32, #tpu.memory_space<vmem>>
    %dma_start3A_268 = arith.constant 0 : i32
    %dma_start3A_269 = tpu.memref_slice %arg5[%add3A_262, %dma_start3A_268] : memref<100000x256xf32, #tpu.memory_space<hbm>> -> memref<248x128xf32, #tpu.memory_space<hbm>>
    %dma_start3A_270 = arith.constant 0 : i32
    %dma_start3A_271 = tpu.memref_slice %arg5[%add3A_262, %dma_start3A_270] : memref<100000x256xf32, #tpu.memory_space<hbm>> -> memref<248x128xf32, #tpu.memory_space<hbm>>
    %dma_start3A_272 = arith.constant 0 : i32
    %dma_start3A_273 = arith.constant 0 : i32
    %dma_start3A_274 = tpu.memref_slice %arg7[%dma_start3A_263, %dma_start3A_272, %dma_start3A_273] : memref<2x248x128xf32, #tpu.memory_space<vmem>> -> memref<1x248x128xf32, #tpu.memory_space<vmem>>
    %dma_start3A_275 = tpu.memref_squeeze %dma_start3A_274 : memref<1x248x128xf32, #tpu.memory_space<vmem>> -> memref<248x128xf32, #tpu.memory_space<vmem>>
    tpu.enqueue_dma source(%dma_start3A_275 : memref<248x128xf32, #tpu.memory_space<vmem>>) target(%dma_start3A_271 : memref<248x128xf32, #tpu.memory_space<hbm>>) target_semaphore(%arg13 : memref<!tpu.dma_semaphore, #tpu.memory_space<semaphore_mem>>)
    %dma_wait3A_276 = arith.constant 1 : i32
    %dma_wait3A_277 = arith.constant 0 : i32
    %dma_wait3A_278 = arith.constant 0 : i32
    %dma_wait3A_279 = tpu.memref_slice %arg9[%arg1, %dma_wait3A_276, %dma_wait3A_277, %dma_wait3A_278] : memref<16x2x248x128xf32, #tpu.memory_space<vmem_shared>> -> memref<1x1x248x128xf32, #tpu.memory_space<vmem_shared>>
    %dma_wait3A_280 = tpu.memref_squeeze %dma_wait3A_279 : memref<1x1x248x128xf32, #tpu.memory_space<vmem_shared>> -> memref<248x128xf32, #tpu.memory_space<vmem_shared>>
    %dma_wait3A_281 = arith.constant 0 : i32
    %dma_wait3A_282 = tpu.memref_slice %arg3[%add3A_243, %dma_wait3A_281] : memref<100000x128xf32, #tpu.memory_space<hbm>> -> memref<248x128xf32, #tpu.memory_space<hbm>>
    tpu.wait_dma2 semaphore(%arg11 : memref<!tpu.dma_semaphore, #tpu.memory_space<semaphore_mem>>) src(%dma_wait3A_282 : memref<248x128xf32, #tpu.memory_space<hbm>>) dst(%dma_wait3A_280 : memref<248x128xf32, #tpu.memory_space<vmem_shared>>)
    %add3A_283 = arith.constant 744 : i32
    %add3A_284 = arith.addi %min3A_5, %add3A_283 : i32
    %dma_start3A_285 = arith.constant 1 : i32
    %dma_start3A_286 = arith.constant 128 : i32
    %dma_start3A_287 = tpu.memref_slice %arg5[%add3A_284, %dma_start3A_286] : memref<100000x256xf32, #tpu.memory_space<hbm>> -> memref<248x128xf32, #tpu.memory_space<hbm>>
    %dma_start3A_288 = arith.constant 0 : i32
    %dma_start3A_289 = arith.constant 0 : i32
    %dma_start3A_290 = tpu.memref_slice %arg9[%arg1, %dma_start3A_285, %dma_start3A_288, %dma_start3A_289] : memref<16x2x248x128xf32, #tpu.memory_space<vmem_shared>> -> memref<1x1x248x128xf32, #tpu.memory_space<vmem_shared>>
    %dma_start3A_291 = tpu.memref_squeeze %dma_start3A_290 : memref<1x1x248x128xf32, #tpu.memory_space<vmem_shared>> -> memref<248x128xf32, #tpu.memory_space<vmem_shared>>
    tpu.enqueue_dma source(%dma_start3A_291 : memref<248x128xf32, #tpu.memory_space<vmem_shared>>) target(%dma_start3A_287 : memref<248x128xf32, #tpu.memory_space<hbm>>) target_semaphore(%arg15 : memref<!tpu.dma_semaphore, #tpu.memory_space<semaphore_mem>>)
    %add3A_292 = arith.constant 496 : i32
    %add3A_293 = arith.addi %min3A_5, %add3A_292 : i32
    %dma_wait3A_294 = arith.constant 0 : i32
    %dma_wait3A_295 = arith.constant 0 : i32
    %dma_wait3A_296 = arith.constant 0 : i32
    %dma_wait3A_297 = tpu.memref_slice %arg7[%dma_wait3A_294, %dma_wait3A_295, %dma_wait3A_296] : memref<2x248x128xf32, #tpu.memory_space<vmem>> -> memref<1x248x128xf32, #tpu.memory_space<vmem>>
    %dma_wait3A_298 = tpu.memref_squeeze %dma_wait3A_297 : memref<1x248x128xf32, #tpu.memory_space<vmem>> -> memref<248x128xf32, #tpu.memory_space<vmem>>
    %dma_wait3A_299 = arith.constant 0 : i32
    %dma_wait3A_300 = tpu.memref_slice %arg5[%add3A_293, %dma_wait3A_299] : memref<100000x256xf32, #tpu.memory_space<hbm>> -> memref<248x128xf32, #tpu.memory_space<hbm>>
    %dma_wait3A_301 = arith.constant 0 : i32
    %dma_wait3A_302 = tpu.memref_slice %arg5[%add3A_293, %dma_wait3A_301] : memref<100000x256xf32, #tpu.memory_space<hbm>> -> memref<248x128xf32, #tpu.memory_space<hbm>>
    %dma_wait3A_303 = arith.constant 0 : i32
    %dma_wait3A_304 = arith.constant 0 : i32
    %dma_wait3A_305 = tpu.memref_slice %arg7[%dma_wait3A_294, %dma_wait3A_303, %dma_wait3A_304] : memref<2x248x128xf32, #tpu.memory_space<vmem>> -> memref<1x248x128xf32, #tpu.memory_space<vmem>>
    %dma_wait3A_306 = tpu.memref_squeeze %dma_wait3A_305 : memref<1x248x128xf32, #tpu.memory_space<vmem>> -> memref<248x128xf32, #tpu.memory_space<vmem>>
    tpu.wait_dma2 semaphore(%arg12 : memref<!tpu.dma_semaphore, #tpu.memory_space<semaphore_mem>>) src(%dma_wait3A_306 : memref<248x128xf32, #tpu.memory_space<vmem>>) dst(%dma_wait3A_302 : memref<248x128xf32, #tpu.memory_space<hbm>>)
    %add3A_307 = arith.constant 496 : i32
    %add3A_308 = arith.addi %min3A_5, %add3A_307 : i32
    %dma_wait3A_309 = arith.constant 0 : i32
    %dma_wait3A_310 = arith.constant 128 : i32
    %dma_wait3A_311 = tpu.memref_slice %arg5[%add3A_308, %dma_wait3A_310] : memref<100000x256xf32, #tpu.memory_space<hbm>> -> memref<248x128xf32, #tpu.memory_space<hbm>>
    %dma_wait3A_312 = arith.constant 0 : i32
    %dma_wait3A_313 = arith.constant 0 : i32
    %dma_wait3A_314 = tpu.memref_slice %arg9[%arg1, %dma_wait3A_309, %dma_wait3A_312, %dma_wait3A_313] : memref<16x2x248x128xf32, #tpu.memory_space<vmem_shared>> -> memref<1x1x248x128xf32, #tpu.memory_space<vmem_shared>>
    %dma_wait3A_315 = tpu.memref_squeeze %dma_wait3A_314 : memref<1x1x248x128xf32, #tpu.memory_space<vmem_shared>> -> memref<248x128xf32, #tpu.memory_space<vmem_shared>>
    tpu.wait_dma2 semaphore(%arg14 : memref<!tpu.dma_semaphore, #tpu.memory_space<semaphore_mem>>) src(%dma_wait3A_315 : memref<248x128xf32, #tpu.memory_space<vmem_shared>>) dst(%dma_wait3A_311 : memref<248x128xf32, #tpu.memory_space<hbm>>)
    %dma_start3A_316 = arith.constant 0 : i32
    %dma_start3A_317 = arith.constant 0 : i32
    %dma_start3A_318 = arith.constant 0 : i32
    %dma_start3A_319 = tpu.memref_slice %arg7[%dma_start3A_316, %dma_start3A_317, %dma_start3A_318] : memref<2x248x128xf32, #tpu.memory_space<vmem>> -> memref<1x248x128xf32, #tpu.memory_space<vmem>>
    %dma_start3A_320 = tpu.memref_squeeze %dma_start3A_319 : memref<1x248x128xf32, #tpu.memory_space<vmem>> -> memref<248x128xf32, #tpu.memory_space<vmem>>
    %dma_start3A_321 = arith.constant 992 : i32
    %dma_start3A_322 = tpu.memref_slice %arg6[%dma_start3A_321] : memref<3128xi32, #tpu.memory_space<vmem>> -> memref<248xi32, #tpu.memory_space<vmem>>
    %dma_start3A_323 = arith.constant 0 : i32
    %dma_start3A_324 = arith.constant 0 : i32
    %dma_start3A_325 = tpu.memref_slice %arg8[%dma_start3A_323, %dma_start3A_324] : memref<100x128xf32, #tpu.memory_space<vmem_shared>> -> memref<100x128xf32, #tpu.memory_space<vmem_shared>>
    tpu.enqueue_indirect_dma source(%dma_start3A_325 : memref<100x128xf32, #tpu.memory_space<vmem_shared>>) target(%dma_start3A_320 : memref<248x128xf32, #tpu.memory_space<vmem>>) offsets(%dma_start3A_322 : memref<248xi32, #tpu.memory_space<vmem>>) semaphore(%arg10 : memref<!tpu.dma_semaphore, #tpu.memory_space<semaphore_mem>>)
    %add3A_326 = arith.constant 992 : i32
    %add3A_327 = arith.addi %min3A_5, %add3A_326 : i32
    %dma_start3A_328 = arith.constant 0 : i32
    %dma_start3A_329 = arith.constant 0 : i32
    %dma_start3A_330 = arith.constant 0 : i32
    %dma_start3A_331 = tpu.memref_slice %arg9[%arg1, %dma_start3A_328, %dma_start3A_329, %dma_start3A_330] : memref<16x2x248x128xf32, #tpu.memory_space<vmem_shared>> -> memref<1x1x248x128xf32, #tpu.memory_space<vmem_shared>>
    %dma_start3A_332 = tpu.memref_squeeze %dma_start3A_331 : memref<1x1x248x128xf32, #tpu.memory_space<vmem_shared>> -> memref<248x128xf32, #tpu.memory_space<vmem_shared>>
    %dma_start3A_333 = arith.constant 0 : i32
    %dma_start3A_334 = tpu.memref_slice %arg3[%add3A_327, %dma_start3A_333] : memref<100000x128xf32, #tpu.memory_space<hbm>> -> memref<248x128xf32, #tpu.memory_space<hbm>>
    tpu.enqueue_dma source(%dma_start3A_334 : memref<248x128xf32, #tpu.memory_space<hbm>>) target(%dma_start3A_332 : memref<248x128xf32, #tpu.memory_space<vmem_shared>>) target_semaphore(%arg11 : memref<!tpu.dma_semaphore, #tpu.memory_space<semaphore_mem>>)
    %dma_wait3A_335 = arith.constant 0 : i32
    %dma_wait3A_336 = arith.constant 0 : i32
    %dma_wait3A_337 = arith.constant 0 : i32
    %dma_wait3A_338 = tpu.memref_slice %arg7[%dma_wait3A_335, %dma_wait3A_336, %dma_wait3A_337] : memref<2x248x128xf32, #tpu.memory_space<vmem>> -> memref<1x248x128xf32, #tpu.memory_space<vmem>>
    %dma_wait3A_339 = tpu.memref_squeeze %dma_wait3A_338 : memref<1x248x128xf32, #tpu.memory_space<vmem>> -> memref<248x128xf32, #tpu.memory_space<vmem>>
    %dma_wait3A_340 = arith.constant 992 : i32
    %dma_wait3A_341 = tpu.memref_slice %arg6[%dma_wait3A_340] : memref<3128xi32, #tpu.memory_space<vmem>> -> memref<248xi32, #tpu.memory_space<vmem>>
    %dma_wait3A_342 = arith.constant 0 : i32
    %dma_wait3A_343 = arith.constant 0 : i32
    %dma_wait3A_344 = tpu.memref_slice %arg8[%dma_wait3A_342, %dma_wait3A_343] : memref<100x128xf32, #tpu.memory_space<vmem_shared>> -> memref<100x128xf32, #tpu.memory_space<vmem_shared>>
    tpu.wait_indirect_dma semaphore(%arg10 : memref<!tpu.dma_semaphore, #tpu.memory_space<semaphore_mem>>) src(%dma_wait3A_344 : memref<100x128xf32, #tpu.memory_space<vmem_shared>>) dst(%dma_wait3A_339 : memref<248x128xf32, #tpu.memory_space<vmem>>)
    %add3A_345 = arith.constant 992 : i32
    %add3A_346 = arith.addi %min3A_5, %add3A_345 : i32
    %dma_start3A_347 = arith.constant 0 : i32
    %dma_start3A_348 = arith.constant 0 : i32
    %dma_start3A_349 = arith.constant 0 : i32
    %dma_start3A_350 = tpu.memref_slice %arg7[%dma_start3A_347, %dma_start3A_348, %dma_start3A_349] : memref<2x248x128xf32, #tpu.memory_space<vmem>> -> memref<1x248x128xf32, #tpu.memory_space<vmem>>
    %dma_start3A_351 = tpu.memref_squeeze %dma_start3A_350 : memref<1x248x128xf32, #tpu.memory_space<vmem>> -> memref<248x128xf32, #tpu.memory_space<vmem>>
    %dma_start3A_352 = arith.constant 0 : i32
    %dma_start3A_353 = tpu.memref_slice %arg5[%add3A_346, %dma_start3A_352] : memref<100000x256xf32, #tpu.memory_space<hbm>> -> memref<248x128xf32, #tpu.memory_space<hbm>>
    %dma_start3A_354 = arith.constant 0 : i32
    %dma_start3A_355 = tpu.memref_slice %arg5[%add3A_346, %dma_start3A_354] : memref<100000x256xf32, #tpu.memory_space<hbm>> -> memref<248x128xf32, #tpu.memory_space<hbm>>
    %dma_start3A_356 = arith.constant 0 : i32
    %dma_start3A_357 = arith.constant 0 : i32
    %dma_start3A_358 = tpu.memref_slice %arg7[%dma_start3A_347, %dma_start3A_356, %dma_start3A_357] : memref<2x248x128xf32, #tpu.memory_space<vmem>> -> memref<1x248x128xf32, #tpu.memory_space<vmem>>
    %dma_start3A_359 = tpu.memref_squeeze %dma_start3A_358 : memref<1x248x128xf32, #tpu.memory_space<vmem>> -> memref<248x128xf32, #tpu.memory_space<vmem>>
    tpu.enqueue_dma source(%dma_start3A_359 : memref<248x128xf32, #tpu.memory_space<vmem>>) target(%dma_start3A_355 : memref<248x128xf32, #tpu.memory_space<hbm>>) target_semaphore(%arg12 : memref<!tpu.dma_semaphore, #tpu.memory_space<semaphore_mem>>)
    %dma_wait3A_360 = arith.constant 0 : i32
    %dma_wait3A_361 = arith.constant 0 : i32
    %dma_wait3A_362 = arith.constant 0 : i32
    %dma_wait3A_363 = tpu.memref_slice %arg9[%arg1, %dma_wait3A_360, %dma_wait3A_361, %dma_wait3A_362] : memref<16x2x248x128xf32, #tpu.memory_space<vmem_shared>> -> memref<1x1x248x128xf32, #tpu.memory_space<vmem_shared>>
    %dma_wait3A_364 = tpu.memref_squeeze %dma_wait3A_363 : memref<1x1x248x128xf32, #tpu.memory_space<vmem_shared>> -> memref<248x128xf32, #tpu.memory_space<vmem_shared>>
    %dma_wait3A_365 = arith.constant 0 : i32
    %dma_wait3A_366 = tpu.memref_slice %arg3[%add3A_327, %dma_wait3A_365] : memref<100000x128xf32, #tpu.memory_space<hbm>> -> memref<248x128xf32, #tpu.memory_space<hbm>>
    tpu.wait_dma2 semaphore(%arg11 : memref<!tpu.dma_semaphore, #tpu.memory_space<semaphore_mem>>) src(%dma_wait3A_366 : memref<248x128xf32, #tpu.memory_space<hbm>>) dst(%dma_wait3A_364 : memref<248x128xf32, #tpu.memory_space<vmem_shared>>)
    %add3A_367 = arith.constant 992 : i32
    %add3A_368 = arith.addi %min3A_5, %add3A_367 : i32
    %dma_start3A_369 = arith.constant 0 : i32
    %dma_start3A_370 = arith.constant 128 : i32
    %dma_start3A_371 = tpu.memref_slice %arg5[%add3A_368, %dma_start3A_370] : memref<100000x256xf32, #tpu.memory_space<hbm>> -> memref<248x128xf32, #tpu.memory_space<hbm>>
    %dma_start3A_372 = arith.constant 0 : i32
    %dma_start3A_373 = arith.constant 0 : i32
    %dma_start3A_374 = tpu.memref_slice %arg9[%arg1, %dma_start3A_369, %dma_start3A_372, %dma_start3A_373] : memref<16x2x248x128xf32, #tpu.memory_space<vmem_shared>> -> memref<1x1x248x128xf32, #tpu.memory_space<vmem_shared>>
    %dma_start3A_375 = tpu.memref_squeeze %dma_start3A_374 : memref<1x1x248x128xf32, #tpu.memory_space<vmem_shared>> -> memref<248x128xf32, #tpu.memory_space<vmem_shared>>
    tpu.enqueue_dma source(%dma_start3A_375 : memref<248x128xf32, #tpu.memory_space<vmem_shared>>) target(%dma_start3A_371 : memref<248x128xf32, #tpu.memory_space<hbm>>) target_semaphore(%arg14 : memref<!tpu.dma_semaphore, #tpu.memory_space<semaphore_mem>>)
    %add3A_376 = arith.constant 744 : i32
    %add3A_377 = arith.addi %min3A_5, %add3A_376 : i32
    %dma_wait3A_378 = arith.constant 1 : i32
    %dma_wait3A_379 = arith.constant 0 : i32
    %dma_wait3A_380 = arith.constant 0 : i32
    %dma_wait3A_381 = tpu.memref_slice %arg7[%dma_wait3A_378, %dma_wait3A_379, %dma_wait3A_380] : memref<2x248x128xf32, #tpu.memory_space<vmem>> -> memref<1x248x128xf32, #tpu.memory_space<vmem>>
    %dma_wait3A_382 = tpu.memref_squeeze %dma_wait3A_381 : memref<1x248x128xf32, #tpu.memory_space<vmem>> -> memref<248x128xf32, #tpu.memory_space<vmem>>
    %dma_wait3A_383 = arith.constant 0 : i32
    %dma_wait3A_384 = tpu.memref_slice %arg5[%add3A_377, %dma_wait3A_383] : memref<100000x256xf32, #tpu.memory_space<hbm>> -> memref<248x128xf32, #tpu.memory_space<hbm>>
    %dma_wait3A_385 = arith.constant 0 : i32
    %dma_wait3A_386 = tpu.memref_slice %arg5[%add3A_377, %dma_wait3A_385] : memref<100000x256xf32, #tpu.memory_space<hbm>> -> memref<248x128xf32, #tpu.memory_space<hbm>>
    %dma_wait3A_387 = arith.constant 0 : i32
    %dma_wait3A_388 = arith.constant 0 : i32
    %dma_wait3A_389 = tpu.memref_slice %arg7[%dma_wait3A_378, %dma_wait3A_387, %dma_wait3A_388] : memref<2x248x128xf32, #tpu.memory_space<vmem>> -> memref<1x248x128xf32, #tpu.memory_space<vmem>>
    %dma_wait3A_390 = tpu.memref_squeeze %dma_wait3A_389 : memref<1x248x128xf32, #tpu.memory_space<vmem>> -> memref<248x128xf32, #tpu.memory_space<vmem>>
    tpu.wait_dma2 semaphore(%arg13 : memref<!tpu.dma_semaphore, #tpu.memory_space<semaphore_mem>>) src(%dma_wait3A_390 : memref<248x128xf32, #tpu.memory_space<vmem>>) dst(%dma_wait3A_386 : memref<248x128xf32, #tpu.memory_space<hbm>>)
    %add3A_391 = arith.constant 744 : i32
    %add3A_392 = arith.addi %min3A_5, %add3A_391 : i32
    %dma_wait3A_393 = arith.constant 1 : i32
    %dma_wait3A_394 = arith.constant 128 : i32
    %dma_wait3A_395 = tpu.memref_slice %arg5[%add3A_392, %dma_wait3A_394] : memref<100000x256xf32, #tpu.memory_space<hbm>> -> memref<248x128xf32, #tpu.memory_space<hbm>>
    %dma_wait3A_396 = arith.constant 0 : i32
    %dma_wait3A_397 = arith.constant 0 : i32
    %dma_wait3A_398 = tpu.memref_slice %arg9[%arg1, %dma_wait3A_393, %dma_wait3A_396, %dma_wait3A_397] : memref<16x2x248x128xf32, #tpu.memory_space<vmem_shared>> -> memref<1x1x248x128xf32, #tpu.memory_space<vmem_shared>>
    %dma_wait3A_399 = tpu.memref_squeeze %dma_wait3A_398 : memref<1x1x248x128xf32, #tpu.memory_space<vmem_shared>> -> memref<248x128xf32, #tpu.memory_space<vmem_shared>>
    tpu.wait_dma2 semaphore(%arg15 : memref<!tpu.dma_semaphore, #tpu.memory_space<semaphore_mem>>) src(%dma_wait3A_399 : memref<248x128xf32, #tpu.memory_space<vmem_shared>>) dst(%dma_wait3A_395 : memref<248x128xf32, #tpu.memory_space<hbm>>)
    %dma_start3A_400 = arith.constant 1 : i32
    %dma_start3A_401 = arith.constant 0 : i32
    %dma_start3A_402 = arith.constant 0 : i32
    %dma_start3A_403 = tpu.memref_slice %arg7[%dma_start3A_400, %dma_start3A_401, %dma_start3A_402] : memref<2x248x128xf32, #tpu.memory_space<vmem>> -> memref<1x248x128xf32, #tpu.memory_space<vmem>>
    %dma_start3A_404 = tpu.memref_squeeze %dma_start3A_403 : memref<1x248x128xf32, #tpu.memory_space<vmem>> -> memref<248x128xf32, #tpu.memory_space<vmem>>
    %dma_start3A_405 = arith.constant 1240 : i32
    %dma_start3A_406 = tpu.memref_slice %arg6[%dma_start3A_405] : memref<3128xi32, #tpu.memory_space<vmem>> -> memref<248xi32, #tpu.memory_space<vmem>>
    %dma_start3A_407 = arith.constant 0 : i32
    %dma_start3A_408 = arith.constant 0 : i32
    %dma_start3A_409 = tpu.memref_slice %arg8[%dma_start3A_407, %dma_start3A_408] : memref<100x128xf32, #tpu.memory_space<vmem_shared>> -> memref<100x128xf32, #tpu.memory_space<vmem_shared>>
    tpu.enqueue_indirect_dma source(%dma_start3A_409 : memref<100x128xf32, #tpu.memory_space<vmem_shared>>) target(%dma_start3A_404 : memref<248x128xf32, #tpu.memory_space<vmem>>) offsets(%dma_start3A_406 : memref<248xi32, #tpu.memory_space<vmem>>) semaphore(%arg10 : memref<!tpu.dma_semaphore, #tpu.memory_space<semaphore_mem>>)
    %add3A_410 = arith.constant 1240 : i32
    %add3A_411 = arith.addi %min3A_5, %add3A_410 : i32
    %dma_start3A_412 = arith.constant 1 : i32
    %dma_start3A_413 = arith.constant 0 : i32
    %dma_start3A_414 = arith.constant 0 : i32
    %dma_start3A_415 = tpu.memref_slice %arg9[%arg1, %dma_start3A_412, %dma_start3A_413, %dma_start3A_414] : memref<16x2x248x128xf32, #tpu.memory_space<vmem_shared>> -> memref<1x1x248x128xf32, #tpu.memory_space<vmem_shared>>
    %dma_start3A_416 = tpu.memref_squeeze %dma_start3A_415 : memref<1x1x248x128xf32, #tpu.memory_space<vmem_shared>> -> memref<248x128xf32, #tpu.memory_space<vmem_shared>>
    %dma_start3A_417 = arith.constant 0 : i32
    %dma_start3A_418 = tpu.memref_slice %arg3[%add3A_411, %dma_start3A_417] : memref<100000x128xf32, #tpu.memory_space<hbm>> -> memref<248x128xf32, #tpu.memory_space<hbm>>
    tpu.enqueue_dma source(%dma_start3A_418 : memref<248x128xf32, #tpu.memory_space<hbm>>) target(%dma_start3A_416 : memref<248x128xf32, #tpu.memory_space<vmem_shared>>) target_semaphore(%arg11 : memref<!tpu.dma_semaphore, #tpu.memory_space<semaphore_mem>>)
    %dma_wait3A_419 = arith.constant 1 : i32
    %dma_wait3A_420 = arith.constant 0 : i32
    %dma_wait3A_421 = arith.constant 0 : i32
    %dma_wait3A_422 = tpu.memref_slice %arg7[%dma_wait3A_419, %dma_wait3A_420, %dma_wait3A_421] : memref<2x248x128xf32, #tpu.memory_space<vmem>> -> memref<1x248x128xf32, #tpu.memory_space<vmem>>
    %dma_wait3A_423 = tpu.memref_squeeze %dma_wait3A_422 : memref<1x248x128xf32, #tpu.memory_space<vmem>> -> memref<248x128xf32, #tpu.memory_space<vmem>>
    %dma_wait3A_424 = arith.constant 1240 : i32
    %dma_wait3A_425 = tpu.memref_slice %arg6[%dma_wait3A_424] : memref<3128xi32, #tpu.memory_space<vmem>> -> memref<248xi32, #tpu.memory_space<vmem>>
    %dma_wait3A_426 = arith.constant 0 : i32
    %dma_wait3A_427 = arith.constant 0 : i32
    %dma_wait3A_428 = tpu.memref_slice %arg8[%dma_wait3A_426, %dma_wait3A_427] : memref<100x128xf32, #tpu.memory_space<vmem_shared>> -> memref<100x128xf32, #tpu.memory_space<vmem_shared>>
    tpu.wait_indirect_dma semaphore(%arg10 : memref<!tpu.dma_semaphore, #tpu.memory_space<semaphore_mem>>) src(%dma_wait3A_428 : memref<100x128xf32, #tpu.memory_space<vmem_shared>>) dst(%dma_wait3A_423 : memref<248x128xf32, #tpu.memory_space<vmem>>)
    %add3A_429 = arith.constant 1240 : i32
    %add3A_430 = arith.addi %min3A_5, %add3A_429 : i32
    %dma_start3A_431 = arith.constant 1 : i32
    %dma_start3A_432 = arith.constant 0 : i32
    %dma_start3A_433 = arith.constant 0 : i32
    %dma_start3A_434 = tpu.memref_slice %arg7[%dma_start3A_431, %dma_start3A_432, %dma_start3A_433] : memref<2x248x128xf32, #tpu.memory_space<vmem>> -> memref<1x248x128xf32, #tpu.memory_space<vmem>>
    %dma_start3A_435 = tpu.memref_squeeze %dma_start3A_434 : memref<1x248x128xf32, #tpu.memory_space<vmem>> -> memref<248x128xf32, #tpu.memory_space<vmem>>
    %dma_start3A_436 = arith.constant 0 : i32
    %dma_start3A_437 = tpu.memref_slice %arg5[%add3A_430, %dma_start3A_436] : memref<100000x256xf32, #tpu.memory_space<hbm>> -> memref<248x128xf32, #tpu.memory_space<hbm>>
    %dma_start3A_438 = arith.constant 0 : i32
    %dma_start3A_439 = tpu.memref_slice %arg5[%add3A_430, %dma_start3A_438] : memref<100000x256xf32, #tpu.memory_space<hbm>> -> memref<248x128xf32, #tpu.memory_space<hbm>>
    %dma_start3A_440 = arith.constant 0 : i32
    %dma_start3A_441 = arith.constant 0 : i32
    %dma_start3A_442 = tpu.memref_slice %arg7[%dma_start3A_431, %dma_start3A_440, %dma_start3A_441] : memref<2x248x128xf32, #tpu.memory_space<vmem>> -> memref<1x248x128xf32, #tpu.memory_space<vmem>>
    %dma_start3A_443 = tpu.memref_squeeze %dma_start3A_442 : memref<1x248x128xf32, #tpu.memory_space<vmem>> -> memref<248x128xf32, #tpu.memory_space<vmem>>
    tpu.enqueue_dma source(%dma_start3A_443 : memref<248x128xf32, #tpu.memory_space<vmem>>) target(%dma_start3A_439 : memref<248x128xf32, #tpu.memory_space<hbm>>) target_semaphore(%arg13 : memref<!tpu.dma_semaphore, #tpu.memory_space<semaphore_mem>>)
    %dma_wait3A_444 = arith.constant 1 : i32
    %dma_wait3A_445 = arith.constant 0 : i32
    %dma_wait3A_446 = arith.constant 0 : i32
    %dma_wait3A_447 = tpu.memref_slice %arg9[%arg1, %dma_wait3A_444, %dma_wait3A_445, %dma_wait3A_446] : memref<16x2x248x128xf32, #tpu.memory_space<vmem_shared>> -> memref<1x1x248x128xf32, #tpu.memory_space<vmem_shared>>
    %dma_wait3A_448 = tpu.memref_squeeze %dma_wait3A_447 : memref<1x1x248x128xf32, #tpu.memory_space<vmem_shared>> -> memref<248x128xf32, #tpu.memory_space<vmem_shared>>
    %dma_wait3A_449 = arith.constant 0 : i32
    %dma_wait3A_450 = tpu.memref_slice %arg3[%add3A_411, %dma_wait3A_449] : memref<100000x128xf32, #tpu.memory_space<hbm>> -> memref<248x128xf32, #tpu.memory_space<hbm>>
    tpu.wait_dma2 semaphore(%arg11 : memref<!tpu.dma_semaphore, #tpu.memory_space<semaphore_mem>>) src(%dma_wait3A_450 : memref<248x128xf32, #tpu.memory_space<hbm>>) dst(%dma_wait3A_448 : memref<248x128xf32, #tpu.memory_space<vmem_shared>>)
    %add3A_451 = arith.constant 1240 : i32
    %add3A_452 = arith.addi %min3A_5, %add3A_451 : i32
    %dma_start3A_453 = arith.constant 1 : i32
    %dma_start3A_454 = arith.constant 128 : i32
    %dma_start3A_455 = tpu.memref_slice %arg5[%add3A_452, %dma_start3A_454] : memref<100000x256xf32, #tpu.memory_space<hbm>> -> memref<248x128xf32, #tpu.memory_space<hbm>>
    %dma_start3A_456 = arith.constant 0 : i32
    %dma_start3A_457 = arith.constant 0 : i32
    %dma_start3A_458 = tpu.memref_slice %arg9[%arg1, %dma_start3A_453, %dma_start3A_456, %dma_start3A_457] : memref<16x2x248x128xf32, #tpu.memory_space<vmem_shared>> -> memref<1x1x248x128xf32, #tpu.memory_space<vmem_shared>>
    %dma_start3A_459 = tpu.memref_squeeze %dma_start3A_458 : memref<1x1x248x128xf32, #tpu.memory_space<vmem_shared>> -> memref<248x128xf32, #tpu.memory_space<vmem_shared>>
    tpu.enqueue_dma source(%dma_start3A_459 : memref<248x128xf32, #tpu.memory_space<vmem_shared>>) target(%dma_start3A_455 : memref<248x128xf32, #tpu.memory_space<hbm>>) target_semaphore(%arg15 : memref<!tpu.dma_semaphore, #tpu.memory_space<semaphore_mem>>)
    %add3A_460 = arith.constant 992 : i32
    %add3A_461 = arith.addi %min3A_5, %add3A_460 : i32
    %dma_wait3A_462 = arith.constant 0 : i32
    %dma_wait3A_463 = arith.constant 0 : i32
    %dma_wait3A_464 = arith.constant 0 : i32
    %dma_wait3A_465 = tpu.memref_slice %arg7[%dma_wait3A_462, %dma_wait3A_463, %dma_wait3A_464] : memref<2x248x128xf32, #tpu.memory_space<vmem>> -> memref<1x248x128xf32, #tpu.memory_space<vmem>>
    %dma_wait3A_466 = tpu.memref_squeeze %dma_wait3A_465 : memref<1x248x128xf32, #tpu.memory_space<vmem>> -> memref<248x128xf32, #tpu.memory_space<vmem>>
    %dma_wait3A_467 = arith.constant 0 : i32
    %dma_wait3A_468 = tpu.memref_slice %arg5[%add3A_461, %dma_wait3A_467] : memref<100000x256xf32, #tpu.memory_space<hbm>> -> memref<248x128xf32, #tpu.memory_space<hbm>>
    %dma_wait3A_469 = arith.constant 0 : i32
    %dma_wait3A_470 = tpu.memref_slice %arg5[%add3A_461, %dma_wait3A_469] : memref<100000x256xf32, #tpu.memory_space<hbm>> -> memref<248x128xf32, #tpu.memory_space<hbm>>
    %dma_wait3A_471 = arith.constant 0 : i32
    %dma_wait3A_472 = arith.constant 0 : i32
    %dma_wait3A_473 = tpu.memref_slice %arg7[%dma_wait3A_462, %dma_wait3A_471, %dma_wait3A_472] : memref<2x248x128xf32, #tpu.memory_space<vmem>> -> memref<1x248x128xf32, #tpu.memory_space<vmem>>
    %dma_wait3A_474 = tpu.memref_squeeze %dma_wait3A_473 : memref<1x248x128xf32, #tpu.memory_space<vmem>> -> memref<248x128xf32, #tpu.memory_space<vmem>>
    tpu.wait_dma2 semaphore(%arg12 : memref<!tpu.dma_semaphore, #tpu.memory_space<semaphore_mem>>) src(%dma_wait3A_474 : memref<248x128xf32, #tpu.memory_space<vmem>>) dst(%dma_wait3A_470 : memref<248x128xf32, #tpu.memory_space<hbm>>)
    %add3A_475 = arith.constant 992 : i32
    %add3A_476 = arith.addi %min3A_5, %add3A_475 : i32
    %dma_wait3A_477 = arith.constant 0 : i32
    %dma_wait3A_478 = arith.constant 128 : i32
    %dma_wait3A_479 = tpu.memref_slice %arg5[%add3A_476, %dma_wait3A_478] : memref<100000x256xf32, #tpu.memory_space<hbm>> -> memref<248x128xf32, #tpu.memory_space<hbm>>
    %dma_wait3A_480 = arith.constant 0 : i32
    %dma_wait3A_481 = arith.constant 0 : i32
    %dma_wait3A_482 = tpu.memref_slice %arg9[%arg1, %dma_wait3A_477, %dma_wait3A_480, %dma_wait3A_481] : memref<16x2x248x128xf32, #tpu.memory_space<vmem_shared>> -> memref<1x1x248x128xf32, #tpu.memory_space<vmem_shared>>
    %dma_wait3A_483 = tpu.memref_squeeze %dma_wait3A_482 : memref<1x1x248x128xf32, #tpu.memory_space<vmem_shared>> -> memref<248x128xf32, #tpu.memory_space<vmem_shared>>
    tpu.wait_dma2 semaphore(%arg14 : memref<!tpu.dma_semaphore, #tpu.memory_space<semaphore_mem>>) src(%dma_wait3A_483 : memref<248x128xf32, #tpu.memory_space<vmem_shared>>) dst(%dma_wait3A_479 : memref<248x128xf32, #tpu.memory_space<hbm>>)
    %dma_start3A_484 = arith.constant 0 : i32
    %dma_start3A_485 = arith.constant 0 : i32
    %dma_start3A_486 = arith.constant 0 : i32
    %dma_start3A_487 = tpu.memref_slice %arg7[%dma_start3A_484, %dma_start3A_485, %dma_start3A_486] : memref<2x248x128xf32, #tpu.memory_space<vmem>> -> memref<1x248x128xf32, #tpu.memory_space<vmem>>
    %dma_start3A_488 = tpu.memref_squeeze %dma_start3A_487 : memref<1x248x128xf32, #tpu.memory_space<vmem>> -> memref<248x128xf32, #tpu.memory_space<vmem>>
    %dma_start3A_489 = arith.constant 1488 : i32
    %dma_start3A_490 = tpu.memref_slice %arg6[%dma_start3A_489] : memref<3128xi32, #tpu.memory_space<vmem>> -> memref<248xi32, #tpu.memory_space<vmem>>
    %dma_start3A_491 = arith.constant 0 : i32
    %dma_start3A_492 = arith.constant 0 : i32
    %dma_start3A_493 = tpu.memref_slice %arg8[%dma_start3A_491, %dma_start3A_492] : memref<100x128xf32, #tpu.memory_space<vmem_shared>> -> memref<100x128xf32, #tpu.memory_space<vmem_shared>>
    tpu.enqueue_indirect_dma source(%dma_start3A_493 : memref<100x128xf32, #tpu.memory_space<vmem_shared>>) target(%dma_start3A_488 : memref<248x128xf32, #tpu.memory_space<vmem>>) offsets(%dma_start3A_490 : memref<248xi32, #tpu.memory_space<vmem>>) semaphore(%arg10 : memref<!tpu.dma_semaphore, #tpu.memory_space<semaphore_mem>>)
    %add3A_494 = arith.constant 1488 : i32
    %add3A_495 = arith.addi %min3A_5, %add3A_494 : i32
    %dma_start3A_496 = arith.constant 0 : i32
    %dma_start3A_497 = arith.constant 0 : i32
    %dma_start3A_498 = arith.constant 0 : i32
    %dma_start3A_499 = tpu.memref_slice %arg9[%arg1, %dma_start3A_496, %dma_start3A_497, %dma_start3A_498] : memref<16x2x248x128xf32, #tpu.memory_space<vmem_shared>> -> memref<1x1x248x128xf32, #tpu.memory_space<vmem_shared>>
    %dma_start3A_500 = tpu.memref_squeeze %dma_start3A_499 : memref<1x1x248x128xf32, #tpu.memory_space<vmem_shared>> -> memref<248x128xf32, #tpu.memory_space<vmem_shared>>
    %dma_start3A_501 = arith.constant 0 : i32
    %dma_start3A_502 = tpu.memref_slice %arg3[%add3A_495, %dma_start3A_501] : memref<100000x128xf32, #tpu.memory_space<hbm>> -> memref<248x128xf32, #tpu.memory_space<hbm>>
    tpu.enqueue_dma source(%dma_start3A_502 : memref<248x128xf32, #tpu.memory_space<hbm>>) target(%dma_start3A_500 : memref<248x128xf32, #tpu.memory_space<vmem_shared>>) target_semaphore(%arg11 : memref<!tpu.dma_semaphore, #tpu.memory_space<semaphore_mem>>)
    %dma_wait3A_503 = arith.constant 0 : i32
    %dma_wait3A_504 = arith.constant 0 : i32
    %dma_wait3A_505 = arith.constant 0 : i32
    %dma_wait3A_506 = tpu.memref_slice %arg7[%dma_wait3A_503, %dma_wait3A_504, %dma_wait3A_505] : memref<2x248x128xf32, #tpu.memory_space<vmem>> -> memref<1x248x128xf32, #tpu.memory_space<vmem>>
    %dma_wait3A_507 = tpu.memref_squeeze %dma_wait3A_506 : memref<1x248x128xf32, #tpu.memory_space<vmem>> -> memref<248x128xf32, #tpu.memory_space<vmem>>
    %dma_wait3A_508 = arith.constant 1488 : i32
    %dma_wait3A_509 = tpu.memref_slice %arg6[%dma_wait3A_508] : memref<3128xi32, #tpu.memory_space<vmem>> -> memref<248xi32, #tpu.memory_space<vmem>>
    %dma_wait3A_510 = arith.constant 0 : i32
    %dma_wait3A_511 = arith.constant 0 : i32
    %dma_wait3A_512 = tpu.memref_slice %arg8[%dma_wait3A_510, %dma_wait3A_511] : memref<100x128xf32, #tpu.memory_space<vmem_shared>> -> memref<100x128xf32, #tpu.memory_space<vmem_shared>>
    tpu.wait_indirect_dma semaphore(%arg10 : memref<!tpu.dma_semaphore, #tpu.memory_space<semaphore_mem>>) src(%dma_wait3A_512 : memref<100x128xf32, #tpu.memory_space<vmem_shared>>) dst(%dma_wait3A_507 : memref<248x128xf32, #tpu.memory_space<vmem>>)
    %add3A_513 = arith.constant 1488 : i32
    %add3A_514 = arith.addi %min3A_5, %add3A_513 : i32
    %dma_start3A_515 = arith.constant 0 : i32
    %dma_start3A_516 = arith.constant 0 : i32
    %dma_start3A_517 = arith.constant 0 : i32
    %dma_start3A_518 = tpu.memref_slice %arg7[%dma_start3A_515, %dma_start3A_516, %dma_start3A_517] : memref<2x248x128xf32, #tpu.memory_space<vmem>> -> memref<1x248x128xf32, #tpu.memory_space<vmem>>
    %dma_start3A_519 = tpu.memref_squeeze %dma_start3A_518 : memref<1x248x128xf32, #tpu.memory_space<vmem>> -> memref<248x128xf32, #tpu.memory_space<vmem>>
    %dma_start3A_520 = arith.constant 0 : i32
    %dma_start3A_521 = tpu.memref_slice %arg5[%add3A_514, %dma_start3A_520] : memref<100000x256xf32, #tpu.memory_space<hbm>> -> memref<248x128xf32, #tpu.memory_space<hbm>>
    %dma_start3A_522 = arith.constant 0 : i32
    %dma_start3A_523 = tpu.memref_slice %arg5[%add3A_514, %dma_start3A_522] : memref<100000x256xf32, #tpu.memory_space<hbm>> -> memref<248x128xf32, #tpu.memory_space<hbm>>
    %dma_start3A_524 = arith.constant 0 : i32
    %dma_start3A_525 = arith.constant 0 : i32
    %dma_start3A_526 = tpu.memref_slice %arg7[%dma_start3A_515, %dma_start3A_524, %dma_start3A_525] : memref<2x248x128xf32, #tpu.memory_space<vmem>> -> memref<1x248x128xf32, #tpu.memory_space<vmem>>
    %dma_start3A_527 = tpu.memref_squeeze %dma_start3A_526 : memref<1x248x128xf32, #tpu.memory_space<vmem>> -> memref<248x128xf32, #tpu.memory_space<vmem>>
    tpu.enqueue_dma source(%dma_start3A_527 : memref<248x128xf32, #tpu.memory_space<vmem>>) target(%dma_start3A_523 : memref<248x128xf32, #tpu.memory_space<hbm>>) target_semaphore(%arg12 : memref<!tpu.dma_semaphore, #tpu.memory_space<semaphore_mem>>)
    %dma_wait3A_528 = arith.constant 0 : i32
    %dma_wait3A_529 = arith.constant 0 : i32
    %dma_wait3A_530 = arith.constant 0 : i32
    %dma_wait3A_531 = tpu.memref_slice %arg9[%arg1, %dma_wait3A_528, %dma_wait3A_529, %dma_wait3A_530] : memref<16x2x248x128xf32, #tpu.memory_space<vmem_shared>> -> memref<1x1x248x128xf32, #tpu.memory_space<vmem_shared>>
    %dma_wait3A_532 = tpu.memref_squeeze %dma_wait3A_531 : memref<1x1x248x128xf32, #tpu.memory_space<vmem_shared>> -> memref<248x128xf32, #tpu.memory_space<vmem_shared>>
    %dma_wait3A_533 = arith.constant 0 : i32
    %dma_wait3A_534 = tpu.memref_slice %arg3[%add3A_495, %dma_wait3A_533] : memref<100000x128xf32, #tpu.memory_space<hbm>> -> memref<248x128xf32, #tpu.memory_space<hbm>>
    tpu.wait_dma2 semaphore(%arg11 : memref<!tpu.dma_semaphore, #tpu.memory_space<semaphore_mem>>) src(%dma_wait3A_534 : memref<248x128xf32, #tpu.memory_space<hbm>>) dst(%dma_wait3A_532 : memref<248x128xf32, #tpu.memory_space<vmem_shared>>)
    %add3A_535 = arith.constant 1488 : i32
    %add3A_536 = arith.addi %min3A_5, %add3A_535 : i32
    %dma_start3A_537 = arith.constant 0 : i32
    %dma_start3A_538 = arith.constant 128 : i32
    %dma_start3A_539 = tpu.memref_slice %arg5[%add3A_536, %dma_start3A_538] : memref<100000x256xf32, #tpu.memory_space<hbm>> -> memref<248x128xf32, #tpu.memory_space<hbm>>
    %dma_start3A_540 = arith.constant 0 : i32
    %dma_start3A_541 = arith.constant 0 : i32
    %dma_start3A_542 = tpu.memref_slice %arg9[%arg1, %dma_start3A_537, %dma_start3A_540, %dma_start3A_541] : memref<16x2x248x128xf32, #tpu.memory_space<vmem_shared>> -> memref<1x1x248x128xf32, #tpu.memory_space<vmem_shared>>
    %dma_start3A_543 = tpu.memref_squeeze %dma_start3A_542 : memref<1x1x248x128xf32, #tpu.memory_space<vmem_shared>> -> memref<248x128xf32, #tpu.memory_space<vmem_shared>>
    tpu.enqueue_dma source(%dma_start3A_543 : memref<248x128xf32, #tpu.memory_space<vmem_shared>>) target(%dma_start3A_539 : memref<248x128xf32, #tpu.memory_space<hbm>>) target_semaphore(%arg14 : memref<!tpu.dma_semaphore, #tpu.memory_space<semaphore_mem>>)
    %add3A_544 = arith.constant 1240 : i32
    %add3A_545 = arith.addi %min3A_5, %add3A_544 : i32
    %dma_wait3A_546 = arith.constant 1 : i32
    %dma_wait3A_547 = arith.constant 0 : i32
    %dma_wait3A_548 = arith.constant 0 : i32
    %dma_wait3A_549 = tpu.memref_slice %arg7[%dma_wait3A_546, %dma_wait3A_547, %dma_wait3A_548] : memref<2x248x128xf32, #tpu.memory_space<vmem>> -> memref<1x248x128xf32, #tpu.memory_space<vmem>>
    %dma_wait3A_550 = tpu.memref_squeeze %dma_wait3A_549 : memref<1x248x128xf32, #tpu.memory_space<vmem>> -> memref<248x128xf32, #tpu.memory_space<vmem>>
    %dma_wait3A_551 = arith.constant 0 : i32
    %dma_wait3A_552 = tpu.memref_slice %arg5[%add3A_545, %dma_wait3A_551] : memref<100000x256xf32, #tpu.memory_space<hbm>> -> memref<248x128xf32, #tpu.memory_space<hbm>>
    %dma_wait3A_553 = arith.constant 0 : i32
    %dma_wait3A_554 = tpu.memref_slice %arg5[%add3A_545, %dma_wait3A_553] : memref<100000x256xf32, #tpu.memory_space<hbm>> -> memref<248x128xf32, #tpu.memory_space<hbm>>
    %dma_wait3A_555 = arith.constant 0 : i32
    %dma_wait3A_556 = arith.constant 0 : i32
    %dma_wait3A_557 = tpu.memref_slice %arg7[%dma_wait3A_546, %dma_wait3A_555, %dma_wait3A_556] : memref<2x248x128xf32, #tpu.memory_space<vmem>> -> memref<1x248x128xf32, #tpu.memory_space<vmem>>
    %dma_wait3A_558 = tpu.memref_squeeze %dma_wait3A_557 : memref<1x248x128xf32, #tpu.memory_space<vmem>> -> memref<248x128xf32, #tpu.memory_space<vmem>>
    tpu.wait_dma2 semaphore(%arg13 : memref<!tpu.dma_semaphore, #tpu.memory_space<semaphore_mem>>) src(%dma_wait3A_558 : memref<248x128xf32, #tpu.memory_space<vmem>>) dst(%dma_wait3A_554 : memref<248x128xf32, #tpu.memory_space<hbm>>)
    %add3A_559 = arith.constant 1240 : i32
    %add3A_560 = arith.addi %min3A_5, %add3A_559 : i32
    %dma_wait3A_561 = arith.constant 1 : i32
    %dma_wait3A_562 = arith.constant 128 : i32
    %dma_wait3A_563 = tpu.memref_slice %arg5[%add3A_560, %dma_wait3A_562] : memref<100000x256xf32, #tpu.memory_space<hbm>> -> memref<248x128xf32, #tpu.memory_space<hbm>>
    %dma_wait3A_564 = arith.constant 0 : i32
    %dma_wait3A_565 = arith.constant 0 : i32
    %dma_wait3A_566 = tpu.memref_slice %arg9[%arg1, %dma_wait3A_561, %dma_wait3A_564, %dma_wait3A_565] : memref<16x2x248x128xf32, #tpu.memory_space<vmem_shared>> -> memref<1x1x248x128xf32, #tpu.memory_space<vmem_shared>>
    %dma_wait3A_567 = tpu.memref_squeeze %dma_wait3A_566 : memref<1x1x248x128xf32, #tpu.memory_space<vmem_shared>> -> memref<248x128xf32, #tpu.memory_space<vmem_shared>>
    tpu.wait_dma2 semaphore(%arg15 : memref<!tpu.dma_semaphore, #tpu.memory_space<semaphore_mem>>) src(%dma_wait3A_567 : memref<248x128xf32, #tpu.memory_space<vmem_shared>>) dst(%dma_wait3A_563 : memref<248x128xf32, #tpu.memory_space<hbm>>)
    %dma_start3A_568 = arith.constant 1 : i32
    %dma_start3A_569 = arith.constant 0 : i32
    %dma_start3A_570 = arith.constant 0 : i32
    %dma_start3A_571 = tpu.memref_slice %arg7[%dma_start3A_568, %dma_start3A_569, %dma_start3A_570] : memref<2x248x128xf32, #tpu.memory_space<vmem>> -> memref<1x248x128xf32, #tpu.memory_space<vmem>>
    %dma_start3A_572 = tpu.memref_squeeze %dma_start3A_571 : memref<1x248x128xf32, #tpu.memory_space<vmem>> -> memref<248x128xf32, #tpu.memory_space<vmem>>
    %dma_start3A_573 = arith.constant 1736 : i32
    %dma_start3A_574 = tpu.memref_slice %arg6[%dma_start3A_573] : memref<3128xi32, #tpu.memory_space<vmem>> -> memref<248xi32, #tpu.memory_space<vmem>>
    %dma_start3A_575 = arith.constant 0 : i32
    %dma_start3A_576 = arith.constant 0 : i32
    %dma_start3A_577 = tpu.memref_slice %arg8[%dma_start3A_575, %dma_start3A_576] : memref<100x128xf32, #tpu.memory_space<vmem_shared>> -> memref<100x128xf32, #tpu.memory_space<vmem_shared>>
    tpu.enqueue_indirect_dma source(%dma_start3A_577 : memref<100x128xf32, #tpu.memory_space<vmem_shared>>) target(%dma_start3A_572 : memref<248x128xf32, #tpu.memory_space<vmem>>) offsets(%dma_start3A_574 : memref<248xi32, #tpu.memory_space<vmem>>) semaphore(%arg10 : memref<!tpu.dma_semaphore, #tpu.memory_space<semaphore_mem>>)
    %add3A_578 = arith.constant 1736 : i32
    %add3A_579 = arith.addi %min3A_5, %add3A_578 : i32
    %dma_start3A_580 = arith.constant 1 : i32
    %dma_start3A_581 = arith.constant 0 : i32
    %dma_start3A_582 = arith.constant 0 : i32
    %dma_start3A_583 = tpu.memref_slice %arg9[%arg1, %dma_start3A_580, %dma_start3A_581, %dma_start3A_582] : memref<16x2x248x128xf32, #tpu.memory_space<vmem_shared>> -> memref<1x1x248x128xf32, #tpu.memory_space<vmem_shared>>
    %dma_start3A_584 = tpu.memref_squeeze %dma_start3A_583 : memref<1x1x248x128xf32, #tpu.memory_space<vmem_shared>> -> memref<248x128xf32, #tpu.memory_space<vmem_shared>>
    %dma_start3A_585 = arith.constant 0 : i32
    %dma_start3A_586 = tpu.memref_slice %arg3[%add3A_579, %dma_start3A_585] : memref<100000x128xf32, #tpu.memory_space<hbm>> -> memref<248x128xf32, #tpu.memory_space<hbm>>
    tpu.enqueue_dma source(%dma_start3A_586 : memref<248x128xf32, #tpu.memory_space<hbm>>) target(%dma_start3A_584 : memref<248x128xf32, #tpu.memory_space<vmem_shared>>) target_semaphore(%arg11 : memref<!tpu.dma_semaphore, #tpu.memory_space<semaphore_mem>>)
    %dma_wait3A_587 = arith.constant 1 : i32
    %dma_wait3A_588 = arith.constant 0 : i32
    %dma_wait3A_589 = arith.constant 0 : i32
    %dma_wait3A_590 = tpu.memref_slice %arg7[%dma_wait3A_587, %dma_wait3A_588, %dma_wait3A_589] : memref<2x248x128xf32, #tpu.memory_space<vmem>> -> memref<1x248x128xf32, #tpu.memory_space<vmem>>
    %dma_wait3A_591 = tpu.memref_squeeze %dma_wait3A_590 : memref<1x248x128xf32, #tpu.memory_space<vmem>> -> memref<248x128xf32, #tpu.memory_space<vmem>>
    %dma_wait3A_592 = arith.constant 1736 : i32
    %dma_wait3A_593 = tpu.memref_slice %arg6[%dma_wait3A_592] : memref<3128xi32, #tpu.memory_space<vmem>> -> memref<248xi32, #tpu.memory_space<vmem>>
    %dma_wait3A_594 = arith.constant 0 : i32
    %dma_wait3A_595 = arith.constant 0 : i32
    %dma_wait3A_596 = tpu.memref_slice %arg8[%dma_wait3A_594, %dma_wait3A_595] : memref<100x128xf32, #tpu.memory_space<vmem_shared>> -> memref<100x128xf32, #tpu.memory_space<vmem_shared>>
    tpu.wait_indirect_dma semaphore(%arg10 : memref<!tpu.dma_semaphore, #tpu.memory_space<semaphore_mem>>) src(%dma_wait3A_596 : memref<100x128xf32, #tpu.memory_space<vmem_shared>>) dst(%dma_wait3A_591 : memref<248x128xf32, #tpu.memory_space<vmem>>)
    %add3A_597 = arith.constant 1736 : i32
    %add3A_598 = arith.addi %min3A_5, %add3A_597 : i32
    %dma_start3A_599 = arith.constant 1 : i32
    %dma_start3A_600 = arith.constant 0 : i32
    %dma_start3A_601 = arith.constant 0 : i32
    %dma_start3A_602 = tpu.memref_slice %arg7[%dma_start3A_599, %dma_start3A_600, %dma_start3A_601] : memref<2x248x128xf32, #tpu.memory_space<vmem>> -> memref<1x248x128xf32, #tpu.memory_space<vmem>>
    %dma_start3A_603 = tpu.memref_squeeze %dma_start3A_602 : memref<1x248x128xf32, #tpu.memory_space<vmem>> -> memref<248x128xf32, #tpu.memory_space<vmem>>
    %dma_start3A_604 = arith.constant 0 : i32
    %dma_start3A_605 = tpu.memref_slice %arg5[%add3A_598, %dma_start3A_604] : memref<100000x256xf32, #tpu.memory_space<hbm>> -> memref<248x128xf32, #tpu.memory_space<hbm>>
    %dma_start3A_606 = arith.constant 0 : i32
    %dma_start3A_607 = tpu.memref_slice %arg5[%add3A_598, %dma_start3A_606] : memref<100000x256xf32, #tpu.memory_space<hbm>> -> memref<248x128xf32, #tpu.memory_space<hbm>>
    %dma_start3A_608 = arith.constant 0 : i32
    %dma_start3A_609 = arith.constant 0 : i32
    %dma_start3A_610 = tpu.memref_slice %arg7[%dma_start3A_599, %dma_start3A_608, %dma_start3A_609] : memref<2x248x128xf32, #tpu.memory_space<vmem>> -> memref<1x248x128xf32, #tpu.memory_space<vmem>>
    %dma_start3A_611 = tpu.memref_squeeze %dma_start3A_610 : memref<1x248x128xf32, #tpu.memory_space<vmem>> -> memref<248x128xf32, #tpu.memory_space<vmem>>
    tpu.enqueue_dma source(%dma_start3A_611 : memref<248x128xf32, #tpu.memory_space<vmem>>) target(%dma_start3A_607 : memref<248x128xf32, #tpu.memory_space<hbm>>) target_semaphore(%arg13 : memref<!tpu.dma_semaphore, #tpu.memory_space<semaphore_mem>>)
    %dma_wait3A_612 = arith.constant 1 : i32
    %dma_wait3A_613 = arith.constant 0 : i32
    %dma_wait3A_614 = arith.constant 0 : i32
    %dma_wait3A_615 = tpu.memref_slice %arg9[%arg1, %dma_wait3A_612, %dma_wait3A_613, %dma_wait3A_614] : memref<16x2x248x128xf32, #tpu.memory_space<vmem_shared>> -> memref<1x1x248x128xf32, #tpu.memory_space<vmem_shared>>
    %dma_wait3A_616 = tpu.memref_squeeze %dma_wait3A_615 : memref<1x1x248x128xf32, #tpu.memory_space<vmem_shared>> -> memref<248x128xf32, #tpu.memory_space<vmem_shared>>
    %dma_wait3A_617 = arith.constant 0 : i32
    %dma_wait3A_618 = tpu.memref_slice %arg3[%add3A_579, %dma_wait3A_617] : memref<100000x128xf32, #tpu.memory_space<hbm>> -> memref<248x128xf32, #tpu.memory_space<hbm>>
    tpu.wait_dma2 semaphore(%arg11 : memref<!tpu.dma_semaphore, #tpu.memory_space<semaphore_mem>>) src(%dma_wait3A_618 : memref<248x128xf32, #tpu.memory_space<hbm>>) dst(%dma_wait3A_616 : memref<248x128xf32, #tpu.memory_space<vmem_shared>>)
    %add3A_619 = arith.constant 1736 : i32
    %add3A_620 = arith.addi %min3A_5, %add3A_619 : i32
    %dma_start3A_621 = arith.constant 1 : i32
    %dma_start3A_622 = arith.constant 128 : i32
    %dma_start3A_623 = tpu.memref_slice %arg5[%add3A_620, %dma_start3A_622] : memref<100000x256xf32, #tpu.memory_space<hbm>> -> memref<248x128xf32, #tpu.memory_space<hbm>>
    %dma_start3A_624 = arith.constant 0 : i32
    %dma_start3A_625 = arith.constant 0 : i32
    %dma_start3A_626 = tpu.memref_slice %arg9[%arg1, %dma_start3A_621, %dma_start3A_624, %dma_start3A_625] : memref<16x2x248x128xf32, #tpu.memory_space<vmem_shared>> -> memref<1x1x248x128xf32, #tpu.memory_space<vmem_shared>>
    %dma_start3A_627 = tpu.memref_squeeze %dma_start3A_626 : memref<1x1x248x128xf32, #tpu.memory_space<vmem_shared>> -> memref<248x128xf32, #tpu.memory_space<vmem_shared>>
    tpu.enqueue_dma source(%dma_start3A_627 : memref<248x128xf32, #tpu.memory_space<vmem_shared>>) target(%dma_start3A_623 : memref<248x128xf32, #tpu.memory_space<hbm>>) target_semaphore(%arg15 : memref<!tpu.dma_semaphore, #tpu.memory_space<semaphore_mem>>)
    %add3A_628 = arith.constant 1488 : i32
    %add3A_629 = arith.addi %min3A_5, %add3A_628 : i32
    %dma_wait3A_630 = arith.constant 0 : i32
    %dma_wait3A_631 = arith.constant 0 : i32
    %dma_wait3A_632 = arith.constant 0 : i32
    %dma_wait3A_633 = tpu.memref_slice %arg7[%dma_wait3A_630, %dma_wait3A_631, %dma_wait3A_632] : memref<2x248x128xf32, #tpu.memory_space<vmem>> -> memref<1x248x128xf32, #tpu.memory_space<vmem>>
    %dma_wait3A_634 = tpu.memref_squeeze %dma_wait3A_633 : memref<1x248x128xf32, #tpu.memory_space<vmem>> -> memref<248x128xf32, #tpu.memory_space<vmem>>
    %dma_wait3A_635 = arith.constant 0 : i32
    %dma_wait3A_636 = tpu.memref_slice %arg5[%add3A_629, %dma_wait3A_635] : memref<100000x256xf32, #tpu.memory_space<hbm>> -> memref<248x128xf32, #tpu.memory_space<hbm>>
    %dma_wait3A_637 = arith.constant 0 : i32
    %dma_wait3A_638 = tpu.memref_slice %arg5[%add3A_629, %dma_wait3A_637] : memref<100000x256xf32, #tpu.memory_space<hbm>> -> memref<248x128xf32, #tpu.memory_space<hbm>>
    %dma_wait3A_639 = arith.constant 0 : i32
    %dma_wait3A_640 = arith.constant 0 : i32
    %dma_wait3A_641 = tpu.memref_slice %arg7[%dma_wait3A_630, %dma_wait3A_639, %dma_wait3A_640] : memref<2x248x128xf32, #tpu.memory_space<vmem>> -> memref<1x248x128xf32, #tpu.memory_space<vmem>>
    %dma_wait3A_642 = tpu.memref_squeeze %dma_wait3A_641 : memref<1x248x128xf32, #tpu.memory_space<vmem>> -> memref<248x128xf32, #tpu.memory_space<vmem>>
    tpu.wait_dma2 semaphore(%arg12 : memref<!tpu.dma_semaphore, #tpu.memory_space<semaphore_mem>>) src(%dma_wait3A_642 : memref<248x128xf32, #tpu.memory_space<vmem>>) dst(%dma_wait3A_638 : memref<248x128xf32, #tpu.memory_space<hbm>>)
    %add3A_643 = arith.constant 1488 : i32
    %add3A_644 = arith.addi %min3A_5, %add3A_643 : i32
    %dma_wait3A_645 = arith.constant 0 : i32
    %dma_wait3A_646 = arith.constant 128 : i32
    %dma_wait3A_647 = tpu.memref_slice %arg5[%add3A_644, %dma_wait3A_646] : memref<100000x256xf32, #tpu.memory_space<hbm>> -> memref<248x128xf32, #tpu.memory_space<hbm>>
    %dma_wait3A_648 = arith.constant 0 : i32
    %dma_wait3A_649 = arith.constant 0 : i32
    %dma_wait3A_650 = tpu.memref_slice %arg9[%arg1, %dma_wait3A_645, %dma_wait3A_648, %dma_wait3A_649] : memref<16x2x248x128xf32, #tpu.memory_space<vmem_shared>> -> memref<1x1x248x128xf32, #tpu.memory_space<vmem_shared>>
    %dma_wait3A_651 = tpu.memref_squeeze %dma_wait3A_650 : memref<1x1x248x128xf32, #tpu.memory_space<vmem_shared>> -> memref<248x128xf32, #tpu.memory_space<vmem_shared>>
    tpu.wait_dma2 semaphore(%arg14 : memref<!tpu.dma_semaphore, #tpu.memory_space<semaphore_mem>>) src(%dma_wait3A_651 : memref<248x128xf32, #tpu.memory_space<vmem_shared>>) dst(%dma_wait3A_647 : memref<248x128xf32, #tpu.memory_space<hbm>>)
    %dma_start3A_652 = arith.constant 0 : i32
    %dma_start3A_653 = arith.constant 0 : i32
    %dma_start3A_654 = arith.constant 0 : i32
    %dma_start3A_655 = tpu.memref_slice %arg7[%dma_start3A_652, %dma_start3A_653, %dma_start3A_654] : memref<2x248x128xf32, #tpu.memory_space<vmem>> -> memref<1x248x128xf32, #tpu.memory_space<vmem>>
    %dma_start3A_656 = tpu.memref_squeeze %dma_start3A_655 : memref<1x248x128xf32, #tpu.memory_space<vmem>> -> memref<248x128xf32, #tpu.memory_space<vmem>>
    %dma_start3A_657 = arith.constant 1984 : i32
    %dma_start3A_658 = tpu.memref_slice %arg6[%dma_start3A_657] : memref<3128xi32, #tpu.memory_space<vmem>> -> memref<248xi32, #tpu.memory_space<vmem>>
    %dma_start3A_659 = arith.constant 0 : i32
    %dma_start3A_660 = arith.constant 0 : i32
    %dma_start3A_661 = tpu.memref_slice %arg8[%dma_start3A_659, %dma_start3A_660] : memref<100x128xf32, #tpu.memory_space<vmem_shared>> -> memref<100x128xf32, #tpu.memory_space<vmem_shared>>
    tpu.enqueue_indirect_dma source(%dma_start3A_661 : memref<100x128xf32, #tpu.memory_space<vmem_shared>>) target(%dma_start3A_656 : memref<248x128xf32, #tpu.memory_space<vmem>>) offsets(%dma_start3A_658 : memref<248xi32, #tpu.memory_space<vmem>>) semaphore(%arg10 : memref<!tpu.dma_semaphore, #tpu.memory_space<semaphore_mem>>)
    %add3A_662 = arith.constant 1984 : i32
    %add3A_663 = arith.addi %min3A_5, %add3A_662 : i32
    %dma_start3A_664 = arith.constant 0 : i32
    %dma_start3A_665 = arith.constant 0 : i32
    %dma_start3A_666 = arith.constant 0 : i32
    %dma_start3A_667 = tpu.memref_slice %arg9[%arg1, %dma_start3A_664, %dma_start3A_665, %dma_start3A_666] : memref<16x2x248x128xf32, #tpu.memory_space<vmem_shared>> -> memref<1x1x248x128xf32, #tpu.memory_space<vmem_shared>>
    %dma_start3A_668 = tpu.memref_squeeze %dma_start3A_667 : memref<1x1x248x128xf32, #tpu.memory_space<vmem_shared>> -> memref<248x128xf32, #tpu.memory_space<vmem_shared>>
    %dma_start3A_669 = arith.constant 0 : i32
    %dma_start3A_670 = tpu.memref_slice %arg3[%add3A_663, %dma_start3A_669] : memref<100000x128xf32, #tpu.memory_space<hbm>> -> memref<248x128xf32, #tpu.memory_space<hbm>>
    tpu.enqueue_dma source(%dma_start3A_670 : memref<248x128xf32, #tpu.memory_space<hbm>>) target(%dma_start3A_668 : memref<248x128xf32, #tpu.memory_space<vmem_shared>>) target_semaphore(%arg11 : memref<!tpu.dma_semaphore, #tpu.memory_space<semaphore_mem>>)
    %dma_wait3A_671 = arith.constant 0 : i32
    %dma_wait3A_672 = arith.constant 0 : i32
    %dma_wait3A_673 = arith.constant 0 : i32
    %dma_wait3A_674 = tpu.memref_slice %arg7[%dma_wait3A_671, %dma_wait3A_672, %dma_wait3A_673] : memref<2x248x128xf32, #tpu.memory_space<vmem>> -> memref<1x248x128xf32, #tpu.memory_space<vmem>>
    %dma_wait3A_675 = tpu.memref_squeeze %dma_wait3A_674 : memref<1x248x128xf32, #tpu.memory_space<vmem>> -> memref<248x128xf32, #tpu.memory_space<vmem>>
    %dma_wait3A_676 = arith.constant 1984 : i32
    %dma_wait3A_677 = tpu.memref_slice %arg6[%dma_wait3A_676] : memref<3128xi32, #tpu.memory_space<vmem>> -> memref<248xi32, #tpu.memory_space<vmem>>
    %dma_wait3A_678 = arith.constant 0 : i32
    %dma_wait3A_679 = arith.constant 0 : i32
    %dma_wait3A_680 = tpu.memref_slice %arg8[%dma_wait3A_678, %dma_wait3A_679] : memref<100x128xf32, #tpu.memory_space<vmem_shared>> -> memref<100x128xf32, #tpu.memory_space<vmem_shared>>
    tpu.wait_indirect_dma semaphore(%arg10 : memref<!tpu.dma_semaphore, #tpu.memory_space<semaphore_mem>>) src(%dma_wait3A_680 : memref<100x128xf32, #tpu.memory_space<vmem_shared>>) dst(%dma_wait3A_675 : memref<248x128xf32, #tpu.memory_space<vmem>>)
    %add3A_681 = arith.constant 1984 : i32
    %add3A_682 = arith.addi %min3A_5, %add3A_681 : i32
    %dma_start3A_683 = arith.constant 0 : i32
    %dma_start3A_684 = arith.constant 0 : i32
    %dma_start3A_685 = arith.constant 0 : i32
    %dma_start3A_686 = tpu.memref_slice %arg7[%dma_start3A_683, %dma_start3A_684, %dma_start3A_685] : memref<2x248x128xf32, #tpu.memory_space<vmem>> -> memref<1x248x128xf32, #tpu.memory_space<vmem>>
    %dma_start3A_687 = tpu.memref_squeeze %dma_start3A_686 : memref<1x248x128xf32, #tpu.memory_space<vmem>> -> memref<248x128xf32, #tpu.memory_space<vmem>>
    %dma_start3A_688 = arith.constant 0 : i32
    %dma_start3A_689 = tpu.memref_slice %arg5[%add3A_682, %dma_start3A_688] : memref<100000x256xf32, #tpu.memory_space<hbm>> -> memref<248x128xf32, #tpu.memory_space<hbm>>
    %dma_start3A_690 = arith.constant 0 : i32
    %dma_start3A_691 = tpu.memref_slice %arg5[%add3A_682, %dma_start3A_690] : memref<100000x256xf32, #tpu.memory_space<hbm>> -> memref<248x128xf32, #tpu.memory_space<hbm>>
    %dma_start3A_692 = arith.constant 0 : i32
    %dma_start3A_693 = arith.constant 0 : i32
    %dma_start3A_694 = tpu.memref_slice %arg7[%dma_start3A_683, %dma_start3A_692, %dma_start3A_693] : memref<2x248x128xf32, #tpu.memory_space<vmem>> -> memref<1x248x128xf32, #tpu.memory_space<vmem>>
    %dma_start3A_695 = tpu.memref_squeeze %dma_start3A_694 : memref<1x248x128xf32, #tpu.memory_space<vmem>> -> memref<248x128xf32, #tpu.memory_space<vmem>>
    tpu.enqueue_dma source(%dma_start3A_695 : memref<248x128xf32, #tpu.memory_space<vmem>>) target(%dma_start3A_691 : memref<248x128xf32, #tpu.memory_space<hbm>>) target_semaphore(%arg12 : memref<!tpu.dma_semaphore, #tpu.memory_space<semaphore_mem>>)
    %dma_wait3A_696 = arith.constant 0 : i32
    %dma_wait3A_697 = arith.constant 0 : i32
    %dma_wait3A_698 = arith.constant 0 : i32
    %dma_wait3A_699 = tpu.memref_slice %arg9[%arg1, %dma_wait3A_696, %dma_wait3A_697, %dma_wait3A_698] : memref<16x2x248x128xf32, #tpu.memory_space<vmem_shared>> -> memref<1x1x248x128xf32, #tpu.memory_space<vmem_shared>>
    %dma_wait3A_700 = tpu.memref_squeeze %dma_wait3A_699 : memref<1x1x248x128xf32, #tpu.memory_space<vmem_shared>> -> memref<248x128xf32, #tpu.memory_space<vmem_shared>>
    %dma_wait3A_701 = arith.constant 0 : i32
    %dma_wait3A_702 = tpu.memref_slice %arg3[%add3A_663, %dma_wait3A_701] : memref<100000x128xf32, #tpu.memory_space<hbm>> -> memref<248x128xf32, #tpu.memory_space<hbm>>
    tpu.wait_dma2 semaphore(%arg11 : memref<!tpu.dma_semaphore, #tpu.memory_space<semaphore_mem>>) src(%dma_wait3A_702 : memref<248x128xf32, #tpu.memory_space<hbm>>) dst(%dma_wait3A_700 : memref<248x128xf32, #tpu.memory_space<vmem_shared>>)
    %add3A_703 = arith.constant 1984 : i32
    %add3A_704 = arith.addi %min3A_5, %add3A_703 : i32
    %dma_start3A_705 = arith.constant 0 : i32
    %dma_start3A_706 = arith.constant 128 : i32
    %dma_start3A_707 = tpu.memref_slice %arg5[%add3A_704, %dma_start3A_706] : memref<100000x256xf32, #tpu.memory_space<hbm>> -> memref<248x128xf32, #tpu.memory_space<hbm>>
    %dma_start3A_708 = arith.constant 0 : i32
    %dma_start3A_709 = arith.constant 0 : i32
    %dma_start3A_710 = tpu.memref_slice %arg9[%arg1, %dma_start3A_705, %dma_start3A_708, %dma_start3A_709] : memref<16x2x248x128xf32, #tpu.memory_space<vmem_shared>> -> memref<1x1x248x128xf32, #tpu.memory_space<vmem_shared>>
    %dma_start3A_711 = tpu.memref_squeeze %dma_start3A_710 : memref<1x1x248x128xf32, #tpu.memory_space<vmem_shared>> -> memref<248x128xf32, #tpu.memory_space<vmem_shared>>
    tpu.enqueue_dma source(%dma_start3A_711 : memref<248x128xf32, #tpu.memory_space<vmem_shared>>) target(%dma_start3A_707 : memref<248x128xf32, #tpu.memory_space<hbm>>) target_semaphore(%arg14 : memref<!tpu.dma_semaphore, #tpu.memory_space<semaphore_mem>>)
    %add3A_712 = arith.constant 1736 : i32
    %add3A_713 = arith.addi %min3A_5, %add3A_712 : i32
    %dma_wait3A_714 = arith.constant 1 : i32
    %dma_wait3A_715 = arith.constant 0 : i32
    %dma_wait3A_716 = arith.constant 0 : i32
    %dma_wait3A_717 = tpu.memref_slice %arg7[%dma_wait3A_714, %dma_wait3A_715, %dma_wait3A_716] : memref<2x248x128xf32, #tpu.memory_space<vmem>> -> memref<1x248x128xf32, #tpu.memory_space<vmem>>
    %dma_wait3A_718 = tpu.memref_squeeze %dma_wait3A_717 : memref<1x248x128xf32, #tpu.memory_space<vmem>> -> memref<248x128xf32, #tpu.memory_space<vmem>>
    %dma_wait3A_719 = arith.constant 0 : i32
    %dma_wait3A_720 = tpu.memref_slice %arg5[%add3A_713, %dma_wait3A_719] : memref<100000x256xf32, #tpu.memory_space<hbm>> -> memref<248x128xf32, #tpu.memory_space<hbm>>
    %dma_wait3A_721 = arith.constant 0 : i32
    %dma_wait3A_722 = tpu.memref_slice %arg5[%add3A_713, %dma_wait3A_721] : memref<100000x256xf32, #tpu.memory_space<hbm>> -> memref<248x128xf32, #tpu.memory_space<hbm>>
    %dma_wait3A_723 = arith.constant 0 : i32
    %dma_wait3A_724 = arith.constant 0 : i32
    %dma_wait3A_725 = tpu.memref_slice %arg7[%dma_wait3A_714, %dma_wait3A_723, %dma_wait3A_724] : memref<2x248x128xf32, #tpu.memory_space<vmem>> -> memref<1x248x128xf32, #tpu.memory_space<vmem>>
    %dma_wait3A_726 = tpu.memref_squeeze %dma_wait3A_725 : memref<1x248x128xf32, #tpu.memory_space<vmem>> -> memref<248x128xf32, #tpu.memory_space<vmem>>
    tpu.wait_dma2 semaphore(%arg13 : memref<!tpu.dma_semaphore, #tpu.memory_space<semaphore_mem>>) src(%dma_wait3A_726 : memref<248x128xf32, #tpu.memory_space<vmem>>) dst(%dma_wait3A_722 : memref<248x128xf32, #tpu.memory_space<hbm>>)
    %add3A_727 = arith.constant 1736 : i32
    %add3A_728 = arith.addi %min3A_5, %add3A_727 : i32
    %dma_wait3A_729 = arith.constant 1 : i32
    %dma_wait3A_730 = arith.constant 128 : i32
    %dma_wait3A_731 = tpu.memref_slice %arg5[%add3A_728, %dma_wait3A_730] : memref<100000x256xf32, #tpu.memory_space<hbm>> -> memref<248x128xf32, #tpu.memory_space<hbm>>
    %dma_wait3A_732 = arith.constant 0 : i32
    %dma_wait3A_733 = arith.constant 0 : i32
    %dma_wait3A_734 = tpu.memref_slice %arg9[%arg1, %dma_wait3A_729, %dma_wait3A_732, %dma_wait3A_733] : memref<16x2x248x128xf32, #tpu.memory_space<vmem_shared>> -> memref<1x1x248x128xf32, #tpu.memory_space<vmem_shared>>
    %dma_wait3A_735 = tpu.memref_squeeze %dma_wait3A_734 : memref<1x1x248x128xf32, #tpu.memory_space<vmem_shared>> -> memref<248x128xf32, #tpu.memory_space<vmem_shared>>
    tpu.wait_dma2 semaphore(%arg15 : memref<!tpu.dma_semaphore, #tpu.memory_space<semaphore_mem>>) src(%dma_wait3A_735 : memref<248x128xf32, #tpu.memory_space<vmem_shared>>) dst(%dma_wait3A_731 : memref<248x128xf32, #tpu.memory_space<hbm>>)
    %dma_start3A_736 = arith.constant 1 : i32
    %dma_start3A_737 = arith.constant 0 : i32
    %dma_start3A_738 = arith.constant 0 : i32
    %dma_start3A_739 = tpu.memref_slice %arg7[%dma_start3A_736, %dma_start3A_737, %dma_start3A_738] : memref<2x248x128xf32, #tpu.memory_space<vmem>> -> memref<1x248x128xf32, #tpu.memory_space<vmem>>
    %dma_start3A_740 = tpu.memref_squeeze %dma_start3A_739 : memref<1x248x128xf32, #tpu.memory_space<vmem>> -> memref<248x128xf32, #tpu.memory_space<vmem>>
    %dma_start3A_741 = arith.constant 2232 : i32
    %dma_start3A_742 = tpu.memref_slice %arg6[%dma_start3A_741] : memref<3128xi32, #tpu.memory_space<vmem>> -> memref<248xi32, #tpu.memory_space<vmem>>
    %dma_start3A_743 = arith.constant 0 : i32
    %dma_start3A_744 = arith.constant 0 : i32
    %dma_start3A_745 = tpu.memref_slice %arg8[%dma_start3A_743, %dma_start3A_744] : memref<100x128xf32, #tpu.memory_space<vmem_shared>> -> memref<100x128xf32, #tpu.memory_space<vmem_shared>>
    tpu.enqueue_indirect_dma source(%dma_start3A_745 : memref<100x128xf32, #tpu.memory_space<vmem_shared>>) target(%dma_start3A_740 : memref<248x128xf32, #tpu.memory_space<vmem>>) offsets(%dma_start3A_742 : memref<248xi32, #tpu.memory_space<vmem>>) semaphore(%arg10 : memref<!tpu.dma_semaphore, #tpu.memory_space<semaphore_mem>>)
    %add3A_746 = arith.constant 2232 : i32
    %add3A_747 = arith.addi %min3A_5, %add3A_746 : i32
    %dma_start3A_748 = arith.constant 1 : i32
    %dma_start3A_749 = arith.constant 0 : i32
    %dma_start3A_750 = arith.constant 0 : i32
    %dma_start3A_751 = tpu.memref_slice %arg9[%arg1, %dma_start3A_748, %dma_start3A_749, %dma_start3A_750] : memref<16x2x248x128xf32, #tpu.memory_space<vmem_shared>> -> memref<1x1x248x128xf32, #tpu.memory_space<vmem_shared>>
    %dma_start3A_752 = tpu.memref_squeeze %dma_start3A_751 : memref<1x1x248x128xf32, #tpu.memory_space<vmem_shared>> -> memref<248x128xf32, #tpu.memory_space<vmem_shared>>
    %dma_start3A_753 = arith.constant 0 : i32
    %dma_start3A_754 = tpu.memref_slice %arg3[%add3A_747, %dma_start3A_753] : memref<100000x128xf32, #tpu.memory_space<hbm>> -> memref<248x128xf32, #tpu.memory_space<hbm>>
    tpu.enqueue_dma source(%dma_start3A_754 : memref<248x128xf32, #tpu.memory_space<hbm>>) target(%dma_start3A_752 : memref<248x128xf32, #tpu.memory_space<vmem_shared>>) target_semaphore(%arg11 : memref<!tpu.dma_semaphore, #tpu.memory_space<semaphore_mem>>)
    %dma_wait3A_755 = arith.constant 1 : i32
    %dma_wait3A_756 = arith.constant 0 : i32
    %dma_wait3A_757 = arith.constant 0 : i32
    %dma_wait3A_758 = tpu.memref_slice %arg7[%dma_wait3A_755, %dma_wait3A_756, %dma_wait3A_757] : memref<2x248x128xf32, #tpu.memory_space<vmem>> -> memref<1x248x128xf32, #tpu.memory_space<vmem>>
    %dma_wait3A_759 = tpu.memref_squeeze %dma_wait3A_758 : memref<1x248x128xf32, #tpu.memory_space<vmem>> -> memref<248x128xf32, #tpu.memory_space<vmem>>
    %dma_wait3A_760 = arith.constant 2232 : i32
    %dma_wait3A_761 = tpu.memref_slice %arg6[%dma_wait3A_760] : memref<3128xi32, #tpu.memory_space<vmem>> -> memref<248xi32, #tpu.memory_space<vmem>>
    %dma_wait3A_762 = arith.constant 0 : i32
    %dma_wait3A_763 = arith.constant 0 : i32
    %dma_wait3A_764 = tpu.memref_slice %arg8[%dma_wait3A_762, %dma_wait3A_763] : memref<100x128xf32, #tpu.memory_space<vmem_shared>> -> memref<100x128xf32, #tpu.memory_space<vmem_shared>>
    tpu.wait_indirect_dma semaphore(%arg10 : memref<!tpu.dma_semaphore, #tpu.memory_space<semaphore_mem>>) src(%dma_wait3A_764 : memref<100x128xf32, #tpu.memory_space<vmem_shared>>) dst(%dma_wait3A_759 : memref<248x128xf32, #tpu.memory_space<vmem>>)
    %add3A_765 = arith.constant 2232 : i32
    %add3A_766 = arith.addi %min3A_5, %add3A_765 : i32
    %dma_start3A_767 = arith.constant 1 : i32
    %dma_start3A_768 = arith.constant 0 : i32
    %dma_start3A_769 = arith.constant 0 : i32
    %dma_start3A_770 = tpu.memref_slice %arg7[%dma_start3A_767, %dma_start3A_768, %dma_start3A_769] : memref<2x248x128xf32, #tpu.memory_space<vmem>> -> memref<1x248x128xf32, #tpu.memory_space<vmem>>
    %dma_start3A_771 = tpu.memref_squeeze %dma_start3A_770 : memref<1x248x128xf32, #tpu.memory_space<vmem>> -> memref<248x128xf32, #tpu.memory_space<vmem>>
    %dma_start3A_772 = arith.constant 0 : i32
    %dma_start3A_773 = tpu.memref_slice %arg5[%add3A_766, %dma_start3A_772] : memref<100000x256xf32, #tpu.memory_space<hbm>> -> memref<248x128xf32, #tpu.memory_space<hbm>>
    %dma_start3A_774 = arith.constant 0 : i32
    %dma_start3A_775 = tpu.memref_slice %arg5[%add3A_766, %dma_start3A_774] : memref<100000x256xf32, #tpu.memory_space<hbm>> -> memref<248x128xf32, #tpu.memory_space<hbm>>
    %dma_start3A_776 = arith.constant 0 : i32
    %dma_start3A_777 = arith.constant 0 : i32
    %dma_start3A_778 = tpu.memref_slice %arg7[%dma_start3A_767, %dma_start3A_776, %dma_start3A_777] : memref<2x248x128xf32, #tpu.memory_space<vmem>> -> memref<1x248x128xf32, #tpu.memory_space<vmem>>
    %dma_start3A_779 = tpu.memref_squeeze %dma_start3A_778 : memref<1x248x128xf32, #tpu.memory_space<vmem>> -> memref<248x128xf32, #tpu.memory_space<vmem>>
    tpu.enqueue_dma source(%dma_start3A_779 : memref<248x128xf32, #tpu.memory_space<vmem>>) target(%dma_start3A_775 : memref<248x128xf32, #tpu.memory_space<hbm>>) target_semaphore(%arg13 : memref<!tpu.dma_semaphore, #tpu.memory_space<semaphore_mem>>)
    %dma_wait3A_780 = arith.constant 1 : i32
    %dma_wait3A_781 = arith.constant 0 : i32
    %dma_wait3A_782 = arith.constant 0 : i32
    %dma_wait3A_783 = tpu.memref_slice %arg9[%arg1, %dma_wait3A_780, %dma_wait3A_781, %dma_wait3A_782] : memref<16x2x248x128xf32, #tpu.memory_space<vmem_shared>> -> memref<1x1x248x128xf32, #tpu.memory_space<vmem_shared>>
    %dma_wait3A_784 = tpu.memref_squeeze %dma_wait3A_783 : memref<1x1x248x128xf32, #tpu.memory_space<vmem_shared>> -> memref<248x128xf32, #tpu.memory_space<vmem_shared>>
    %dma_wait3A_785 = arith.constant 0 : i32
    %dma_wait3A_786 = tpu.memref_slice %arg3[%add3A_747, %dma_wait3A_785] : memref<100000x128xf32, #tpu.memory_space<hbm>> -> memref<248x128xf32, #tpu.memory_space<hbm>>
    tpu.wait_dma2 semaphore(%arg11 : memref<!tpu.dma_semaphore, #tpu.memory_space<semaphore_mem>>) src(%dma_wait3A_786 : memref<248x128xf32, #tpu.memory_space<hbm>>) dst(%dma_wait3A_784 : memref<248x128xf32, #tpu.memory_space<vmem_shared>>)
    %add3A_787 = arith.constant 2232 : i32
    %add3A_788 = arith.addi %min3A_5, %add3A_787 : i32
    %dma_start3A_789 = arith.constant 1 : i32
    %dma_start3A_790 = arith.constant 128 : i32
    %dma_start3A_791 = tpu.memref_slice %arg5[%add3A_788, %dma_start3A_790] : memref<100000x256xf32, #tpu.memory_space<hbm>> -> memref<248x128xf32, #tpu.memory_space<hbm>>
    %dma_start3A_792 = arith.constant 0 : i32
    %dma_start3A_793 = arith.constant 0 : i32
    %dma_start3A_794 = tpu.memref_slice %arg9[%arg1, %dma_start3A_789, %dma_start3A_792, %dma_start3A_793] : memref<16x2x248x128xf32, #tpu.memory_space<vmem_shared>> -> memref<1x1x248x128xf32, #tpu.memory_space<vmem_shared>>
    %dma_start3A_795 = tpu.memref_squeeze %dma_start3A_794 : memref<1x1x248x128xf32, #tpu.memory_space<vmem_shared>> -> memref<248x128xf32, #tpu.memory_space<vmem_shared>>
    tpu.enqueue_dma source(%dma_start3A_795 : memref<248x128xf32, #tpu.memory_space<vmem_shared>>) target(%dma_start3A_791 : memref<248x128xf32, #tpu.memory_space<hbm>>) target_semaphore(%arg15 : memref<!tpu.dma_semaphore, #tpu.memory_space<semaphore_mem>>)
    %add3A_796 = arith.constant 1984 : i32
    %add3A_797 = arith.addi %min3A_5, %add3A_796 : i32
    %dma_wait3A_798 = arith.constant 0 : i32
    %dma_wait3A_799 = arith.constant 0 : i32
    %dma_wait3A_800 = arith.constant 0 : i32
    %dma_wait3A_801 = tpu.memref_slice %arg7[%dma_wait3A_798, %dma_wait3A_799, %dma_wait3A_800] : memref<2x248x128xf32, #tpu.memory_space<vmem>> -> memref<1x248x128xf32, #tpu.memory_space<vmem>>
    %dma_wait3A_802 = tpu.memref_squeeze %dma_wait3A_801 : memref<1x248x128xf32, #tpu.memory_space<vmem>> -> memref<248x128xf32, #tpu.memory_space<vmem>>
    %dma_wait3A_803 = arith.constant 0 : i32
    %dma_wait3A_804 = tpu.memref_slice %arg5[%add3A_797, %dma_wait3A_803] : memref<100000x256xf32, #tpu.memory_space<hbm>> -> memref<248x128xf32, #tpu.memory_space<hbm>>
    %dma_wait3A_805 = arith.constant 0 : i32
    %dma_wait3A_806 = tpu.memref_slice %arg5[%add3A_797, %dma_wait3A_805] : memref<100000x256xf32, #tpu.memory_space<hbm>> -> memref<248x128xf32, #tpu.memory_space<hbm>>
    %dma_wait3A_807 = arith.constant 0 : i32
    %dma_wait3A_808 = arith.constant 0 : i32
    %dma_wait3A_809 = tpu.memref_slice %arg7[%dma_wait3A_798, %dma_wait3A_807, %dma_wait3A_808] : memref<2x248x128xf32, #tpu.memory_space<vmem>> -> memref<1x248x128xf32, #tpu.memory_space<vmem>>
    %dma_wait3A_810 = tpu.memref_squeeze %dma_wait3A_809 : memref<1x248x128xf32, #tpu.memory_space<vmem>> -> memref<248x128xf32, #tpu.memory_space<vmem>>
    tpu.wait_dma2 semaphore(%arg12 : memref<!tpu.dma_semaphore, #tpu.memory_space<semaphore_mem>>) src(%dma_wait3A_810 : memref<248x128xf32, #tpu.memory_space<vmem>>) dst(%dma_wait3A_806 : memref<248x128xf32, #tpu.memory_space<hbm>>)
    %add3A_811 = arith.constant 1984 : i32
    %add3A_812 = arith.addi %min3A_5, %add3A_811 : i32
    %dma_wait3A_813 = arith.constant 0 : i32
    %dma_wait3A_814 = arith.constant 128 : i32
    %dma_wait3A_815 = tpu.memref_slice %arg5[%add3A_812, %dma_wait3A_814] : memref<100000x256xf32, #tpu.memory_space<hbm>> -> memref<248x128xf32, #tpu.memory_space<hbm>>
    %dma_wait3A_816 = arith.constant 0 : i32
    %dma_wait3A_817 = arith.constant 0 : i32
    %dma_wait3A_818 = tpu.memref_slice %arg9[%arg1, %dma_wait3A_813, %dma_wait3A_816, %dma_wait3A_817] : memref<16x2x248x128xf32, #tpu.memory_space<vmem_shared>> -> memref<1x1x248x128xf32, #tpu.memory_space<vmem_shared>>
    %dma_wait3A_819 = tpu.memref_squeeze %dma_wait3A_818 : memref<1x1x248x128xf32, #tpu.memory_space<vmem_shared>> -> memref<248x128xf32, #tpu.memory_space<vmem_shared>>
    tpu.wait_dma2 semaphore(%arg14 : memref<!tpu.dma_semaphore, #tpu.memory_space<semaphore_mem>>) src(%dma_wait3A_819 : memref<248x128xf32, #tpu.memory_space<vmem_shared>>) dst(%dma_wait3A_815 : memref<248x128xf32, #tpu.memory_space<hbm>>)
    %dma_start3A_820 = arith.constant 0 : i32
    %dma_start3A_821 = arith.constant 0 : i32
    %dma_start3A_822 = arith.constant 0 : i32
    %dma_start3A_823 = tpu.memref_slice %arg7[%dma_start3A_820, %dma_start3A_821, %dma_start3A_822] : memref<2x248x128xf32, #tpu.memory_space<vmem>> -> memref<1x248x128xf32, #tpu.memory_space<vmem>>
    %dma_start3A_824 = tpu.memref_squeeze %dma_start3A_823 : memref<1x248x128xf32, #tpu.memory_space<vmem>> -> memref<248x128xf32, #tpu.memory_space<vmem>>
    %dma_start3A_825 = arith.constant 2480 : i32
    %dma_start3A_826 = tpu.memref_slice %arg6[%dma_start3A_825] : memref<3128xi32, #tpu.memory_space<vmem>> -> memref<248xi32, #tpu.memory_space<vmem>>
    %dma_start3A_827 = arith.constant 0 : i32
    %dma_start3A_828 = arith.constant 0 : i32
    %dma_start3A_829 = tpu.memref_slice %arg8[%dma_start3A_827, %dma_start3A_828] : memref<100x128xf32, #tpu.memory_space<vmem_shared>> -> memref<100x128xf32, #tpu.memory_space<vmem_shared>>
    tpu.enqueue_indirect_dma source(%dma_start3A_829 : memref<100x128xf32, #tpu.memory_space<vmem_shared>>) target(%dma_start3A_824 : memref<248x128xf32, #tpu.memory_space<vmem>>) offsets(%dma_start3A_826 : memref<248xi32, #tpu.memory_space<vmem>>) semaphore(%arg10 : memref<!tpu.dma_semaphore, #tpu.memory_space<semaphore_mem>>)
    %add3A_830 = arith.constant 2480 : i32
    %add3A_831 = arith.addi %min3A_5, %add3A_830 : i32
    %dma_start3A_832 = arith.constant 0 : i32
    %dma_start3A_833 = arith.constant 0 : i32
    %dma_start3A_834 = arith.constant 0 : i32
    %dma_start3A_835 = tpu.memref_slice %arg9[%arg1, %dma_start3A_832, %dma_start3A_833, %dma_start3A_834] : memref<16x2x248x128xf32, #tpu.memory_space<vmem_shared>> -> memref<1x1x248x128xf32, #tpu.memory_space<vmem_shared>>
    %dma_start3A_836 = tpu.memref_squeeze %dma_start3A_835 : memref<1x1x248x128xf32, #tpu.memory_space<vmem_shared>> -> memref<248x128xf32, #tpu.memory_space<vmem_shared>>
    %dma_start3A_837 = arith.constant 0 : i32
    %dma_start3A_838 = tpu.memref_slice %arg3[%add3A_831, %dma_start3A_837] : memref<100000x128xf32, #tpu.memory_space<hbm>> -> memref<248x128xf32, #tpu.memory_space<hbm>>
    tpu.enqueue_dma source(%dma_start3A_838 : memref<248x128xf32, #tpu.memory_space<hbm>>) target(%dma_start3A_836 : memref<248x128xf32, #tpu.memory_space<vmem_shared>>) target_semaphore(%arg11 : memref<!tpu.dma_semaphore, #tpu.memory_space<semaphore_mem>>)
    %dma_wait3A_839 = arith.constant 0 : i32
    %dma_wait3A_840 = arith.constant 0 : i32
    %dma_wait3A_841 = arith.constant 0 : i32
    %dma_wait3A_842 = tpu.memref_slice %arg7[%dma_wait3A_839, %dma_wait3A_840, %dma_wait3A_841] : memref<2x248x128xf32, #tpu.memory_space<vmem>> -> memref<1x248x128xf32, #tpu.memory_space<vmem>>
    %dma_wait3A_843 = tpu.memref_squeeze %dma_wait3A_842 : memref<1x248x128xf32, #tpu.memory_space<vmem>> -> memref<248x128xf32, #tpu.memory_space<vmem>>
    %dma_wait3A_844 = arith.constant 2480 : i32
    %dma_wait3A_845 = tpu.memref_slice %arg6[%dma_wait3A_844] : memref<3128xi32, #tpu.memory_space<vmem>> -> memref<248xi32, #tpu.memory_space<vmem>>
    %dma_wait3A_846 = arith.constant 0 : i32
    %dma_wait3A_847 = arith.constant 0 : i32
    %dma_wait3A_848 = tpu.memref_slice %arg8[%dma_wait3A_846, %dma_wait3A_847] : memref<100x128xf32, #tpu.memory_space<vmem_shared>> -> memref<100x128xf32, #tpu.memory_space<vmem_shared>>
    tpu.wait_indirect_dma semaphore(%arg10 : memref<!tpu.dma_semaphore, #tpu.memory_space<semaphore_mem>>) src(%dma_wait3A_848 : memref<100x128xf32, #tpu.memory_space<vmem_shared>>) dst(%dma_wait3A_843 : memref<248x128xf32, #tpu.memory_space<vmem>>)
    %add3A_849 = arith.constant 2480 : i32
    %add3A_850 = arith.addi %min3A_5, %add3A_849 : i32
    %dma_start3A_851 = arith.constant 0 : i32
    %dma_start3A_852 = arith.constant 0 : i32
    %dma_start3A_853 = arith.constant 0 : i32
    %dma_start3A_854 = tpu.memref_slice %arg7[%dma_start3A_851, %dma_start3A_852, %dma_start3A_853] : memref<2x248x128xf32, #tpu.memory_space<vmem>> -> memref<1x248x128xf32, #tpu.memory_space<vmem>>
    %dma_start3A_855 = tpu.memref_squeeze %dma_start3A_854 : memref<1x248x128xf32, #tpu.memory_space<vmem>> -> memref<248x128xf32, #tpu.memory_space<vmem>>
    %dma_start3A_856 = arith.constant 0 : i32
    %dma_start3A_857 = tpu.memref_slice %arg5[%add3A_850, %dma_start3A_856] : memref<100000x256xf32, #tpu.memory_space<hbm>> -> memref<248x128xf32, #tpu.memory_space<hbm>>
    %dma_start3A_858 = arith.constant 0 : i32
    %dma_start3A_859 = tpu.memref_slice %arg5[%add3A_850, %dma_start3A_858] : memref<100000x256xf32, #tpu.memory_space<hbm>> -> memref<248x128xf32, #tpu.memory_space<hbm>>
    %dma_start3A_860 = arith.constant 0 : i32
    %dma_start3A_861 = arith.constant 0 : i32
    %dma_start3A_862 = tpu.memref_slice %arg7[%dma_start3A_851, %dma_start3A_860, %dma_start3A_861] : memref<2x248x128xf32, #tpu.memory_space<vmem>> -> memref<1x248x128xf32, #tpu.memory_space<vmem>>
    %dma_start3A_863 = tpu.memref_squeeze %dma_start3A_862 : memref<1x248x128xf32, #tpu.memory_space<vmem>> -> memref<248x128xf32, #tpu.memory_space<vmem>>
    tpu.enqueue_dma source(%dma_start3A_863 : memref<248x128xf32, #tpu.memory_space<vmem>>) target(%dma_start3A_859 : memref<248x128xf32, #tpu.memory_space<hbm>>) target_semaphore(%arg12 : memref<!tpu.dma_semaphore, #tpu.memory_space<semaphore_mem>>)
    %dma_wait3A_864 = arith.constant 0 : i32
    %dma_wait3A_865 = arith.constant 0 : i32
    %dma_wait3A_866 = arith.constant 0 : i32
    %dma_wait3A_867 = tpu.memref_slice %arg9[%arg1, %dma_wait3A_864, %dma_wait3A_865, %dma_wait3A_866] : memref<16x2x248x128xf32, #tpu.memory_space<vmem_shared>> -> memref<1x1x248x128xf32, #tpu.memory_space<vmem_shared>>
    %dma_wait3A_868 = tpu.memref_squeeze %dma_wait3A_867 : memref<1x1x248x128xf32, #tpu.memory_space<vmem_shared>> -> memref<248x128xf32, #tpu.memory_space<vmem_shared>>
    %dma_wait3A_869 = arith.constant 0 : i32
    %dma_wait3A_870 = tpu.memref_slice %arg3[%add3A_831, %dma_wait3A_869] : memref<100000x128xf32, #tpu.memory_space<hbm>> -> memref<248x128xf32, #tpu.memory_space<hbm>>
    tpu.wait_dma2 semaphore(%arg11 : memref<!tpu.dma_semaphore, #tpu.memory_space<semaphore_mem>>) src(%dma_wait3A_870 : memref<248x128xf32, #tpu.memory_space<hbm>>) dst(%dma_wait3A_868 : memref<248x128xf32, #tpu.memory_space<vmem_shared>>)
    %add3A_871 = arith.constant 2480 : i32
    %add3A_872 = arith.addi %min3A_5, %add3A_871 : i32
    %dma_start3A_873 = arith.constant 0 : i32
    %dma_start3A_874 = arith.constant 128 : i32
    %dma_start3A_875 = tpu.memref_slice %arg5[%add3A_872, %dma_start3A_874] : memref<100000x256xf32, #tpu.memory_space<hbm>> -> memref<248x128xf32, #tpu.memory_space<hbm>>
    %dma_start3A_876 = arith.constant 0 : i32
    %dma_start3A_877 = arith.constant 0 : i32
    %dma_start3A_878 = tpu.memref_slice %arg9[%arg1, %dma_start3A_873, %dma_start3A_876, %dma_start3A_877] : memref<16x2x248x128xf32, #tpu.memory_space<vmem_shared>> -> memref<1x1x248x128xf32, #tpu.memory_space<vmem_shared>>
    %dma_start3A_879 = tpu.memref_squeeze %dma_start3A_878 : memref<1x1x248x128xf32, #tpu.memory_space<vmem_shared>> -> memref<248x128xf32, #tpu.memory_space<vmem_shared>>
    tpu.enqueue_dma source(%dma_start3A_879 : memref<248x128xf32, #tpu.memory_space<vmem_shared>>) target(%dma_start3A_875 : memref<248x128xf32, #tpu.memory_space<hbm>>) target_semaphore(%arg14 : memref<!tpu.dma_semaphore, #tpu.memory_space<semaphore_mem>>)
    %add3A_880 = arith.constant 2232 : i32
    %add3A_881 = arith.addi %min3A_5, %add3A_880 : i32
    %dma_wait3A_882 = arith.constant 1 : i32
    %dma_wait3A_883 = arith.constant 0 : i32
    %dma_wait3A_884 = arith.constant 0 : i32
    %dma_wait3A_885 = tpu.memref_slice %arg7[%dma_wait3A_882, %dma_wait3A_883, %dma_wait3A_884] : memref<2x248x128xf32, #tpu.memory_space<vmem>> -> memref<1x248x128xf32, #tpu.memory_space<vmem>>
    %dma_wait3A_886 = tpu.memref_squeeze %dma_wait3A_885 : memref<1x248x128xf32, #tpu.memory_space<vmem>> -> memref<248x128xf32, #tpu.memory_space<vmem>>
    %dma_wait3A_887 = arith.constant 0 : i32
    %dma_wait3A_888 = tpu.memref_slice %arg5[%add3A_881, %dma_wait3A_887] : memref<100000x256xf32, #tpu.memory_space<hbm>> -> memref<248x128xf32, #tpu.memory_space<hbm>>
    %dma_wait3A_889 = arith.constant 0 : i32
    %dma_wait3A_890 = tpu.memref_slice %arg5[%add3A_881, %dma_wait3A_889] : memref<100000x256xf32, #tpu.memory_space<hbm>> -> memref<248x128xf32, #tpu.memory_space<hbm>>
    %dma_wait3A_891 = arith.constant 0 : i32
    %dma_wait3A_892 = arith.constant 0 : i32
    %dma_wait3A_893 = tpu.memref_slice %arg7[%dma_wait3A_882, %dma_wait3A_891, %dma_wait3A_892] : memref<2x248x128xf32, #tpu.memory_space<vmem>> -> memref<1x248x128xf32, #tpu.memory_space<vmem>>
    %dma_wait3A_894 = tpu.memref_squeeze %dma_wait3A_893 : memref<1x248x128xf32, #tpu.memory_space<vmem>> -> memref<248x128xf32, #tpu.memory_space<vmem>>
    tpu.wait_dma2 semaphore(%arg13 : memref<!tpu.dma_semaphore, #tpu.memory_space<semaphore_mem>>) src(%dma_wait3A_894 : memref<248x128xf32, #tpu.memory_space<vmem>>) dst(%dma_wait3A_890 : memref<248x128xf32, #tpu.memory_space<hbm>>)
    %add3A_895 = arith.constant 2232 : i32
    %add3A_896 = arith.addi %min3A_5, %add3A_895 : i32
    %dma_wait3A_897 = arith.constant 1 : i32
    %dma_wait3A_898 = arith.constant 128 : i32
    %dma_wait3A_899 = tpu.memref_slice %arg5[%add3A_896, %dma_wait3A_898] : memref<100000x256xf32, #tpu.memory_space<hbm>> -> memref<248x128xf32, #tpu.memory_space<hbm>>
    %dma_wait3A_900 = arith.constant 0 : i32
    %dma_wait3A_901 = arith.constant 0 : i32
    %dma_wait3A_902 = tpu.memref_slice %arg9[%arg1, %dma_wait3A_897, %dma_wait3A_900, %dma_wait3A_901] : memref<16x2x248x128xf32, #tpu.memory_space<vmem_shared>> -> memref<1x1x248x128xf32, #tpu.memory_space<vmem_shared>>
    %dma_wait3A_903 = tpu.memref_squeeze %dma_wait3A_902 : memref<1x1x248x128xf32, #tpu.memory_space<vmem_shared>> -> memref<248x128xf32, #tpu.memory_space<vmem_shared>>
    tpu.wait_dma2 semaphore(%arg15 : memref<!tpu.dma_semaphore, #tpu.memory_space<semaphore_mem>>) src(%dma_wait3A_903 : memref<248x128xf32, #tpu.memory_space<vmem_shared>>) dst(%dma_wait3A_899 : memref<248x128xf32, #tpu.memory_space<hbm>>)
    %dma_start3A_904 = arith.constant 1 : i32
    %dma_start3A_905 = arith.constant 0 : i32
    %dma_start3A_906 = arith.constant 0 : i32
    %dma_start3A_907 = tpu.memref_slice %arg7[%dma_start3A_904, %dma_start3A_905, %dma_start3A_906] : memref<2x248x128xf32, #tpu.memory_space<vmem>> -> memref<1x248x128xf32, #tpu.memory_space<vmem>>
    %dma_start3A_908 = tpu.memref_squeeze %dma_start3A_907 : memref<1x248x128xf32, #tpu.memory_space<vmem>> -> memref<248x128xf32, #tpu.memory_space<vmem>>
    %dma_start3A_909 = arith.constant 2728 : i32
    %dma_start3A_910 = tpu.memref_slice %arg6[%dma_start3A_909] : memref<3128xi32, #tpu.memory_space<vmem>> -> memref<248xi32, #tpu.memory_space<vmem>>
    %dma_start3A_911 = arith.constant 0 : i32
    %dma_start3A_912 = arith.constant 0 : i32
    %dma_start3A_913 = tpu.memref_slice %arg8[%dma_start3A_911, %dma_start3A_912] : memref<100x128xf32, #tpu.memory_space<vmem_shared>> -> memref<100x128xf32, #tpu.memory_space<vmem_shared>>
    tpu.enqueue_indirect_dma source(%dma_start3A_913 : memref<100x128xf32, #tpu.memory_space<vmem_shared>>) target(%dma_start3A_908 : memref<248x128xf32, #tpu.memory_space<vmem>>) offsets(%dma_start3A_910 : memref<248xi32, #tpu.memory_space<vmem>>) semaphore(%arg10 : memref<!tpu.dma_semaphore, #tpu.memory_space<semaphore_mem>>)
    %add3A_914 = arith.constant 2728 : i32
    %add3A_915 = arith.addi %min3A_5, %add3A_914 : i32
    %dma_start3A_916 = arith.constant 1 : i32
    %dma_start3A_917 = arith.constant 0 : i32
    %dma_start3A_918 = arith.constant 0 : i32
    %dma_start3A_919 = tpu.memref_slice %arg9[%arg1, %dma_start3A_916, %dma_start3A_917, %dma_start3A_918] : memref<16x2x248x128xf32, #tpu.memory_space<vmem_shared>> -> memref<1x1x248x128xf32, #tpu.memory_space<vmem_shared>>
    %dma_start3A_920 = tpu.memref_squeeze %dma_start3A_919 : memref<1x1x248x128xf32, #tpu.memory_space<vmem_shared>> -> memref<248x128xf32, #tpu.memory_space<vmem_shared>>
    %dma_start3A_921 = arith.constant 0 : i32
    %dma_start3A_922 = tpu.memref_slice %arg3[%add3A_915, %dma_start3A_921] : memref<100000x128xf32, #tpu.memory_space<hbm>> -> memref<248x128xf32, #tpu.memory_space<hbm>>
    tpu.enqueue_dma source(%dma_start3A_922 : memref<248x128xf32, #tpu.memory_space<hbm>>) target(%dma_start3A_920 : memref<248x128xf32, #tpu.memory_space<vmem_shared>>) target_semaphore(%arg11 : memref<!tpu.dma_semaphore, #tpu.memory_space<semaphore_mem>>)
    %dma_wait3A_923 = arith.constant 1 : i32
    %dma_wait3A_924 = arith.constant 0 : i32
    %dma_wait3A_925 = arith.constant 0 : i32
    %dma_wait3A_926 = tpu.memref_slice %arg7[%dma_wait3A_923, %dma_wait3A_924, %dma_wait3A_925] : memref<2x248x128xf32, #tpu.memory_space<vmem>> -> memref<1x248x128xf32, #tpu.memory_space<vmem>>
    %dma_wait3A_927 = tpu.memref_squeeze %dma_wait3A_926 : memref<1x248x128xf32, #tpu.memory_space<vmem>> -> memref<248x128xf32, #tpu.memory_space<vmem>>
    %dma_wait3A_928 = arith.constant 2728 : i32
    %dma_wait3A_929 = tpu.memref_slice %arg6[%dma_wait3A_928] : memref<3128xi32, #tpu.memory_space<vmem>> -> memref<248xi32, #tpu.memory_space<vmem>>
    %dma_wait3A_930 = arith.constant 0 : i32
    %dma_wait3A_931 = arith.constant 0 : i32
    %dma_wait3A_932 = tpu.memref_slice %arg8[%dma_wait3A_930, %dma_wait3A_931] : memref<100x128xf32, #tpu.memory_space<vmem_shared>> -> memref<100x128xf32, #tpu.memory_space<vmem_shared>>
    tpu.wait_indirect_dma semaphore(%arg10 : memref<!tpu.dma_semaphore, #tpu.memory_space<semaphore_mem>>) src(%dma_wait3A_932 : memref<100x128xf32, #tpu.memory_space<vmem_shared>>) dst(%dma_wait3A_927 : memref<248x128xf32, #tpu.memory_space<vmem>>)
    %add3A_933 = arith.constant 2728 : i32
    %add3A_934 = arith.addi %min3A_5, %add3A_933 : i32
    %dma_start3A_935 = arith.constant 1 : i32
    %dma_start3A_936 = arith.constant 0 : i32
    %dma_start3A_937 = arith.constant 0 : i32
    %dma_start3A_938 = tpu.memref_slice %arg7[%dma_start3A_935, %dma_start3A_936, %dma_start3A_937] : memref<2x248x128xf32, #tpu.memory_space<vmem>> -> memref<1x248x128xf32, #tpu.memory_space<vmem>>
    %dma_start3A_939 = tpu.memref_squeeze %dma_start3A_938 : memref<1x248x128xf32, #tpu.memory_space<vmem>> -> memref<248x128xf32, #tpu.memory_space<vmem>>
    %dma_start3A_940 = arith.constant 0 : i32
    %dma_start3A_941 = tpu.memref_slice %arg5[%add3A_934, %dma_start3A_940] : memref<100000x256xf32, #tpu.memory_space<hbm>> -> memref<248x128xf32, #tpu.memory_space<hbm>>
    %dma_start3A_942 = arith.constant 0 : i32
    %dma_start3A_943 = tpu.memref_slice %arg5[%add3A_934, %dma_start3A_942] : memref<100000x256xf32, #tpu.memory_space<hbm>> -> memref<248x128xf32, #tpu.memory_space<hbm>>
    %dma_start3A_944 = arith.constant 0 : i32
    %dma_start3A_945 = arith.constant 0 : i32
    %dma_start3A_946 = tpu.memref_slice %arg7[%dma_start3A_935, %dma_start3A_944, %dma_start3A_945] : memref<2x248x128xf32, #tpu.memory_space<vmem>> -> memref<1x248x128xf32, #tpu.memory_space<vmem>>
    %dma_start3A_947 = tpu.memref_squeeze %dma_start3A_946 : memref<1x248x128xf32, #tpu.memory_space<vmem>> -> memref<248x128xf32, #tpu.memory_space<vmem>>
    tpu.enqueue_dma source(%dma_start3A_947 : memref<248x128xf32, #tpu.memory_space<vmem>>) target(%dma_start3A_943 : memref<248x128xf32, #tpu.memory_space<hbm>>) target_semaphore(%arg13 : memref<!tpu.dma_semaphore, #tpu.memory_space<semaphore_mem>>)
    %dma_wait3A_948 = arith.constant 1 : i32
    %dma_wait3A_949 = arith.constant 0 : i32
    %dma_wait3A_950 = arith.constant 0 : i32
    %dma_wait3A_951 = tpu.memref_slice %arg9[%arg1, %dma_wait3A_948, %dma_wait3A_949, %dma_wait3A_950] : memref<16x2x248x128xf32, #tpu.memory_space<vmem_shared>> -> memref<1x1x248x128xf32, #tpu.memory_space<vmem_shared>>
    %dma_wait3A_952 = tpu.memref_squeeze %dma_wait3A_951 : memref<1x1x248x128xf32, #tpu.memory_space<vmem_shared>> -> memref<248x128xf32, #tpu.memory_space<vmem_shared>>
    %dma_wait3A_953 = arith.constant 0 : i32
    %dma_wait3A_954 = tpu.memref_slice %arg3[%add3A_915, %dma_wait3A_953] : memref<100000x128xf32, #tpu.memory_space<hbm>> -> memref<248x128xf32, #tpu.memory_space<hbm>>
    tpu.wait_dma2 semaphore(%arg11 : memref<!tpu.dma_semaphore, #tpu.memory_space<semaphore_mem>>) src(%dma_wait3A_954 : memref<248x128xf32, #tpu.memory_space<hbm>>) dst(%dma_wait3A_952 : memref<248x128xf32, #tpu.memory_space<vmem_shared>>)
    %add3A_955 = arith.constant 2728 : i32
    %add3A_956 = arith.addi %min3A_5, %add3A_955 : i32
    %dma_start3A_957 = arith.constant 1 : i32
    %dma_start3A_958 = arith.constant 128 : i32
    %dma_start3A_959 = tpu.memref_slice %arg5[%add3A_956, %dma_start3A_958] : memref<100000x256xf32, #tpu.memory_space<hbm>> -> memref<248x128xf32, #tpu.memory_space<hbm>>
    %dma_start3A_960 = arith.constant 0 : i32
    %dma_start3A_961 = arith.constant 0 : i32
    %dma_start3A_962 = tpu.memref_slice %arg9[%arg1, %dma_start3A_957, %dma_start3A_960, %dma_start3A_961] : memref<16x2x248x128xf32, #tpu.memory_space<vmem_shared>> -> memref<1x1x248x128xf32, #tpu.memory_space<vmem_shared>>
    %dma_start3A_963 = tpu.memref_squeeze %dma_start3A_962 : memref<1x1x248x128xf32, #tpu.memory_space<vmem_shared>> -> memref<248x128xf32, #tpu.memory_space<vmem_shared>>
    tpu.enqueue_dma source(%dma_start3A_963 : memref<248x128xf32, #tpu.memory_space<vmem_shared>>) target(%dma_start3A_959 : memref<248x128xf32, #tpu.memory_space<hbm>>) target_semaphore(%arg15 : memref<!tpu.dma_semaphore, #tpu.memory_space<semaphore_mem>>)
    %add3A_964 = arith.constant 2480 : i32
    %add3A_965 = arith.addi %min3A_5, %add3A_964 : i32
    %dma_wait3A_966 = arith.constant 0 : i32
    %dma_wait3A_967 = arith.constant 0 : i32
    %dma_wait3A_968 = arith.constant 0 : i32
    %dma_wait3A_969 = tpu.memref_slice %arg7[%dma_wait3A_966, %dma_wait3A_967, %dma_wait3A_968] : memref<2x248x128xf32, #tpu.memory_space<vmem>> -> memref<1x248x128xf32, #tpu.memory_space<vmem>>
    %dma_wait3A_970 = tpu.memref_squeeze %dma_wait3A_969 : memref<1x248x128xf32, #tpu.memory_space<vmem>> -> memref<248x128xf32, #tpu.memory_space<vmem>>
    %dma_wait3A_971 = arith.constant 0 : i32
    %dma_wait3A_972 = tpu.memref_slice %arg5[%add3A_965, %dma_wait3A_971] : memref<100000x256xf32, #tpu.memory_space<hbm>> -> memref<248x128xf32, #tpu.memory_space<hbm>>
    %dma_wait3A_973 = arith.constant 0 : i32
    %dma_wait3A_974 = tpu.memref_slice %arg5[%add3A_965, %dma_wait3A_973] : memref<100000x256xf32, #tpu.memory_space<hbm>> -> memref<248x128xf32, #tpu.memory_space<hbm>>
    %dma_wait3A_975 = arith.constant 0 : i32
    %dma_wait3A_976 = arith.constant 0 : i32
    %dma_wait3A_977 = tpu.memref_slice %arg7[%dma_wait3A_966, %dma_wait3A_975, %dma_wait3A_976] : memref<2x248x128xf32, #tpu.memory_space<vmem>> -> memref<1x248x128xf32, #tpu.memory_space<vmem>>
    %dma_wait3A_978 = tpu.memref_squeeze %dma_wait3A_977 : memref<1x248x128xf32, #tpu.memory_space<vmem>> -> memref<248x128xf32, #tpu.memory_space<vmem>>
    tpu.wait_dma2 semaphore(%arg12 : memref<!tpu.dma_semaphore, #tpu.memory_space<semaphore_mem>>) src(%dma_wait3A_978 : memref<248x128xf32, #tpu.memory_space<vmem>>) dst(%dma_wait3A_974 : memref<248x128xf32, #tpu.memory_space<hbm>>)
    %add3A_979 = arith.constant 2480 : i32
    %add3A_980 = arith.addi %min3A_5, %add3A_979 : i32
    %dma_wait3A_981 = arith.constant 0 : i32
    %dma_wait3A_982 = arith.constant 128 : i32
    %dma_wait3A_983 = tpu.memref_slice %arg5[%add3A_980, %dma_wait3A_982] : memref<100000x256xf32, #tpu.memory_space<hbm>> -> memref<248x128xf32, #tpu.memory_space<hbm>>
    %dma_wait3A_984 = arith.constant 0 : i32
    %dma_wait3A_985 = arith.constant 0 : i32
    %dma_wait3A_986 = tpu.memref_slice %arg9[%arg1, %dma_wait3A_981, %dma_wait3A_984, %dma_wait3A_985] : memref<16x2x248x128xf32, #tpu.memory_space<vmem_shared>> -> memref<1x1x248x128xf32, #tpu.memory_space<vmem_shared>>
    %dma_wait3A_987 = tpu.memref_squeeze %dma_wait3A_986 : memref<1x1x248x128xf32, #tpu.memory_space<vmem_shared>> -> memref<248x128xf32, #tpu.memory_space<vmem_shared>>
    tpu.wait_dma2 semaphore(%arg14 : memref<!tpu.dma_semaphore, #tpu.memory_space<semaphore_mem>>) src(%dma_wait3A_987 : memref<248x128xf32, #tpu.memory_space<vmem_shared>>) dst(%dma_wait3A_983 : memref<248x128xf32, #tpu.memory_space<hbm>>)
    %dma_start3A_988 = arith.constant 0 : i32
    %dma_start3A_989 = arith.constant 0 : i32
    %dma_start3A_990 = arith.constant 0 : i32
    %dma_start3A_991 = tpu.memref_slice %arg7[%dma_start3A_988, %dma_start3A_989, %dma_start3A_990] : memref<2x248x128xf32, #tpu.memory_space<vmem>> -> memref<1x152x128xf32, #tpu.memory_space<vmem>>
    %dma_start3A_992 = tpu.memref_squeeze %dma_start3A_991 : memref<1x152x128xf32, #tpu.memory_space<vmem>> -> memref<152x128xf32, #tpu.memory_space<vmem>>
    %dma_start3A_993 = arith.constant 2976 : i32
    %dma_start3A_994 = tpu.memref_slice %arg6[%dma_start3A_993] : memref<3128xi32, #tpu.memory_space<vmem>> -> memref<152xi32, #tpu.memory_space<vmem>>
    %dma_start3A_995 = arith.constant 0 : i32
    %dma_start3A_996 = arith.constant 0 : i32
    %dma_start3A_997 = tpu.memref_slice %arg8[%dma_start3A_995, %dma_start3A_996] : memref<100x128xf32, #tpu.memory_space<vmem_shared>> -> memref<100x128xf32, #tpu.memory_space<vmem_shared>>
    tpu.enqueue_indirect_dma source(%dma_start3A_997 : memref<100x128xf32, #tpu.memory_space<vmem_shared>>) target(%dma_start3A_992 : memref<152x128xf32, #tpu.memory_space<vmem>>) offsets(%dma_start3A_994 : memref<152xi32, #tpu.memory_space<vmem>>) semaphore(%arg10 : memref<!tpu.dma_semaphore, #tpu.memory_space<semaphore_mem>>)
    %add3A_998 = arith.constant 2976 : i32
    %add3A_999 = arith.addi %min3A_5, %add3A_998 : i32
    %dma_start3A_1000 = arith.constant 0 : i32
    %dma_start3A_1001 = arith.constant 0 : i32
    %dma_start3A_1002 = arith.constant 0 : i32
    %dma_start3A_1003 = tpu.memref_slice %arg9[%arg1, %dma_start3A_1000, %dma_start3A_1001, %dma_start3A_1002] : memref<16x2x248x128xf32, #tpu.memory_space<vmem_shared>> -> memref<1x1x152x128xf32, #tpu.memory_space<vmem_shared>>
    %dma_start3A_1004 = tpu.memref_squeeze %dma_start3A_1003 : memref<1x1x152x128xf32, #tpu.memory_space<vmem_shared>> -> memref<152x128xf32, #tpu.memory_space<vmem_shared>>
    %dma_start3A_1005 = arith.constant 0 : i32
    %dma_start3A_1006 = tpu.memref_slice %arg3[%add3A_999, %dma_start3A_1005] : memref<100000x128xf32, #tpu.memory_space<hbm>> -> memref<152x128xf32, #tpu.memory_space<hbm>>
    tpu.enqueue_dma source(%dma_start3A_1006 : memref<152x128xf32, #tpu.memory_space<hbm>>) target(%dma_start3A_1004 : memref<152x128xf32, #tpu.memory_space<vmem_shared>>) target_semaphore(%arg11 : memref<!tpu.dma_semaphore, #tpu.memory_space<semaphore_mem>>)
    %dma_wait3A_1007 = arith.constant 0 : i32
    %dma_wait3A_1008 = arith.constant 0 : i32
    %dma_wait3A_1009 = arith.constant 0 : i32
    %dma_wait3A_1010 = tpu.memref_slice %arg7[%dma_wait3A_1007, %dma_wait3A_1008, %dma_wait3A_1009] : memref<2x248x128xf32, #tpu.memory_space<vmem>> -> memref<1x152x128xf32, #tpu.memory_space<vmem>>
    %dma_wait3A_1011 = tpu.memref_squeeze %dma_wait3A_1010 : memref<1x152x128xf32, #tpu.memory_space<vmem>> -> memref<152x128xf32, #tpu.memory_space<vmem>>
    %dma_wait3A_1012 = arith.constant 2976 : i32
    %dma_wait3A_1013 = tpu.memref_slice %arg6[%dma_wait3A_1012] : memref<3128xi32, #tpu.memory_space<vmem>> -> memref<152xi32, #tpu.memory_space<vmem>>
    %dma_wait3A_1014 = arith.constant 0 : i32
    %dma_wait3A_1015 = arith.constant 0 : i32
    %dma_wait3A_1016 = tpu.memref_slice %arg8[%dma_wait3A_1014, %dma_wait3A_1015] : memref<100x128xf32, #tpu.memory_space<vmem_shared>> -> memref<100x128xf32, #tpu.memory_space<vmem_shared>>
    tpu.wait_indirect_dma semaphore(%arg10 : memref<!tpu.dma_semaphore, #tpu.memory_space<semaphore_mem>>) src(%dma_wait3A_1016 : memref<100x128xf32, #tpu.memory_space<vmem_shared>>) dst(%dma_wait3A_1011 : memref<152x128xf32, #tpu.memory_space<vmem>>)
    %add3A_1017 = arith.constant 2976 : i32
    %add3A_1018 = arith.addi %min3A_5, %add3A_1017 : i32
    %dma_start3A_1019 = arith.constant 0 : i32
    %dma_start3A_1020 = arith.constant 0 : i32
    %dma_start3A_1021 = arith.constant 0 : i32
    %dma_start3A_1022 = tpu.memref_slice %arg7[%dma_start3A_1019, %dma_start3A_1020, %dma_start3A_1021] : memref<2x248x128xf32, #tpu.memory_space<vmem>> -> memref<1x152x128xf32, #tpu.memory_space<vmem>>
    %dma_start3A_1023 = tpu.memref_squeeze %dma_start3A_1022 : memref<1x152x128xf32, #tpu.memory_space<vmem>> -> memref<152x128xf32, #tpu.memory_space<vmem>>
    %dma_start3A_1024 = arith.constant 0 : i32
    %dma_start3A_1025 = tpu.memref_slice %arg5[%add3A_1018, %dma_start3A_1024] : memref<100000x256xf32, #tpu.memory_space<hbm>> -> memref<152x128xf32, #tpu.memory_space<hbm>>
    %dma_start3A_1026 = arith.constant 0 : i32
    %dma_start3A_1027 = tpu.memref_slice %arg5[%add3A_1018, %dma_start3A_1026] : memref<100000x256xf32, #tpu.memory_space<hbm>> -> memref<152x128xf32, #tpu.memory_space<hbm>>
    %dma_start3A_1028 = arith.constant 0 : i32
    %dma_start3A_1029 = arith.constant 0 : i32
    %dma_start3A_1030 = tpu.memref_slice %arg7[%dma_start3A_1019, %dma_start3A_1028, %dma_start3A_1029] : memref<2x248x128xf32, #tpu.memory_space<vmem>> -> memref<1x152x128xf32, #tpu.memory_space<vmem>>
    %dma_start3A_1031 = tpu.memref_squeeze %dma_start3A_1030 : memref<1x152x128xf32, #tpu.memory_space<vmem>> -> memref<152x128xf32, #tpu.memory_space<vmem>>
    tpu.enqueue_dma source(%dma_start3A_1031 : memref<152x128xf32, #tpu.memory_space<vmem>>) target(%dma_start3A_1027 : memref<152x128xf32, #tpu.memory_space<hbm>>) target_semaphore(%arg12 : memref<!tpu.dma_semaphore, #tpu.memory_space<semaphore_mem>>)
    %dma_wait3A_1032 = arith.constant 0 : i32
    %dma_wait3A_1033 = arith.constant 0 : i32
    %dma_wait3A_1034 = arith.constant 0 : i32
    %dma_wait3A_1035 = tpu.memref_slice %arg9[%arg1, %dma_wait3A_1032, %dma_wait3A_1033, %dma_wait3A_1034] : memref<16x2x248x128xf32, #tpu.memory_space<vmem_shared>> -> memref<1x1x152x128xf32, #tpu.memory_space<vmem_shared>>
    %dma_wait3A_1036 = tpu.memref_squeeze %dma_wait3A_1035 : memref<1x1x152x128xf32, #tpu.memory_space<vmem_shared>> -> memref<152x128xf32, #tpu.memory_space<vmem_shared>>
    %dma_wait3A_1037 = arith.constant 0 : i32
    %dma_wait3A_1038 = tpu.memref_slice %arg3[%add3A_999, %dma_wait3A_1037] : memref<100000x128xf32, #tpu.memory_space<hbm>> -> memref<152x128xf32, #tpu.memory_space<hbm>>
    tpu.wait_dma2 semaphore(%arg11 : memref<!tpu.dma_semaphore, #tpu.memory_space<semaphore_mem>>) src(%dma_wait3A_1038 : memref<152x128xf32, #tpu.memory_space<hbm>>) dst(%dma_wait3A_1036 : memref<152x128xf32, #tpu.memory_space<vmem_shared>>)
    %add3A_1039 = arith.constant 2976 : i32
    %add3A_1040 = arith.addi %min3A_5, %add3A_1039 : i32
    %dma_start3A_1041 = arith.constant 0 : i32
    %dma_start3A_1042 = arith.constant 128 : i32
    %dma_start3A_1043 = tpu.memref_slice %arg5[%add3A_1040, %dma_start3A_1042] : memref<100000x256xf32, #tpu.memory_space<hbm>> -> memref<152x128xf32, #tpu.memory_space<hbm>>
    %dma_start3A_1044 = arith.constant 0 : i32
    %dma_start3A_1045 = arith.constant 0 : i32
    %dma_start3A_1046 = tpu.memref_slice %arg9[%arg1, %dma_start3A_1041, %dma_start3A_1044, %dma_start3A_1045] : memref<16x2x248x128xf32, #tpu.memory_space<vmem_shared>> -> memref<1x1x152x128xf32, #tpu.memory_space<vmem_shared>>
    %dma_start3A_1047 = tpu.memref_squeeze %dma_start3A_1046 : memref<1x1x152x128xf32, #tpu.memory_space<vmem_shared>> -> memref<152x128xf32, #tpu.memory_space<vmem_shared>>
    tpu.enqueue_dma source(%dma_start3A_1047 : memref<152x128xf32, #tpu.memory_space<vmem_shared>>) target(%dma_start3A_1043 : memref<152x128xf32, #tpu.memory_space<hbm>>) target_semaphore(%arg14 : memref<!tpu.dma_semaphore, #tpu.memory_space<semaphore_mem>>)
    %add3A_1048 = arith.constant 2728 : i32
    %add3A_1049 = arith.addi %min3A_5, %add3A_1048 : i32
    %dma_wait3A_1050 = arith.constant 1 : i32
    %dma_wait3A_1051 = arith.constant 0 : i32
    %dma_wait3A_1052 = arith.constant 0 : i32
    %dma_wait3A_1053 = tpu.memref_slice %arg7[%dma_wait3A_1050, %dma_wait3A_1051, %dma_wait3A_1052] : memref<2x248x128xf32, #tpu.memory_space<vmem>> -> memref<1x248x128xf32, #tpu.memory_space<vmem>>
    %dma_wait3A_1054 = tpu.memref_squeeze %dma_wait3A_1053 : memref<1x248x128xf32, #tpu.memory_space<vmem>> -> memref<248x128xf32, #tpu.memory_space<vmem>>
    %dma_wait3A_1055 = arith.constant 0 : i32
    %dma_wait3A_1056 = tpu.memref_slice %arg5[%add3A_1049, %dma_wait3A_1055] : memref<100000x256xf32, #tpu.memory_space<hbm>> -> memref<248x128xf32, #tpu.memory_space<hbm>>
    %dma_wait3A_1057 = arith.constant 0 : i32
    %dma_wait3A_1058 = tpu.memref_slice %arg5[%add3A_1049, %dma_wait3A_1057] : memref<100000x256xf32, #tpu.memory_space<hbm>> -> memref<248x128xf32, #tpu.memory_space<hbm>>
    %dma_wait3A_1059 = arith.constant 0 : i32
    %dma_wait3A_1060 = arith.constant 0 : i32
    %dma_wait3A_1061 = tpu.memref_slice %arg7[%dma_wait3A_1050, %dma_wait3A_1059, %dma_wait3A_1060] : memref<2x248x128xf32, #tpu.memory_space<vmem>> -> memref<1x248x128xf32, #tpu.memory_space<vmem>>
    %dma_wait3A_1062 = tpu.memref_squeeze %dma_wait3A_1061 : memref<1x248x128xf32, #tpu.memory_space<vmem>> -> memref<248x128xf32, #tpu.memory_space<vmem>>
    tpu.wait_dma2 semaphore(%arg13 : memref<!tpu.dma_semaphore, #tpu.memory_space<semaphore_mem>>) src(%dma_wait3A_1062 : memref<248x128xf32, #tpu.memory_space<vmem>>) dst(%dma_wait3A_1058 : memref<248x128xf32, #tpu.memory_space<hbm>>)
    %add3A_1063 = arith.constant 2728 : i32
    %add3A_1064 = arith.addi %min3A_5, %add3A_1063 : i32
    %dma_wait3A_1065 = arith.constant 1 : i32
    %dma_wait3A_1066 = arith.constant 128 : i32
    %dma_wait3A_1067 = tpu.memref_slice %arg5[%add3A_1064, %dma_wait3A_1066] : memref<100000x256xf32, #tpu.memory_space<hbm>> -> memref<248x128xf32, #tpu.memory_space<hbm>>
    %dma_wait3A_1068 = arith.constant 0 : i32
    %dma_wait3A_1069 = arith.constant 0 : i32
    %dma_wait3A_1070 = tpu.memref_slice %arg9[%arg1, %dma_wait3A_1065, %dma_wait3A_1068, %dma_wait3A_1069] : memref<16x2x248x128xf32, #tpu.memory_space<vmem_shared>> -> memref<1x1x248x128xf32, #tpu.memory_space<vmem_shared>>
    %dma_wait3A_1071 = tpu.memref_squeeze %dma_wait3A_1070 : memref<1x1x248x128xf32, #tpu.memory_space<vmem_shared>> -> memref<248x128xf32, #tpu.memory_space<vmem_shared>>
    tpu.wait_dma2 semaphore(%arg15 : memref<!tpu.dma_semaphore, #tpu.memory_space<semaphore_mem>>) src(%dma_wait3A_1071 : memref<248x128xf32, #tpu.memory_space<vmem_shared>>) dst(%dma_wait3A_1067 : memref<248x128xf32, #tpu.memory_space<hbm>>)
    %add3A_1072 = arith.constant 2976 : i32
    %add3A_1073 = arith.addi %min3A_5, %add3A_1072 : i32
    %dma_wait3A_1074 = arith.constant 0 : i32
    %dma_wait3A_1075 = arith.constant 0 : i32
    %dma_wait3A_1076 = arith.constant 0 : i32
    %dma_wait3A_1077 = tpu.memref_slice %arg7[%dma_wait3A_1074, %dma_wait3A_1075, %dma_wait3A_1076] : memref<2x248x128xf32, #tpu.memory_space<vmem>> -> memref<1x152x128xf32, #tpu.memory_space<vmem>>
    %dma_wait3A_1078 = tpu.memref_squeeze %dma_wait3A_1077 : memref<1x152x128xf32, #tpu.memory_space<vmem>> -> memref<152x128xf32, #tpu.memory_space<vmem>>
    %dma_wait3A_1079 = arith.constant 0 : i32
    %dma_wait3A_1080 = tpu.memref_slice %arg5[%add3A_1073, %dma_wait3A_1079] : memref<100000x256xf32, #tpu.memory_space<hbm>> -> memref<152x128xf32, #tpu.memory_space<hbm>>
    %dma_wait3A_1081 = arith.constant 0 : i32
    %dma_wait3A_1082 = tpu.memref_slice %arg5[%add3A_1073, %dma_wait3A_1081] : memref<100000x256xf32, #tpu.memory_space<hbm>> -> memref<152x128xf32, #tpu.memory_space<hbm>>
    %dma_wait3A_1083 = arith.constant 0 : i32
    %dma_wait3A_1084 = arith.constant 0 : i32
    %dma_wait3A_1085 = tpu.memref_slice %arg7[%dma_wait3A_1074, %dma_wait3A_1083, %dma_wait3A_1084] : memref<2x248x128xf32, #tpu.memory_space<vmem>> -> memref<1x152x128xf32, #tpu.memory_space<vmem>>
    %dma_wait3A_1086 = tpu.memref_squeeze %dma_wait3A_1085 : memref<1x152x128xf32, #tpu.memory_space<vmem>> -> memref<152x128xf32, #tpu.memory_space<vmem>>
    tpu.wait_dma2 semaphore(%arg12 : memref<!tpu.dma_semaphore, #tpu.memory_space<semaphore_mem>>) src(%dma_wait3A_1086 : memref<152x128xf32, #tpu.memory_space<vmem>>) dst(%dma_wait3A_1082 : memref<152x128xf32, #tpu.memory_space<hbm>>)
    %add3A_1087 = arith.constant 2976 : i32
    %add3A_1088 = arith.addi %min3A_5, %add3A_1087 : i32
    %dma_wait3A_1089 = arith.constant 0 : i32
    %dma_wait3A_1090 = arith.constant 128 : i32
    %dma_wait3A_1091 = tpu.memref_slice %arg5[%add3A_1088, %dma_wait3A_1090] : memref<100000x256xf32, #tpu.memory_space<hbm>> -> memref<152x128xf32, #tpu.memory_space<hbm>>
    %dma_wait3A_1092 = arith.constant 0 : i32
    %dma_wait3A_1093 = arith.constant 0 : i32
    %dma_wait3A_1094 = tpu.memref_slice %arg9[%arg1, %dma_wait3A_1089, %dma_wait3A_1092, %dma_wait3A_1093] : memref<16x2x248x128xf32, #tpu.memory_space<vmem_shared>> -> memref<1x1x152x128xf32, #tpu.memory_space<vmem_shared>>
    %dma_wait3A_1095 = tpu.memref_squeeze %dma_wait3A_1094 : memref<1x1x152x128xf32, #tpu.memory_space<vmem_shared>> -> memref<152x128xf32, #tpu.memory_space<vmem_shared>>
    tpu.wait_dma2 semaphore(%arg14 : memref<!tpu.dma_semaphore, #tpu.memory_space<semaphore_mem>>) src(%dma_wait3A_1095 : memref<152x128xf32, #tpu.memory_space<vmem_shared>>) dst(%dma_wait3A_1091 : memref<152x128xf32, #tpu.memory_space<hbm>>)
    return
  }
}

</mosaic_0001>

<sc_bundles>
// kernel: _sc_embed_concat.3.cloned.1.call-start
scs
__scs_entry_jumppad:
0x0: {  	(pc) =	sbr.rel $0x88, $3  }
0x1: {  	(tag) =	ssettag $0x0;
	lr =	simm.s32 $0x1  }
0x2: {  	[smem:$0x3F9E] =	sst lr;
	_ =	strace $0xD0000000  }
0x3: {  	_ = 	snop  }
0x4: {  	_ = 	snop  }
0x5: {  	_ = 	snop  }
0x6: {  	_ = 	snop  }
0x7: {  	_ = 	snop  }
__scs_overlays_trampoline_lowered:
0x8: {  	[smem:$0x3FAD] =	sst s0  }
0x9: {  	[smem:$0x3FAE] =	sst s1  }
0xa: {  	[smem:$0x3FAF] =	sst s2  }
0xb: {  	[smem:$0x3FB0] =	sst s3  }
0xc: {  	[smem:$0x3FB1] =	sst s4  }
0xd: {  	[smem:$0x3FB2] =	sst s5  }
0xe: {  	[smem:$0x3FB3] =	sst s6  }
0xf: {  	[smem:$0x3FB4] =	sst s7  }
0x10: {  	[smem:$0x3FB5] =	sst s8  }
0x11: {  	[smem:$0x3FB6] =	sst s9;
	s0 =	simm.s32 @!p0 $0x0  }
0x12: {  	s1 =	sld [smem:$0x3F9C];
	s0 =	simm.s32 @p0 $0x1  }
0x13: {  	[smem:$0x3FB7] =	sst s0;
	s0 =	simm.s32 @!p1 $0x0  }
0x14: {  	s2 =	sld [smem:$0x3F9B];
	s0 =	simm.s32 @p1 $0x1  }
0x15: {  	[smem:$0x3FB8] =	sst s0;
	s0 =	simm.s32 @!p2 $0x0  }
0x16: {  	s3 =	sld [smem:$0x3FDB];
	s0 =	simm.s32 @p2 $0x1  }
0x17: {  	s4 =	simm.s32 $0x1BF5;
	[smem:$0x3FBA] =	sst s0  }
0x18: {  	s0 =	sld [smem:$0x3F9D];
	_ =	swait.ge [sflag:s4], $0x0  }
0x19: {  	s7 =	sld [smem:$0x3F9E]  }
0x1a: {  	s8 =	sadd.s32 $0xFFFFE003, lr  }
0x1b: {  	s9 =	sadd.s32 $0xFFFFFEF7, lr;
	s5 =	simm.s32 $0xFFFFFFFF;
	p2 =	slt.u32 s8, $0xFFFFF086  }
0x1c: {  	p1 =	slt.u32 s9, $0xF7A;
	s5 =	simm.s32 @!p2 $0x0  }
0x1d: {  	s5 =	simm.s32 @p1 $0x1;
	p0 =	seq.s32 s7, s2  }
0x1e: {  	s7 =	smul.u32 @!p0 $0xF7A, s2;
	p2 =	seq.s32 @!p0 s5, $0x0  }
0x1f: {  	s9 =	smul.u32 $0xF7A, s1;
	s8 =	simm.s32 @!p0 $0x1BF5;
	p2 =	por !p2, p0  }
0x20: {  	[sflag:s8] =	ssyncset.s32 @!p0 $0xFFFFF086;
	s6 =	sadd.s32 @!p0 s3, s7;
	s7 =	simm.s32 @!p0 $0x108  }
0x21: {  	s3 =	sadd.s32 s3, s9;
	s6 =	sadd.s32 @!p0 $0x88, s6;
	s7 =	simm.s32 @p2 $0x1082  }
0x22: {  	[simem:s7], [sflag:s8] =	dma.local @!p0 [hbm:s6], $0xF7A  }
0x23: {  	s9 =	sor.u32 $0xD0000000, s2;
	s6 =	simm.s32 $0x108;
	_ =	swait.ge @!p0 [sflag:s8], $0x0  }
0x24: {  	s3 =	sadd.s32 $0x88, s3;
	s6 =	simm.s32 @!p1 $0x1082;
	[sflag:s4] =	ssyncset.s32 $0xFFFFF086  }
0x25: {  	[simem:s6], [sflag:s4] =	dma.local [hbm:s3], $0xF7A  }
0x26: {  	[smem:$0x3F9E] =	sst s1;
	(tag) =	ssettag s2;
	_ =	strace s9  }
0x27: {  	s1 =	sld [smem:$0x3FAE]  }
0x28: {  	s2 =	sld [smem:$0x3FAF]  }
0x29: {  	s4 =	sld [smem:$0x3FB1]  }
0x2a: {  	p0 =	seq.s32 s5, $0x0;
	s5 =	sld [smem:$0x3FB2]  }
0x2b: {  	s6 =	sld [smem:$0x3FB3]  }
0x2c: {  	s7 =	sld [smem:$0x3FB4]  }
0x2d: {  	s3 =	simm.s32 $0x108;
	s8 =	sld [smem:$0x3FB5]  }
0x2e: {  	s3 =	simm.s32 @!p0 $0x1082;
	s9 =	sld [smem:$0x3FB6]  }
0x2f: {  	lr =	sadd.s32 s0, s3;
	s0 =	sld [smem:$0x3FAD]  }
0x30: {  	s3 =	sld [smem:$0x3FB0]  }
0x31: {  	[smem:$0x3FB9] =	sst s10  }
0x32: {  	s10 =	sld [smem:$0x3FB7];
	_ =	sdelay $0x3  }
0x33: {  	p0 =	seq.s32 s10, $0x1;
	s10 =	sld [smem:$0x3FB9];
	_ =	sdelay $0x3  }
0x34: {  	[smem:$0x3FB9] =	sst s10  }
0x35: {  	s10 =	sld [smem:$0x3FB8];
	_ =	sdelay $0x3  }
0x36: {  	p1 =	seq.s32 s10, $0x1;
	s10 =	sld [smem:$0x3FB9];
	_ =	sdelay $0x3  }
0x37: {  	[smem:$0x3FB9] =	sst s10  }
0x38: {  	s10 =	sld [smem:$0x3FBA]  }
0x39: {  	_ = 	snop;
	(pc) =	sbr.ind lr, $3  }
0x3a: {  	_ = 	snop  }
0x3b: {  	_ = 	snop  }
0x3c: {  	p2 =	seq.s32 s10, $0x1;
	s10 =	sld [smem:$0x3FB9]  }
0x3d: {  	_ =	shalt  }
0x3e: {  	_ =	shalt  }
0x3f: {  	_ =	shalt  }
0x40: {  	_ =	shalt  }
0x41: {  	_ =	shalt  }
0x42: {  	_ =	shalt  }
0x43: {  	_ =	shalt  }
0x44: {  	_ =	shalt  }
0x45: {  	_ =	shalt  }
0x46: {  	_ =	shalt  }
0x47: {  	_ =	shalt  }
0x48: {  	_ =	shalt  }
0x49: {  	_ =	shalt  }
0x4a: {  	_ =	shalt  }
0x4b: {  	_ =	shalt  }
0x4c: {  	_ =	shalt  }
0x4d: {  	_ =	shalt  }
0x4e: {  	_ =	shalt  }
0x4f: {  	_ =	shalt  }
0x50: {  	_ =	shalt  }
0x51: {  	_ =	shalt  }
0x52: {  	_ =	shalt  }
0x53: {  	_ =	shalt  }
0x54: {  	_ =	shalt  }
0x55: {  	_ =	shalt  }
0x56: {  	_ =	shalt  }
0x57: {  	_ =	shalt  }
0x58: {  	_ =	shalt  }
0x59: {  	_ =	shalt  }
0x5a: {  	_ =	shalt  }
0x5b: {  	_ =	shalt  }
0x5c: {  	_ =	shalt  }
0x5d: {  	_ =	shalt  }
0x5e: {  	_ =	shalt  }
0x5f: {  	_ =	shalt  }
0x60: {  	_ =	shalt  }
0x61: {  	_ =	shalt  }
0x62: {  	_ =	shalt  }
0x63: {  	_ =	shalt  }
0x64: {  	_ =	shalt  }
0x65: {  	_ =	shalt  }
0x66: {  	_ =	shalt  }
0x67: {  	_ =	shalt  }
0x68: {  	_ =	shalt  }
0x69: {  	_ =	shalt  }
0x6a: {  	_ =	shalt  }
0x6b: {  	_ =	shalt  }
0x6c: {  	_ =	shalt  }
0x6d: {  	_ =	shalt  }
0x6e: {  	_ =	shalt  }
0x6f: {  	_ =	shalt  }
0x70: {  	_ =	shalt  }
0x71: {  	_ =	shalt  }
0x72: {  	_ =	shalt  }
0x73: {  	_ =	shalt  }
0x74: {  	_ =	shalt  }
0x75: {  	_ =	shalt  }
0x76: {  	_ =	shalt  }
0x77: {  	_ =	shalt  }
0x78: {  	_ =	shalt  }
0x79: {  	_ =	shalt  }
0x7a: {  	_ =	shalt  }
0x7b: {  	_ =	shalt  }
0x7c: {  	_ =	shalt  }
0x7d: {  	_ =	shalt  }
0x7e: {  	_ =	shalt  }
0x7f: {  	_ =	shalt  }
0x80: {  	_ =	shalt  }
0x81: {  	_ =	shalt  }
0x82: {  	_ =	shalt  }
0x83: {  	_ =	shalt  }
0x84: {  	_ =	shalt  }
0x85: {  	_ =	shalt  }
0x86: {  	_ =	shalt  }
0x87: {  	_ =	shalt  }
.Lfunc_end0:
.L_simem_size_0:
called_computation_lowered:
.L_overlay_start_0:
0x88: {  	s2 =	sld [smem:$0x3FD9]  }
0x89: {  	s3 =	sld [smem:$0x3FFE];
	_ =	sdelay $0x1  }
0x8a: {  	s1 =	srdreg.scid  }
0x8b: {  	s0 =	sand.u32 $0x1, s1  }
0x8c: {  	s18 =	sshll.u32 s0, $0xA;
	s2 =	sadd.s32 s3, s2  }
0x8d: {  	s2 =	sadd.s32 s2, s18  }
0x8e: {  	[smem:$0x3FC5] =	sst s2  }
0x8f: {  	_ = 	snop  }
0x90: {  	s2 =	sld [smem:$0x3FC9]  }
0x91: {  	s19 =	sld [smem:$0x3FC8]  }
0x92: {  	s4 =	sld [smem:$0x3FC7]  }
0x93: {  	s5 =	sld [smem:$0x3FD0];
	(tm) =	ssettm $0x1  }
0x94: {  	s6 =	sld [smem:$0x3FFB];
	_ =	sdelay $0x3  }
0x95: {  	_ =	strace s6  }
0x96: {  	s6 =	sld [smem:$0x3FFC];
	_ =	sdelay $0x3  }
0x97: {  	_ =	strace s6  }
0x98: {  	s6 =	sld [smem:$0x3FFD];
	_ =	sdelay $0x3  }
0x99: {  	_ =	strace s6  }
0x9a: {  	_ =	strace $0x8FFFFFFF  }
0x9b: {  	s20 =	sld [smem:$0x3FDB];
	_ =	sdelay $0x1  }
0x9c: {  	s7 =	simm.s32 $_scs_section_size  }
0x9d: {  	s8 =	simm.s32 $_size__tile_overlayer_lowered;
	s9 =	simm.s32 $_tile_overlayer_lowered  }
0x9e: {  	s23 =	simm.s32 $0x1BFF;
	s22 =	sshll.u32 s9, $0x1;
	s6 =	sadd.s32 s7, s20  }
0x9f: {  	s10 =	simm.s32 $0x0;
	s21 =	sshll.u32 s8, $0x1;
	s8 =	sadd.s32 s22, s6  }
0xa0: {  	[timem:s10], [sflag:s23] =	dma.local [hbm:s8], s21  }
0xa1: {  	_ =	swait.ge [sflag:s23], s21  }
0xa2: {  	s7 =	ssub.s32 $0x0, s21;
	[sflag:s23] =	ssyncset.done $0x0  }
0xa3: {  	[sflag:s23] =	ssyncadd.s32 s7;
	_ =	sdelay $0x1  }
0xa4: {  	s24 =	simm.s32 $0x1B8B  }
0xa5: {  	_ =	swait.ge [sflag:s24], $0x1  }
0xa6: {  	[sflag:s24] =	ssyncset.done $0x0  }
0xa7: {  	s25 =	simm.s32 $0x1B8E;
	[sflag:s24] =	ssyncadd.s32 $0xFFFFFFFF  }
0xa8: {  	s26 =	simm.s32 $execute0_lowered;
	[smem:$0x3FD2] =	sst s25  }
0xa9: {  	s7 =	sshll.u32 s26, $0x1;
	_ =	strace $0x80000046;
	[dreg:$0x1] =	wrdreg $0xFFFFFFFF  }
0xaa: {  	s28 =	simm.s32 $_size_execute0_lowered;
	s6 =	sadd.s32 s6, s7;
	[dreg:$0x0] =	wrdreg $0x0  }
0xab: {  	s7 =	sshll.u32 s28, $0x1;
	[dreg:$0x2] =	wrdreg s6  }
0xac: {  	[dreg:$0x3] =	wrdreg s7  }
0xad: {  	[dreg:$0x4] =	wrdreg $0xC0  }
0xae: {  	_ =	task [dreg:s10], $0x5FFFF  }
0xaf: {  	[dreg:$0x1] =	wrdreg $0xFFFFFFFF  }
0xb0: {  	[dreg:$0x0] =	wrdreg $0x60  }
0xb1: {  	[dreg:$0x2] =	wrdreg s2  }
0xb2: {  	[dreg:$0x3] =	wrdreg s19  }
0xb3: {  	[dreg:$0x4] =	wrdreg s4  }
0xb4: {  	[dreg:$0x5] =	wrdreg s5  }
0xb5: {  	[dreg:$0x6] =	wrdreg $0x104800  }
0xb6: {  	[dreg:$0x7] =	wrdreg $0x107A00  }
0xb7: {  	[dreg:$0x8] =	wrdreg $0x9  }
0xb8: {  	_ =	task.clear_ibuf [dreg:s10], $0x9FFFF;
	_ =	strace $0x90000046  }
0xb9: {  	s29 =	simm.s32 $0x9;
	_ =	strace $0x80000048  }
0xba: {  	_ =	swait.ge [sflag:s29], $0x1  }
0xbb: {  	[sflag:s29] =	ssyncadd.s32 $0xFFFFFFFF  }
0xbc: {  	_ =	strace $0x90000048  }
0xbd: {  	_ =	sfence  }
0xbe: {  	s30 =	sld [smem:$0x0];
	_ =	sdelay $0x2  }
0xbf: {  	s31 =	sshll.u32 s1, $0xD;
	s1 =	sshrl.u32 s1, $0x2  }
0xc0: {  	s3 =	sand.u32 $0x4000, s31;
	s1 =	sadd.s32 s1, s30  }
0xc1: {  	s0 =	sor.u32 s3, s0;
	s1 =	sshll.u32 s1, $0x11  }
0xc2: {  	s0 =	sor.u32 s1, s0  }
0xc3: {  	s0 =	sadd.s32 $0x8F2B, s0  }
0xc4: {  	[sflag:s0] =	ssyncadd.remote.s32 $0x1  }
0xc5: {  	_ =	sfence.sel $0xFFFF  }
0xc6: {  	[dreg:$0x0] =	wrdreg $0xFFFFFFFF;
	(pc) =	sbr.abs _section_cstart, $3  }
0xc7: {  	[dreg:$0x1] =	wrdreg $0xFFFFFFFF  }
0xc8: {  	_ =	task.clear_ibuf [dreg:s10], $0x2FFFF;
	_ =	strace $0x9FFFFFFF  }
0xc9: {  	(tm) =	ssettm $0x7FFFFFFF  }
tec
execute0_lowered:
.L_overlay_start_1:
0x0: {  	(tag) =	ssettag $0x1  }
0x1: {  	s0 =	rddreg [dreg:$0x0]  }
0x2: {  	s2 =	rddreg [dreg:$0x1]  }
0x3: {  	s1 =	rddreg [dreg:$0x2];
	s25 =	srdreg.scid  }
0x4: {  	s26 =	stileid.u32;
	s3 =	rddreg [dreg:$0x3]  }
0x5: {  	s24 =	rddreg [dreg:$0x6];
	s5 =	sand.u32 $0x1, s25;
	s4 =	sshll.u32 s26, $0x1  }
0x6: {  	[dreg:$0x7] =	wrdreg s1;
	s6 =	sor.u32 s5, s4  }
0x7: {  	s20 =	simm.s32 $0x0;
	s1 =	rddreg [dreg:$0x4];
	s6 =	smul.u32 $0xC38, s6  }
0x8: {  	p1 =	por $0x0, $0x0;
	[smem:$0x7FF] =	sst s20;
	s9 =	smul.u32 $0x3E000, s26  }
0x9: {  	p0 =	sne.s32 s26, $0x0;
	s4 =	rddreg [dreg:$0x5];
	s7 =	smin.u32 s6, $0x17A68  }
0xa: {  	_ =	strace $0x80000047;
	s5 =	ssub.s32 $0x2, s5;
	s6 =	sshrl.u32 s7, $0x3  }
0xb: {  	s8 =	sshll.u32 s7, $0x4;
	s29 =	sshll.u32 s7, $0x5;
	s0 =	sadd.s32 s0, s6  }
0xc: {  	s11 =	sadd.s32 $0xF8, s7;
	s28 =	sadd.s32 s2, s8;
	[dreg:$0x8] =	wrdreg s0  }
0xd: {  	s10 =	sadd.s32 s3, s29;
	s8 =	sadd.s32 $0x80, s3;
	[dreg:$0x9] =	wrdreg s28  }
0xe: {  	s30 =	sshll.u32 s11, $0x4;
	[dreg:$0xa] =	wrdreg s10;
	s0 =	sadd.s32 s29, s8  }
0xf: {  	s12 =	sshll.u32 s11, $0x5;
	s10 =	sadd.s32 s2, s30;
	[dreg:$0xb] =	wrdreg s0  }
0x10: {  	s14 =	sadd.s32 $0x1F0, s7;
	s13 =	sadd.s32 s3, s12;
	[dreg:$0xc] =	wrdreg s10  }
0x11: {  	s16 =	sshll.u32 s14, $0x4;
	s15 =	sadd.s32 s12, s8;
	[dreg:$0xd] =	wrdreg s13  }
0x12: {  	s18 =	sshll.u32 s14, $0x5;
	s17 =	sadd.s32 s2, s16;
	[dreg:$0xe] =	wrdreg s15  }
0x13: {  	s21 =	sadd.s32 $0x2E8, s7;
	s19 =	sadd.s32 s3, s18;
	[dreg:$0xf] =	wrdreg s17  }
0x14: {  	s23 =	sshll.u32 s21, $0x4;
	s22 =	sadd.s32 s18, s8;
	[dreg:$0x10] =	wrdreg s19  }
0x15: {  	s25 =	sadd.s32 s2, s23;
	s28 =	sshll.u32 s21, $0x5;
	[dreg:$0x11] =	wrdreg s22  }
0x16: {  	s30 =	sadd.s32 $0x3E0, s7;
	[dreg:$0x12] =	wrdreg s25;
	s29 =	sadd.s32 s3, s28  }
0x17: {  	s10 =	sadd.s32 s28, s8;
	s12 =	sshll.u32 s30, $0x4;
	[dreg:$0x13] =	wrdreg s29  }
0x18: {  	s14 =	sshll.u32 s30, $0x5;
	[dreg:$0x14] =	wrdreg s10;
	s13 =	sadd.s32 s2, s12  }
0x19: {  	s16 =	sadd.s32 $0x4D8, s7;
	s15 =	sadd.s32 s3, s14;
	[dreg:$0x15] =	wrdreg s13  }
0x1a: {  	s18 =	sshll.u32 s16, $0x4;
	s17 =	sadd.s32 s14, s8;
	[dreg:$0x16] =	wrdreg s15  }
0x1b: {  	s21 =	sshll.u32 s16, $0x5;
	s19 =	sadd.s32 s2, s18;
	[dreg:$0x17] =	wrdreg s17  }
0x1c: {  	s23 =	sadd.s32 $0x5D0, s7;
	s22 =	sadd.s32 s3, s21;
	[dreg:$0x18] =	wrdreg s19  }
0x1d: {  	s28 =	sshll.u32 s23, $0x4;
	s25 =	sadd.s32 s21, s8;
	[dreg:$0x19] =	wrdreg s22  }
0x1e: {  	s30 =	sshll.u32 s23, $0x5;
	s29 =	sadd.s32 s2, s28;
	[dreg:$0x1a] =	wrdreg s25  }
0x1f: {  	s11 =	sadd.s32 s3, s30;
	s12 =	sadd.s32 $0x6C8, s7;
	[dreg:$0x1b] =	wrdreg s29  }
0x20: {  	[dreg:$0x1c] =	wrdreg s11;
	s13 =	sadd.s32 s30, s8;
	s14 =	sshll.u32 s12, $0x4  }
0x21: {  	s16 =	sshll.u32 s12, $0x5;
	[dreg:$0x1d] =	wrdreg s13;
	s15 =	sadd.s32 s2, s14  }
0x22: {  	s18 =	sadd.s32 $0x7C0, s7;
	s17 =	sadd.s32 s3, s16;
	[dreg:$0x1e] =	wrdreg s15  }
0x23: {  	s21 =	sshll.u32 s18, $0x4;
	s19 =	sadd.s32 s16, s8;
	[dreg:$0x1f] =	wrdreg s17  }
0x24: {  	s23 =	sshll.u32 s18, $0x5;
	s22 =	sadd.s32 s2, s21;
	[smem:$0x7E4] =	sst s19  }
0x25: {  	s28 =	sadd.s32 $0x8B8, s7;
	s25 =	sadd.s32 s3, s23;
	[smem:$0x7E5] =	sst s22  }
0x26: {  	s30 =	sshll.u32 s28, $0x4;
	s29 =	sadd.s32 s23, s8;
	[smem:$0x7E6] =	sst s25  }
0x27: {  	s11 =	sshll.u32 s28, $0x5;
	s10 =	sadd.s32 s2, s30;
	[smem:$0x7E7] =	sst s29  }
0x28: {  	s6 =	sshrl.u32 s5, $0x1;
	s12 =	sadd.s32 s3, s11;
	[smem:$0x7E8] =	sst s10  }
0x29: {  	s13 =	sadd.s32 $0x9B0, s7;
	s14 =	sadd.s32 s11, s8;
	[smem:$0x7E9] =	sst s12  }
0x2a: {  	s15 =	sshll.u32 s13, $0x4;
	[smem:$0x7EA] =	sst s14;
	s17 =	sshll.u32 s13, $0x5  }
0x2b: {  	s19 =	sadd.s32 $0xAA8, s7;
	s7 =	sadd.s32 $0xBA0, s7;
	s13 =	sshrl.u32 s9, $0x2  }
0x2c: {  	s9 =	simm.s32 $0x80;
	s10 =	simm.s32 $0x3;
	s16 =	sadd.s32 s2, s15  }
0x2d: {  	s18 =	sadd.s32 s3, s17;
	s21 =	sadd.s32 s17, s8;
	s22 =	sshll.u32 s19, $0x4  }
0x2e: {  	s25 =	sshll.u32 s19, $0x5;
	s30 =	sshll.u32 s7, $0x4;
	[smem:$0x7EB] =	sst s16  }
0x2f: {  	s12 =	sshll.u32 s7, $0x5;
	s19 =	simm.s32 $0x2E8;
	[smem:$0x7EC] =	sst s18  }
0x30: {  	s7 =	simm.s32 $0x8;
	[smem:$0x7ED] =	sst s21;
	s23 =	sadd.s32 s2, s22  }
0x31: {  	s28 =	sadd.s32 s3, s25;
	s29 =	sadd.s32 s25, s8;
	s11 =	sadd.s32 s2, s30  }
0x32: {  	s14 =	sadd.s32 s3, s12;
	s21 =	sadd.s32 s13, s4;
	[smem:$0x7F5] =	sst s19  }
0x33: {  	s15 =	sadd.s32 s12, s8;
	s16 =	ssub.s32 s5, s6;
	[smem:$0x7EE] =	sst s23  }
0x34: {  	s22 =	simm.s32 $0x7;
	s2 =	simm.s32 $0xC80;
	[smem:$0x7EF] =	sst s28  }
0x35: {  	s4 =	simm.s32 $0x1;
	s5 =	simm.s32 $0x400;
	[smem:$0x7F0] =	sst s29  }
0x36: {  	s6 =	simm.s32 $0x800;
	s18 =	simm.s32 $0x1F0;
	[smem:$0x7F1] =	sst s11  }
0x37: {  	s3 =	simm.s32 $0x2;
	s8 =	simm.s32 $0x100;
	[smem:$0x7F2] =	sst s14  }
0x38: {  	s25 =	simm.s32 $0x4D8;
	s30 =	simm.s32 $0x7C0;
	[smem:$0x7F3] =	sst s15  }
0x39: {  	s12 =	simm.s32 $0x8B8;
	s13 =	simm.s32 $0x9B0;
	[smem:$0x7F4] =	sst s18  }
0x3a: {  	s17 =	sadd.s32 $0x7C00, s21;
	s0 =	smax.u32 s16, $0x1;
	[smem:$0x7F7] =	sst s25  }
0x3b: {  	s14 =	simm.s32 $0xF8;
	s23 =	simm.s32 $0x3E0;
	[smem:$0x7FA] =	sst s30  }
0x3c: {  	s28 =	simm.s32 $0x5D0;
	[smem:$0x7FB] =	sst s12;
	s31 =	sadd.s32 $0xFFFFFFFF, s0  }
0x3d: {  	s16 =	simm.s32 $0x8880;
	[smem:$0x7FC] =	sst s13;
	p2 =	sne.s32 s31, $0x0  }
.Ltmp0:
0x3e: {  	s29 =	simm.s32 $0x6C8;
	[smem:$0x7F6] =	sst s23;
	(pc) =	sbr.rel @!p2 .LBB2_5-.Ltmp0, $4  }
0x3f: {  	s11 =	simm.s32 $0x5;
	s12 =	simm.s32 $0x4;
	[smem:$0x7F8] =	sst s28  }
0x40: {  	s13 =	simm.s32 $0x6;
	s18 =	simm.s32 $0xBA0;
	[smem:$0x7F9] =	sst s29  }
0x41: {  	s15 =	sshrl.u32 s17, $0x3;
	s17 =	simm.s32 $0xAA8;
	s0 =	rddreg [dreg:$0x7]  }
0x42: {  	s23 =	sshrl.u32 @!p0 s1, $0x3;
	[smem:$0x7FD] =	sst s17;
	s17 =	simm.s32 $0x98  }
0x43: {  	s24 =	simm.s32 @!p0 $0x1C07;
	s25 =	simm.s32 @!p0 $0x7  }
0x44: {  	[spmem:s23], [sflag:s24] =	dma.local @!p0 [hbm:s0], $0x640  }
0x45: {  	_ =	swait.ge @!p0 [sflag:s25], $0x640  }
0x46: {  	[sflag:s25] =	ssyncset.done @!p0 $0x0  }
0x47: {  	s19 =	rddreg [dreg:$0x8];
	[sflag:s25] =	ssyncadd.s32 @!p0 $0xFFFFF9C0  }
0x48: {  	[tilespmem:s20], [sflag:$0x7] =	stream.linear.gather [hbm4b:s19+s20], $0xC38, $0x38;
	[tilespmem:$0x1FFA0] =	vst v63  }
0x49: {  	_ =	swait.ge [sflag:s22], $0xC38  }
0x4a: {  	[sflag:s22] =	ssyncset.done $0x0  }
0x4b: {  	[sflag:s22] =	ssyncadd.s32 $0xFFFFF3C8  }
0x4c: {  	s0 =	sshll.u32 s26, $0x6;
	[bflag:$0x0] =	sbarrier.arrive $0xFFFF  }
0x4d: {  	s28 =	sshrl.u32 s21, $0x3;
	s26 =	sor.u32 $0x1C02, s0;
	s29 =	rddreg [dreg:$0x9]  }
0x4e: {  	[tilespmem:s2], [sflag:$0x1] =	stream.indirect.gather [spmem:s1], $0x80, s20, s14, $0xb8;
	[tilespmem:$0x1FFA0] =	vst v63  }
0x4f: {  	[spmem:s28], [sflag:s26] =	dma.local [hbm:s29], $0xF80  }
0x50: {  	_ =	swait.ge [sflag:s4], $0x7C00  }
0x51: {  	[sflag:s4] =	ssyncset.done $0x0  }
0x52: {  	s29 =	rddreg [dreg:$0xa];
	[sflag:s4] =	ssyncadd.s32 $0xFFFF8400  }
0x53: {  	[hbm4b:s29+s5] =	stream.strided.scatter [tilespmem:s2], [sflag:$0x3], $0x7C00, s6, s5, $0x38;
	[tilespmem:$0x1FFA0] =	vst v63  }
0x54: {  	_ =	swait.ge [sflag:s3], $0xF80  }
0x55: {  	[sflag:s3] =	ssyncset.done $0x0  }
0x56: {  	s29 =	sor.u32 $0x1C05, s0;
	s30 =	rddreg [dreg:$0xb];
	[sflag:s3] =	ssyncadd.s32 $0xFFFFF080  }
0x57: {  	[hbm:s30@s8], [sflag:s29] =	dma.strided [spmem:s28@s9], $0xF80, s7, $0x10   }
0x58: {  	s30 =	rddreg [dreg:$0xc]  }
0x59: {  	[tilespmem:s16], [sflag:$0x1] =	stream.indirect.gather [spmem:s1], $0x80, s14, s14, $0xb8;
	[tilespmem:$0x1FFA0] =	vst v63  }
0x5a: {  	[spmem:s15], [sflag:s26] =	dma.local [hbm:s30], $0xF80  }
0x5b: {  	_ =	swait.ge [sflag:s4], $0x7C00  }
0x5c: {  	[sflag:s4] =	ssyncset.done $0x0  }
0x5d: {  	s30 =	rddreg [dreg:$0xd];
	[sflag:s4] =	ssyncadd.s32 $0xFFFF8400  }
0x5e: {  	[hbm4b:s30+s5] =	stream.strided.scatter [tilespmem:s16], [sflag:$0x4], $0x7C00, s6, s5, $0x38;
	[tilespmem:$0x1FFA0] =	vst v63  }
0x5f: {  	_ =	swait.ge [sflag:s3], $0xF80  }
0x60: {  	[sflag:s3] =	ssyncset.done $0x0  }
0x61: {  	s30 =	sor.u32 $0x1C06, s0;
	s19 =	rddreg [dreg:$0xe];
	[sflag:s3] =	ssyncadd.s32 $0xFFFFF080  }
0x62: {  	[hbm:s19@s8], [sflag:s30] =	dma.strided [spmem:s15@s9], $0xF80, s7, $0x10   }
0x63: {  	_ =	swait.ge [sflag:s10], $0x7C00  }
0x64: {  	[sflag:s10] =	ssyncset.done $0x0  }
0x65: {  	[sflag:s10] =	ssyncadd.s32 $0xFFFF8400  }
0x66: {  	_ =	swait.ge [sflag:s11], $0xF80  }
0x67: {  	s0 =	sld [smem:$0x7F4]  }
0x68: {  	[sflag:s11] =	ssyncset.done $0x0  }
0x69: {  	s19 =	rddreg [dreg:$0xf];
	[sflag:s11] =	ssyncadd.s32 $0xFFFFF080  }
0x6a: {  	[tilespmem:s2], [sflag:$0x1] =	stream.indirect.gather [spmem:s1], $0x80, s0, s14, $0xb8;
	[tilespmem:$0x1FFA0] =	vst v63  }
0x6b: {  	[spmem:s28], [sflag:s26] =	dma.local [hbm:s19], $0xF80  }
0x6c: {  	_ =	swait.ge [sflag:s4], $0x7C00  }
0x6d: {  	[sflag:s4] =	ssyncset.done $0x0  }
0x6e: {  	s19 =	rddreg [dreg:$0x10];
	[sflag:s4] =	ssyncadd.s32 $0xFFFF8400  }
0x6f: {  	[hbm4b:s19+s5] =	stream.strided.scatter [tilespmem:s2], [sflag:$0x3], $0x7C00, s6, s5, $0x38;
	[tilespmem:$0x1FFA0] =	vst v63  }
0x70: {  	_ =	swait.ge [sflag:s3], $0xF80  }
0x71: {  	[sflag:s3] =	ssyncset.done $0x0  }
0x72: {  	s19 =	rddreg [dreg:$0x11];
	[sflag:s3] =	ssyncadd.s32 $0xFFFFF080  }
0x73: {  	[hbm:s19@s8], [sflag:s29] =	dma.strided [spmem:s28@s9], $0xF80, s7, $0x10   }
0x74: {  	_ =	swait.ge [sflag:s12], $0x7C00  }
0x75: {  	[sflag:s12] =	ssyncset.done $0x0  }
0x76: {  	[sflag:s12] =	ssyncadd.s32 $0xFFFF8400  }
0x77: {  	_ =	swait.ge [sflag:s13], $0xF80  }
0x78: {  	s0 =	sld [smem:$0x7F5]  }
0x79: {  	[sflag:s13] =	ssyncset.done $0x0  }
0x7a: {  	s19 =	rddreg [dreg:$0x12];
	[sflag:s13] =	ssyncadd.s32 $0xFFFFF080  }
0x7b: {  	[tilespmem:s16], [sflag:$0x1] =	stream.indirect.gather [spmem:s1], $0x80, s0, s14, $0xb8;
	[tilespmem:$0x1FFA0] =	vst v63  }
0x7c: {  	[spmem:s15], [sflag:s26] =	dma.local [hbm:s19], $0xF80  }
0x7d: {  	_ =	swait.ge [sflag:s4], $0x7C00  }
0x7e: {  	[sflag:s4] =	ssyncset.done $0x0  }
0x7f: {  	s19 =	rddreg [dreg:$0x13];
	[sflag:s4] =	ssyncadd.s32 $0xFFFF8400  }
0x80: {  	[hbm4b:s19+s5] =	stream.strided.scatter [tilespmem:s16], [sflag:$0x4], $0x7C00, s6, s5, $0x38;
	[tilespmem:$0x1FFA0] =	vst v63  }
0x81: {  	_ =	swait.ge [sflag:s3], $0xF80  }
0x82: {  	[sflag:s3] =	ssyncset.done $0x0  }
0x83: {  	s19 =	rddreg [dreg:$0x14];
	[sflag:s3] =	ssyncadd.s32 $0xFFFFF080  }
0x84: {  	[hbm:s19@s8], [sflag:s30] =	dma.strided [spmem:s15@s9], $0xF80, s7, $0x10   }
0x85: {  	_ =	swait.ge [sflag:s10], $0x7C00  }
0x86: {  	[sflag:s10] =	ssyncset.done $0x0  }
0x87: {  	[sflag:s10] =	ssyncadd.s32 $0xFFFF8400  }
0x88: {  	_ =	swait.ge [sflag:s11], $0xF80  }
0x89: {  	s0 =	sld [smem:$0x7F6]  }
0x8a: {  	[sflag:s11] =	ssyncset.done $0x0  }
0x8b: {  	s19 =	rddreg [dreg:$0x15];
	[sflag:s11] =	ssyncadd.s32 $0xFFFFF080  }
0x8c: {  	[tilespmem:s2], [sflag:$0x1] =	stream.indirect.gather [spmem:s1], $0x80, s0, s14, $0xb8;
	[tilespmem:$0x1FFA0] =	vst v63  }
0x8d: {  	[spmem:s28], [sflag:s26] =	dma.local [hbm:s19], $0xF80  }
0x8e: {  	_ =	swait.ge [sflag:s4], $0x7C00  }
0x8f: {  	[sflag:s4] =	ssyncset.done $0x0  }
0x90: {  	s19 =	rddreg [dreg:$0x16];
	[sflag:s4] =	ssyncadd.s32 $0xFFFF8400  }
0x91: {  	[hbm4b:s19+s5] =	stream.strided.scatter [tilespmem:s2], [sflag:$0x3], $0x7C00, s6, s5, $0x38;
	[tilespmem:$0x1FFA0] =	vst v63  }
0x92: {  	_ =	swait.ge [sflag:s3], $0xF80  }
0x93: {  	[sflag:s3] =	ssyncset.done $0x0  }
0x94: {  	s19 =	rddreg [dreg:$0x17];
	[sflag:s3] =	ssyncadd.s32 $0xFFFFF080  }
0x95: {  	[hbm:s19@s8], [sflag:s29] =	dma.strided [spmem:s28@s9], $0xF80, s7, $0x10   }
0x96: {  	_ =	swait.ge [sflag:s12], $0x7C00  }
0x97: {  	[sflag:s12] =	ssyncset.done $0x0  }
0x98: {  	[sflag:s12] =	ssyncadd.s32 $0xFFFF8400  }
0x99: {  	_ =	swait.ge [sflag:s13], $0xF80  }
0x9a: {  	s0 =	sld [smem:$0x7F7]  }
0x9b: {  	[sflag:s13] =	ssyncset.done $0x0  }
0x9c: {  	s19 =	rddreg [dreg:$0x18];
	[sflag:s13] =	ssyncadd.s32 $0xFFFFF080  }
0x9d: {  	[tilespmem:s16], [sflag:$0x1] =	stream.indirect.gather [spmem:s1], $0x80, s0, s14, $0xb8;
	[tilespmem:$0x1FFA0] =	vst v63  }
0x9e: {  	[spmem:s15], [sflag:s26] =	dma.local [hbm:s19], $0xF80  }
0x9f: {  	_ =	swait.ge [sflag:s4], $0x7C00  }
0xa0: {  	[sflag:s4] =	ssyncset.done $0x0  }
0xa1: {  	s19 =	rddreg [dreg:$0x19];
	[sflag:s4] =	ssyncadd.s32 $0xFFFF8400  }
0xa2: {  	[hbm4b:s19+s5] =	stream.strided.scatter [tilespmem:s16], [sflag:$0x4], $0x7C00, s6, s5, $0x38;
	[tilespmem:$0x1FFA0] =	vst v63  }
0xa3: {  	_ =	swait.ge [sflag:s3], $0xF80  }
0xa4: {  	[sflag:s3] =	ssyncset.done $0x0  }
0xa5: {  	s19 =	rddreg [dreg:$0x1a];
	[sflag:s3] =	ssyncadd.s32 $0xFFFFF080  }
0xa6: {  	[hbm:s19@s8], [sflag:s30] =	dma.strided [spmem:s15@s9], $0xF80, s7, $0x10   }
0xa7: {  	_ =	swait.ge [sflag:s10], $0x7C00  }
0xa8: {  	[sflag:s10] =	ssyncset.done $0x0  }
0xa9: {  	[sflag:s10] =	ssyncadd.s32 $0xFFFF8400  }
0xaa: {  	_ =	swait.ge [sflag:s11], $0xF80  }
0xab: {  	s0 =	sld [smem:$0x7F8]  }
0xac: {  	[sflag:s11] =	ssyncset.done $0x0  }
0xad: {  	s19 =	rddreg [dreg:$0x1b];
	[sflag:s11] =	ssyncadd.s32 $0xFFFFF080  }
0xae: {  	[tilespmem:s2], [sflag:$0x1] =	stream.indirect.gather [spmem:s1], $0x80, s0, s14, $0xb8;
	[tilespmem:$0x1FFA0] =	vst v63  }
0xaf: {  	[spmem:s28], [sflag:s26] =	dma.local [hbm:s19], $0xF80  }
0xb0: {  	_ =	swait.ge [sflag:s4], $0x7C00  }
0xb1: {  	[sflag:s4] =	ssyncset.done $0x0  }
0xb2: {  	s19 =	rddreg [dreg:$0x1c];
	[sflag:s4] =	ssyncadd.s32 $0xFFFF8400  }
0xb3: {  	[hbm4b:s19+s5] =	stream.strided.scatter [tilespmem:s2], [sflag:$0x3], $0x7C00, s6, s5, $0x38;
	[tilespmem:$0x1FFA0] =	vst v63  }
0xb4: {  	_ =	swait.ge [sflag:s3], $0xF80  }
0xb5: {  	[sflag:s3] =	ssyncset.done $0x0  }
0xb6: {  	s19 =	rddreg [dreg:$0x1d];
	[sflag:s3] =	ssyncadd.s32 $0xFFFFF080  }
0xb7: {  	[hbm:s19@s8], [sflag:s29] =	dma.strided [spmem:s28@s9], $0xF80, s7, $0x10   }
0xb8: {  	_ =	swait.ge [sflag:s12], $0x7C00  }
0xb9: {  	[sflag:s12] =	ssyncset.done $0x0  }
0xba: {  	[sflag:s12] =	ssyncadd.s32 $0xFFFF8400  }
0xbb: {  	_ =	swait.ge [sflag:s13], $0xF80  }
0xbc: {  	s0 =	sld [smem:$0x7F9]  }
0xbd: {  	[sflag:s13] =	ssyncset.done $0x0  }
0xbe: {  	s19 =	rddreg [dreg:$0x1e];
	[sflag:s13] =	ssyncadd.s32 $0xFFFFF080  }
0xbf: {  	[tilespmem:s16], [sflag:$0x1] =	stream.indirect.gather [spmem:s1], $0x80, s0, s14, $0xb8;
	[tilespmem:$0x1FFA0] =	vst v63  }
0xc0: {  	[spmem:s15], [sflag:s26] =	dma.local [hbm:s19], $0xF80  }
0xc1: {  	_ =	swait.ge [sflag:s4], $0x7C00  }
0xc2: {  	[sflag:s4] =	ssyncset.done $0x0  }
0xc3: {  	s19 =	rddreg [dreg:$0x1f];
	[sflag:s4] =	ssyncadd.s32 $0xFFFF8400  }
0xc4: {  	[hbm4b:s19+s5] =	stream.strided.scatter [tilespmem:s16], [sflag:$0x4], $0x7C00, s6, s5, $0x38;
	[tilespmem:$0x1FFA0] =	vst v63  }
0xc5: {  	_ =	swait.ge [sflag:s3], $0xF80  }
0xc6: {  	s19 =	sld [smem:$0x7E4]  }
0xc7: {  	[sflag:s3] =	ssyncset.done $0x0  }
0xc8: {  	[sflag:s3] =	ssyncadd.s32 $0xFFFFF080  }
0xc9: {  	[hbm:s19@s8], [sflag:s30] =	dma.strided [spmem:s15@s9], $0xF80, s7, $0x10   }
0xca: {  	_ =	swait.ge [sflag:s10], $0x7C00  }
0xcb: {  	[sflag:s10] =	ssyncset.done $0x0  }
0xcc: {  	[sflag:s10] =	ssyncadd.s32 $0xFFFF8400  }
0xcd: {  	_ =	swait.ge [sflag:s11], $0xF80  }
0xce: {  	s0 =	sld [smem:$0x7FA]  }
0xcf: {  	[sflag:s11] =	ssyncset.done $0x0;
	s19 =	sld [smem:$0x7E5]  }
0xd0: {  	[sflag:s11] =	ssyncadd.s32 $0xFFFFF080  }
0xd1: {  	[tilespmem:s2], [sflag:$0x1] =	stream.indirect.gather [spmem:s1], $0x80, s0, s14, $0xb8;
	[tilespmem:$0x1FFA0] =	vst v63  }
0xd2: {  	[spmem:s28], [sflag:s26] =	dma.local [hbm:s19], $0xF80  }
0xd3: {  	_ =	swait.ge [sflag:s4], $0x7C00  }
0xd4: {  	s19 =	sld [smem:$0x7E6]  }
0xd5: {  	[sflag:s4] =	ssyncset.done $0x0  }
0xd6: {  	[sflag:s4] =	ssyncadd.s32 $0xFFFF8400  }
0xd7: {  	[hbm4b:s19+s5] =	stream.strided.scatter [tilespmem:s2], [sflag:$0x3], $0x7C00, s6, s5, $0x38;
	[tilespmem:$0x1FFA0] =	vst v63  }
0xd8: {  	_ =	swait.ge [sflag:s3], $0xF80  }
0xd9: {  	s19 =	sld [smem:$0x7E7]  }
0xda: {  	[sflag:s3] =	ssyncset.done $0x0  }
0xdb: {  	[sflag:s3] =	ssyncadd.s32 $0xFFFFF080  }
0xdc: {  	[hbm:s19@s8], [sflag:s29] =	dma.strided [spmem:s28@s9], $0xF80, s7, $0x10   }
0xdd: {  	_ =	swait.ge [sflag:s12], $0x7C00  }
0xde: {  	[sflag:s12] =	ssyncset.done $0x0  }
0xdf: {  	[sflag:s12] =	ssyncadd.s32 $0xFFFF8400  }
0xe0: {  	_ =	swait.ge [sflag:s13], $0xF80  }
0xe1: {  	s0 =	sld [smem:$0x7FB]  }
0xe2: {  	[sflag:s13] =	ssyncset.done $0x0;
	s19 =	sld [smem:$0x7E8]  }
0xe3: {  	[sflag:s13] =	ssyncadd.s32 $0xFFFFF080  }
0xe4: {  	[tilespmem:s16], [sflag:$0x1] =	stream.indirect.gather [spmem:s1], $0x80, s0, s14, $0xb8;
	[tilespmem:$0x1FFA0] =	vst v63  }
0xe5: {  	[spmem:s15], [sflag:s26] =	dma.local [hbm:s19], $0xF80  }
0xe6: {  	_ =	swait.ge [sflag:s4], $0x7C00  }
0xe7: {  	s19 =	sld [smem:$0x7E9]  }
0xe8: {  	[sflag:s4] =	ssyncset.done $0x0  }
0xe9: {  	[sflag:s4] =	ssyncadd.s32 $0xFFFF8400  }
0xea: {  	[hbm4b:s19+s5] =	stream.strided.scatter [tilespmem:s16], [sflag:$0x4], $0x7C00, s6, s5, $0x38;
	[tilespmem:$0x1FFA0] =	vst v63  }
0xeb: {  	_ =	swait.ge [sflag:s3], $0xF80  }
0xec: {  	s19 =	sld [smem:$0x7EA]  }
0xed: {  	[sflag:s3] =	ssyncset.done $0x0  }
0xee: {  	[sflag:s3] =	ssyncadd.s32 $0xFFFFF080  }
0xef: {  	[hbm:s19@s8], [sflag:s30] =	dma.strided [spmem:s15@s9], $0xF80, s7, $0x10   }
0xf0: {  	_ =	swait.ge [sflag:s10], $0x7C00  }
0xf1: {  	[sflag:s10] =	ssyncset.done $0x0  }
0xf2: {  	[sflag:s10] =	ssyncadd.s32 $0xFFFF8400  }
0xf3: {  	_ =	swait.ge [sflag:s11], $0xF80  }
0xf4: {  	s0 =	sld [smem:$0x7FC]  }
0xf5: {  	[sflag:s11] =	ssyncset.done $0x0;
	s19 =	sld [smem:$0x7EB]  }
0xf6: {  	[sflag:s11] =	ssyncadd.s32 $0xFFFFF080  }
0xf7: {  	[tilespmem:s2], [sflag:$0x1] =	stream.indirect.gather [spmem:s1], $0x80, s0, s14, $0xb8;
	[tilespmem:$0x1FFA0] =	vst v63  }
0xf8: {  	[spmem:s28], [sflag:s26] =	dma.local [hbm:s19], $0xF80  }
0xf9: {  	_ =	swait.ge [sflag:s4], $0x7C00  }
0xfa: {  	s19 =	sld [smem:$0x7EC]  }
0xfb: {  	[sflag:s4] =	ssyncset.done $0x0  }
0xfc: {  	[sflag:s4] =	ssyncadd.s32 $0xFFFF8400  }
0xfd: {  	[hbm4b:s19+s5] =	stream.strided.scatter [tilespmem:s2], [sflag:$0x3], $0x7C00, s6, s5, $0x38;
	[tilespmem:$0x1FFA0] =	vst v63  }
0xfe: {  	_ =	swait.ge [sflag:s3], $0xF80  }
0xff: {  	s19 =	sld [smem:$0x7ED]  }
0x100: {  	[sflag:s3] =	ssyncset.done $0x0  }
0x101: {  	[sflag:s3] =	ssyncadd.s32 $0xFFFFF080  }
0x102: {  	[hbm:s19@s8], [sflag:s29] =	dma.strided [spmem:s28@s9], $0xF80, s7, $0x10   }
0x103: {  	_ =	swait.ge [sflag:s12], $0x7C00  }
0x104: {  	[sflag:s12] =	ssyncset.done $0x0  }
0x105: {  	[sflag:s12] =	ssyncadd.s32 $0xFFFF8400  }
0x106: {  	_ =	swait.ge [sflag:s13], $0xF80  }
0x107: {  	s0 =	sld [smem:$0x7FD]  }
0x108: {  	[sflag:s13] =	ssyncset.done $0x0;
	s19 =	sld [smem:$0x7EE]  }
0x109: {  	[sflag:s13] =	ssyncadd.s32 $0xFFFFF080  }
0x10a: {  	[tilespmem:s16], [sflag:$0x1] =	stream.indirect.gather [spmem:s1], $0x80, s0, s14, $0xb8;
	[tilespmem:$0x1FFA0] =	vst v63  }
0x10b: {  	[spmem:s15], [sflag:s26] =	dma.local [hbm:s19], $0xF80  }
0x10c: {  	_ =	swait.ge [sflag:s4], $0x7C00  }
0x10d: {  	s19 =	sld [smem:$0x7EF]  }
0x10e: {  	[sflag:s4] =	ssyncset.done $0x0  }
0x10f: {  	[sflag:s4] =	ssyncadd.s32 $0xFFFF8400  }
0x110: {  	[hbm4b:s19+s5] =	stream.strided.scatter [tilespmem:s16], [sflag:$0x4], $0x7C00, s6, s5, $0x38;
	[tilespmem:$0x1FFA0] =	vst v63  }
0x111: {  	_ =	swait.ge [sflag:s3], $0xF80  }
0x112: {  	s19 =	sld [smem:$0x7F0]  }
0x113: {  	[sflag:s3] =	ssyncset.done $0x0  }
0x114: {  	[sflag:s3] =	ssyncadd.s32 $0xFFFFF080  }
0x115: {  	[hbm:s19@s8], [sflag:s30] =	dma.strided [spmem:s15@s9], $0xF80, s7, $0x10   }
0x116: {  	_ =	swait.ge [sflag:s10], $0x7C00  }
0x117: {  	[sflag:s10] =	ssyncset.done $0x0  }
0x118: {  	[sflag:s10] =	ssyncadd.s32 $0xFFFF8400  }
0x119: {  	_ =	swait.ge [sflag:s11], $0xF80  }
0x11a: {  	[sflag:s11] =	ssyncset.done $0x0;
	s19 =	sld [smem:$0x7F1]  }
0x11b: {  	[sflag:s11] =	ssyncadd.s32 $0xFFFFF080  }
0x11c: {  	[tilespmem:s2], [sflag:$0x1] =	stream.indirect.gather [spmem:s1], $0x80, s18, s17, $0xb8;
	[tilespmem:$0x1FFA0] =	vst v63  }
0x11d: {  	[spmem:s28], [sflag:s26] =	dma.local [hbm:s19], $0x980  }
0x11e: {  	_ =	swait.ge [sflag:s4], $0x4C00  }
0x11f: {  	s19 =	sld [smem:$0x7F2]  }
0x120: {  	[sflag:s4] =	ssyncset.done $0x0  }
0x121: {  	[sflag:s4] =	ssyncadd.s32 $0xFFFFB400  }
0x122: {  	[hbm4b:s19+s5] =	stream.strided.scatter [tilespmem:s2], [sflag:$0x3], $0x4C00, s6, s5, $0x38;
	[tilespmem:$0x1FFA0] =	vst v63  }
0x123: {  	_ =	swait.ge [sflag:s3], $0x980  }
0x124: {  	s19 =	sld [smem:$0x7F3]  }
0x125: {  	[sflag:s3] =	ssyncset.done $0x0  }
0x126: {  	[sflag:s3] =	ssyncadd.s32 $0xFFFFF680  }
0x127: {  	[hbm:s19@s8], [sflag:s29] =	dma.strided [spmem:s28@s9], $0x980, s7, $0x10   }
0x128: {  	_ =	swait.ge [sflag:s12], $0x7C00  }
0x129: {  	[sflag:s12] =	ssyncset.done $0x0  }
0x12a: {  	[sflag:s12] =	ssyncadd.s32 $0xFFFF8400  }
0x12b: {  	_ =	swait.ge [sflag:s13], $0xF80  }
0x12c: {  	s31 =	sadd.s32 $0xFFFFFFFF, s31;
	[sflag:s13] =	ssyncset.done $0x0  }
0x12d: {  	p2 =	sne.s32 s31, $0x0;
	[sflag:s13] =	ssyncadd.s32 $0xFFFFF080  }
.Ltmp1:
0x12e: {  	_ =	swait.ge [sflag:s10], $0x4C00;
	(pc) =	sbr.rel @!p2 .LBB2_2-.Ltmp1, $4  }
0x12f: {  	[sflag:s10] =	ssyncset.done $0x0  }
0x130: {  	[sflag:s10] =	ssyncadd.s32 $0xFFFFB400  }
0x131: {  	_ =	swait.ge [sflag:s11], $0x980  }
0x132: {  	p1 =	por $0x1, $0x1;
	s0 =	rddreg [dreg:$0x7];
	[sflag:s11] =	ssyncset.done $0x0  }
.LBB2_3:
0x133: {  	[sflag:s11] =	ssyncadd.s32 $0xFFFFF680  }
0x134: {  	[spmem:s23], [sflag:s24] =	dma.local @!p0 [hbm:s0], $0x640  }
0x135: {  	_ =	swait.ge @!p0 [sflag:s25], $0x640  }
0x136: {  	[sflag:s25] =	ssyncset.done @!p0 $0x0  }
0x137: {  	s19 =	rddreg [dreg:$0x8];
	[sflag:s25] =	ssyncadd.s32 @!p0 $0xFFFFF9C0  }
0x138: {  	[tilespmem:s20], [sflag:$0x7] =	stream.linear.gather [hbm4b:s19+s20], $0xC38, $0x38;
	[tilespmem:$0x1FFA0] =	vst v63  }
0x139: {  	_ =	swait.ge [sflag:s22], $0xC38  }
0x13a: {  	[sflag:s22] =	ssyncset.done $0x0  }
0x13b: {  	[sflag:s22] =	ssyncadd.s32 $0xFFFFF3C8  }
0x13c: {  	[bflag:$0x0] =	sbarrier.arrive $0xFFFF  }
0x13d: {  	s19 =	rddreg [dreg:$0x9]  }
0x13e: {  	[tilespmem:s2], [sflag:$0x1] =	stream.indirect.gather [spmem:s1], $0x80, s20, s14, $0xb8;
	[tilespmem:$0x1FFA0] =	vst v63  }
0x13f: {  	[spmem:s28], [sflag:s26] =	dma.local [hbm:s19], $0xF80  }
0x140: {  	_ =	swait.ge [sflag:s4], $0x7C00  }
0x141: {  	[sflag:s4] =	ssyncset.done $0x0  }
0x142: {  	s19 =	rddreg [dreg:$0xa];
	[sflag:s4] =	ssyncadd.s32 $0xFFFF8400  }
0x143: {  	[hbm4b:s19+s5] =	stream.strided.scatter [tilespmem:s2], [sflag:$0x3], $0x7C00, s6, s5, $0x38;
	[tilespmem:$0x1FFA0] =	vst v63  }
0x144: {  	_ =	swait.ge [sflag:s3], $0xF80  }
0x145: {  	[sflag:s3] =	ssyncset.done $0x0  }
0x146: {  	s19 =	rddreg [dreg:$0xb];
	[sflag:s3] =	ssyncadd.s32 $0xFFFFF080  }
0x147: {  	[hbm:s19@s8], [sflag:s29] =	dma.strided [spmem:s28@s9], $0xF80, s7, $0x10   }
0x148: {  	s0 =	rddreg [dreg:$0xc]  }
0x149: {  	[tilespmem:s16], [sflag:$0x1] =	stream.indirect.gather [spmem:s1], $0x80, s14, s14, $0xb8;
	[tilespmem:$0x1FFA0] =	vst v63  }
0x14a: {  	[spmem:s15], [sflag:s26] =	dma.local [hbm:s0], $0xF80  }
0x14b: {  	_ =	swait.ge [sflag:s4], $0x7C00  }
0x14c: {  	[sflag:s4] =	ssyncset.done $0x0  }
0x14d: {  	s19 =	rddreg [dreg:$0xd];
	[sflag:s4] =	ssyncadd.s32 $0xFFFF8400  }
0x14e: {  	[hbm4b:s19+s5] =	stream.strided.scatter [tilespmem:s16], [sflag:$0x4], $0x7C00, s6, s5, $0x38;
	[tilespmem:$0x1FFA0] =	vst v63  }
0x14f: {  	_ =	swait.ge [sflag:s3], $0xF80  }
0x150: {  	[sflag:s3] =	ssyncset.done $0x0  }
0x151: {  	s19 =	rddreg [dreg:$0xe];
	[sflag:s3] =	ssyncadd.s32 $0xFFFFF080  }
0x152: {  	[hbm:s19@s8], [sflag:s30] =	dma.strided [spmem:s15@s9], $0xF80, s7, $0x10   }
0x153: {  	_ =	swait.ge [sflag:s10], $0x7C00  }
0x154: {  	[sflag:s10] =	ssyncset.done $0x0  }
0x155: {  	[sflag:s10] =	ssyncadd.s32 $0xFFFF8400  }
0x156: {  	_ =	swait.ge [sflag:s11], $0xF80  }
0x157: {  	s0 =	sld [smem:$0x7F4]  }
0x158: {  	[sflag:s11] =	ssyncset.done $0x0  }
0x159: {  	s19 =	rddreg [dreg:$0xf];
	[sflag:s11] =	ssyncadd.s32 $0xFFFFF080  }
0x15a: {  	[tilespmem:s2], [sflag:$0x1] =	stream.indirect.gather [spmem:s1], $0x80, s0, s14, $0xb8;
	[tilespmem:$0x1FFA0] =	vst v63  }
0x15b: {  	[spmem:s28], [sflag:s26] =	dma.local [hbm:s19], $0xF80  }
0x15c: {  	_ =	swait.ge [sflag:s4], $0x7C00  }
0x15d: {  	[sflag:s4] =	ssyncset.done $0x0  }
0x15e: {  	s19 =	rddreg [dreg:$0x10];
	[sflag:s4] =	ssyncadd.s32 $0xFFFF8400  }
0x15f: {  	[hbm4b:s19+s5] =	stream.strided.scatter [tilespmem:s2], [sflag:$0x3], $0x7C00, s6, s5, $0x38;
	[tilespmem:$0x1FFA0] =	vst v63  }
0x160: {  	_ =	swait.ge [sflag:s3], $0xF80  }
0x161: {  	[sflag:s3] =	ssyncset.done $0x0  }
0x162: {  	s19 =	rddreg [dreg:$0x11];
	[sflag:s3] =	ssyncadd.s32 $0xFFFFF080  }
0x163: {  	[hbm:s19@s8], [sflag:s29] =	dma.strided [spmem:s28@s9], $0xF80, s7, $0x10   }
0x164: {  	_ =	swait.ge [sflag:s12], $0x7C00  }
0x165: {  	[sflag:s12] =	ssyncset.done $0x0  }
0x166: {  	[sflag:s12] =	ssyncadd.s32 $0xFFFF8400  }
0x167: {  	_ =	swait.ge [sflag:s13], $0xF80  }
0x168: {  	s0 =	sld [smem:$0x7F5]  }
0x169: {  	[sflag:s13] =	ssyncset.done $0x0  }
0x16a: {  	s19 =	rddreg [dreg:$0x12];
	[sflag:s13] =	ssyncadd.s32 $0xFFFFF080  }
0x16b: {  	[tilespmem:s16], [sflag:$0x1] =	stream.indirect.gather [spmem:s1], $0x80, s0, s14, $0xb8;
	[tilespmem:$0x1FFA0] =	vst v63  }
0x16c: {  	[spmem:s15], [sflag:s26] =	dma.local [hbm:s19], $0xF80  }
0x16d: {  	_ =	swait.ge [sflag:s4], $0x7C00  }
0x16e: {  	[sflag:s4] =	ssyncset.done $0x0  }
0x16f: {  	s19 =	rddreg [dreg:$0x13];
	[sflag:s4] =	ssyncadd.s32 $0xFFFF8400  }
0x170: {  	[hbm4b:s19+s5] =	stream.strided.scatter [tilespmem:s16], [sflag:$0x4], $0x7C00, s6, s5, $0x38;
	[tilespmem:$0x1FFA0] =	vst v63  }
0x171: {  	_ =	swait.ge [sflag:s3], $0xF80  }
0x172: {  	[sflag:s3] =	ssyncset.done $0x0  }
0x173: {  	s19 =	rddreg [dreg:$0x14];
	[sflag:s3] =	ssyncadd.s32 $0xFFFFF080  }
0x174: {  	[hbm:s19@s8], [sflag:s30] =	dma.strided [spmem:s15@s9], $0xF80, s7, $0x10   }
0x175: {  	_ =	swait.ge [sflag:s10], $0x7C00  }
0x176: {  	[sflag:s10] =	ssyncset.done $0x0  }
0x177: {  	[sflag:s10] =	ssyncadd.s32 $0xFFFF8400  }
0x178: {  	_ =	swait.ge [sflag:s11], $0xF80  }
0x179: {  	s0 =	sld [smem:$0x7F6]  }
0x17a: {  	[sflag:s11] =	ssyncset.done $0x0  }
0x17b: {  	s19 =	rddreg [dreg:$0x15];
	[sflag:s11] =	ssyncadd.s32 $0xFFFFF080  }
0x17c: {  	[tilespmem:s2], [sflag:$0x1] =	stream.indirect.gather [spmem:s1], $0x80, s0, s14, $0xb8;
	[tilespmem:$0x1FFA0] =	vst v63  }
0x17d: {  	[spmem:s28], [sflag:s26] =	dma.local [hbm:s19], $0xF80  }
0x17e: {  	_ =	swait.ge [sflag:s4], $0x7C00  }
0x17f: {  	[sflag:s4] =	ssyncset.done $0x0  }
0x180: {  	s19 =	rddreg [dreg:$0x16];
	[sflag:s4] =	ssyncadd.s32 $0xFFFF8400  }
0x181: {  	[hbm4b:s19+s5] =	stream.strided.scatter [tilespmem:s2], [sflag:$0x3], $0x7C00, s6, s5, $0x38;
	[tilespmem:$0x1FFA0] =	vst v63  }
0x182: {  	_ =	swait.ge [sflag:s3], $0xF80  }
0x183: {  	[sflag:s3] =	ssyncset.done $0x0  }
0x184: {  	s19 =	rddreg [dreg:$0x17];
	[sflag:s3] =	ssyncadd.s32 $0xFFFFF080  }
0x185: {  	[hbm:s19@s8], [sflag:s29] =	dma.strided [spmem:s28@s9], $0xF80, s7, $0x10   }
0x186: {  	_ =	swait.ge [sflag:s12], $0x7C00  }
0x187: {  	[sflag:s12] =	ssyncset.done $0x0  }
0x188: {  	[sflag:s12] =	ssyncadd.s32 $0xFFFF8400  }
0x189: {  	_ =	swait.ge [sflag:s13], $0xF80  }
0x18a: {  	s0 =	sld [smem:$0x7F7]  }
0x18b: {  	[sflag:s13] =	ssyncset.done $0x0  }
0x18c: {  	s19 =	rddreg [dreg:$0x18];
	[sflag:s13] =	ssyncadd.s32 $0xFFFFF080  }
0x18d: {  	[tilespmem:s16], [sflag:$0x1] =	stream.indirect.gather [spmem:s1], $0x80, s0, s14, $0xb8;
	[tilespmem:$0x1FFA0] =	vst v63  }
0x18e: {  	[spmem:s15], [sflag:s26] =	dma.local [hbm:s19], $0xF80  }
0x18f: {  	_ =	swait.ge [sflag:s4], $0x7C00  }
0x190: {  	[sflag:s4] =	ssyncset.done $0x0  }
0x191: {  	s19 =	rddreg [dreg:$0x19];
	[sflag:s4] =	ssyncadd.s32 $0xFFFF8400  }
0x192: {  	[hbm4b:s19+s5] =	stream.strided.scatter [tilespmem:s16], [sflag:$0x4], $0x7C00, s6, s5, $0x38;
	[tilespmem:$0x1FFA0] =	vst v63  }
0x193: {  	_ =	swait.ge [sflag:s3], $0xF80  }
0x194: {  	[sflag:s3] =	ssyncset.done $0x0  }
0x195: {  	s19 =	rddreg [dreg:$0x1a];
	[sflag:s3] =	ssyncadd.s32 $0xFFFFF080  }
0x196: {  	[hbm:s19@s8], [sflag:s30] =	dma.strided [spmem:s15@s9], $0xF80, s7, $0x10   }
0x197: {  	_ =	swait.ge [sflag:s10], $0x7C00  }
0x198: {  	[sflag:s10] =	ssyncset.done $0x0  }
0x199: {  	[sflag:s10] =	ssyncadd.s32 $0xFFFF8400  }
0x19a: {  	_ =	swait.ge [sflag:s11], $0xF80  }
0x19b: {  	s0 =	sld [smem:$0x7F8]  }
0x19c: {  	[sflag:s11] =	ssyncset.done $0x0  }
0x19d: {  	s19 =	rddreg [dreg:$0x1b];
	[sflag:s11] =	ssyncadd.s32 $0xFFFFF080  }
0x19e: {  	[tilespmem:s2], [sflag:$0x1] =	stream.indirect.gather [spmem:s1], $0x80, s0, s14, $0xb8;
	[tilespmem:$0x1FFA0] =	vst v63  }
0x19f: {  	[spmem:s28], [sflag:s26] =	dma.local [hbm:s19], $0xF80  }
0x1a0: {  	_ =	swait.ge [sflag:s4], $0x7C00  }
0x1a1: {  	[sflag:s4] =	ssyncset.done $0x0  }
0x1a2: {  	s19 =	rddreg [dreg:$0x1c];
	[sflag:s4] =	ssyncadd.s32 $0xFFFF8400  }
0x1a3: {  	[hbm4b:s19+s5] =	stream.strided.scatter [tilespmem:s2], [sflag:$0x3], $0x7C00, s6, s5, $0x38;
	[tilespmem:$0x1FFA0] =	vst v63  }
0x1a4: {  	_ =	swait.ge [sflag:s3], $0xF80  }
0x1a5: {  	[sflag:s3] =	ssyncset.done $0x0  }
0x1a6: {  	s19 =	rddreg [dreg:$0x1d];
	[sflag:s3] =	ssyncadd.s32 $0xFFFFF080  }
0x1a7: {  	[hbm:s19@s8], [sflag:s29] =	dma.strided [spmem:s28@s9], $0xF80, s7, $0x10   }
0x1a8: {  	_ =	swait.ge [sflag:s12], $0x7C00  }
0x1a9: {  	[sflag:s12] =	ssyncset.done $0x0  }
0x1aa: {  	[sflag:s12] =	ssyncadd.s32 $0xFFFF8400  }
0x1ab: {  	_ =	swait.ge [sflag:s13], $0xF80  }
0x1ac: {  	s0 =	sld [smem:$0x7F9]  }
0x1ad: {  	[sflag:s13] =	ssyncset.done $0x0  }
0x1ae: {  	s19 =	rddreg [dreg:$0x1e];
	[sflag:s13] =	ssyncadd.s32 $0xFFFFF080  }
0x1af: {  	[tilespmem:s16], [sflag:$0x1] =	stream.indirect.gather [spmem:s1], $0x80, s0, s14, $0xb8;
	[tilespmem:$0x1FFA0] =	vst v63  }
0x1b0: {  	[spmem:s15], [sflag:s26] =	dma.local [hbm:s19], $0xF80  }
0x1b1: {  	_ =	swait.ge [sflag:s4], $0x7C00  }
0x1b2: {  	[sflag:s4] =	ssyncset.done $0x0  }
0x1b3: {  	s19 =	rddreg [dreg:$0x1f];
	[sflag:s4] =	ssyncadd.s32 $0xFFFF8400  }
0x1b4: {  	[hbm4b:s19+s5] =	stream.strided.scatter [tilespmem:s16], [sflag:$0x4], $0x7C00, s6, s5, $0x38;
	[tilespmem:$0x1FFA0] =	vst v63  }
0x1b5: {  	_ =	swait.ge [sflag:s3], $0xF80  }
0x1b6: {  	s19 =	sld [smem:$0x7E4]  }
0x1b7: {  	[sflag:s3] =	ssyncset.done $0x0  }
0x1b8: {  	[sflag:s3] =	ssyncadd.s32 $0xFFFFF080  }
0x1b9: {  	[hbm:s19@s8], [sflag:s30] =	dma.strided [spmem:s15@s9], $0xF80, s7, $0x10   }
0x1ba: {  	_ =	swait.ge [sflag:s10], $0x7C00  }
0x1bb: {  	[sflag:s10] =	ssyncset.done $0x0  }
0x1bc: {  	[sflag:s10] =	ssyncadd.s32 $0xFFFF8400  }
0x1bd: {  	_ =	swait.ge [sflag:s11], $0xF80  }
0x1be: {  	s0 =	sld [smem:$0x7FA]  }
0x1bf: {  	[sflag:s11] =	ssyncset.done $0x0;
	s19 =	sld [smem:$0x7E5]  }
0x1c0: {  	[sflag:s11] =	ssyncadd.s32 $0xFFFFF080  }
0x1c1: {  	[tilespmem:s2], [sflag:$0x1] =	stream.indirect.gather [spmem:s1], $0x80, s0, s14, $0xb8;
	[tilespmem:$0x1FFA0] =	vst v63  }
0x1c2: {  	[spmem:s28], [sflag:s26] =	dma.local [hbm:s19], $0xF80  }
0x1c3: {  	_ =	swait.ge [sflag:s4], $0x7C00  }
0x1c4: {  	s19 =	sld [smem:$0x7E6]  }
0x1c5: {  	[sflag:s4] =	ssyncset.done $0x0  }
0x1c6: {  	[sflag:s4] =	ssyncadd.s32 $0xFFFF8400  }
0x1c7: {  	[hbm4b:s19+s5] =	stream.strided.scatter [tilespmem:s2], [sflag:$0x3], $0x7C00, s6, s5, $0x38;
	[tilespmem:$0x1FFA0] =	vst v63  }
0x1c8: {  	_ =	swait.ge [sflag:s3], $0xF80  }
0x1c9: {  	s19 =	sld [smem:$0x7E7]  }
0x1ca: {  	[sflag:s3] =	ssyncset.done $0x0  }
0x1cb: {  	[sflag:s3] =	ssyncadd.s32 $0xFFFFF080  }
0x1cc: {  	[hbm:s19@s8], [sflag:s29] =	dma.strided [spmem:s28@s9], $0xF80, s7, $0x10   }
0x1cd: {  	_ =	swait.ge [sflag:s12], $0x7C00  }
0x1ce: {  	[sflag:s12] =	ssyncset.done $0x0  }
0x1cf: {  	[sflag:s12] =	ssyncadd.s32 $0xFFFF8400  }
0x1d0: {  	_ =	swait.ge [sflag:s13], $0xF80  }
0x1d1: {  	s0 =	sld [smem:$0x7FB]  }
0x1d2: {  	[sflag:s13] =	ssyncset.done $0x0;
	s19 =	sld [smem:$0x7E8]  }
0x1d3: {  	[sflag:s13] =	ssyncadd.s32 $0xFFFFF080  }
0x1d4: {  	[tilespmem:s16], [sflag:$0x1] =	stream.indirect.gather [spmem:s1], $0x80, s0, s14, $0xb8;
	[tilespmem:$0x1FFA0] =	vst v63  }
0x1d5: {  	[spmem:s15], [sflag:s26] =	dma.local [hbm:s19], $0xF80  }
0x1d6: {  	_ =	swait.ge [sflag:s4], $0x7C00  }
0x1d7: {  	s19 =	sld [smem:$0x7E9]  }
0x1d8: {  	[sflag:s4] =	ssyncset.done $0x0  }
0x1d9: {  	[sflag:s4] =	ssyncadd.s32 $0xFFFF8400  }
0x1da: {  	[hbm4b:s19+s5] =	stream.strided.scatter [tilespmem:s16], [sflag:$0x4], $0x7C00, s6, s5, $0x38;
	[tilespmem:$0x1FFA0] =	vst v63  }
0x1db: {  	_ =	swait.ge [sflag:s3], $0xF80  }
0x1dc: {  	s19 =	sld [smem:$0x7EA]  }
0x1dd: {  	[sflag:s3] =	ssyncset.done $0x0  }
0x1de: {  	[sflag:s3] =	ssyncadd.s32 $0xFFFFF080  }
0x1df: {  	[hbm:s19@s8], [sflag:s30] =	dma.strided [spmem:s15@s9], $0xF80, s7, $0x10   }
0x1e0: {  	_ =	swait.ge [sflag:s10], $0x7C00  }
0x1e1: {  	[sflag:s10] =	ssyncset.done $0x0  }
0x1e2: {  	[sflag:s10] =	ssyncadd.s32 $0xFFFF8400  }
0x1e3: {  	_ =	swait.ge [sflag:s11], $0xF80  }
0x1e4: {  	s0 =	sld [smem:$0x7FC]  }
0x1e5: {  	[sflag:s11] =	ssyncset.done $0x0;
	s19 =	sld [smem:$0x7EB]  }
0x1e6: {  	[sflag:s11] =	ssyncadd.s32 $0xFFFFF080  }
0x1e7: {  	[tilespmem:s2], [sflag:$0x1] =	stream.indirect.gather [spmem:s1], $0x80, s0, s14, $0xb8;
	[tilespmem:$0x1FFA0] =	vst v63  }
0x1e8: {  	[spmem:s28], [sflag:s26] =	dma.local [hbm:s19], $0xF80  }
0x1e9: {  	_ =	swait.ge [sflag:s4], $0x7C00  }
0x1ea: {  	s19 =	sld [smem:$0x7EC]  }
0x1eb: {  	[sflag:s4] =	ssyncset.done $0x0  }
0x1ec: {  	[sflag:s4] =	ssyncadd.s32 $0xFFFF8400  }
0x1ed: {  	[hbm4b:s19+s5] =	stream.strided.scatter [tilespmem:s2], [sflag:$0x3], $0x7C00, s6, s5, $0x38;
	[tilespmem:$0x1FFA0] =	vst v63  }
0x1ee: {  	_ =	swait.ge [sflag:s3], $0xF80  }
0x1ef: {  	s19 =	sld [smem:$0x7ED]  }
0x1f0: {  	[sflag:s3] =	ssyncset.done $0x0  }
0x1f1: {  	[sflag:s3] =	ssyncadd.s32 $0xFFFFF080  }
0x1f2: {  	[hbm:s19@s8], [sflag:s29] =	dma.strided [spmem:s28@s9], $0xF80, s7, $0x10   }
0x1f3: {  	_ =	swait.ge [sflag:s12], $0x7C00  }
0x1f4: {  	[sflag:s12] =	ssyncset.done $0x0  }
0x1f5: {  	[sflag:s12] =	ssyncadd.s32 $0xFFFF8400  }
0x1f6: {  	_ =	swait.ge [sflag:s13], $0xF80  }
0x1f7: {  	s0 =	sld [smem:$0x7FD]  }
0x1f8: {  	[sflag:s13] =	ssyncset.done $0x0;
	s19 =	sld [smem:$0x7EE]  }
0x1f9: {  	[sflag:s13] =	ssyncadd.s32 $0xFFFFF080  }
0x1fa: {  	[tilespmem:s16], [sflag:$0x1] =	stream.indirect.gather [spmem:s1], $0x80, s0, s14, $0xb8;
	[tilespmem:$0x1FFA0] =	vst v63  }
0x1fb: {  	[spmem:s15], [sflag:s26] =	dma.local [hbm:s19], $0xF80  }
0x1fc: {  	_ =	swait.ge [sflag:s4], $0x7C00  }
0x1fd: {  	s19 =	sld [smem:$0x7EF]  }
0x1fe: {  	[sflag:s4] =	ssyncset.done $0x0  }
0x1ff: {  	[sflag:s4] =	ssyncadd.s32 $0xFFFF8400  }
0x200: {  	[hbm4b:s19+s5] =	stream.strided.scatter [tilespmem:s16], [sflag:$0x4], $0x7C00, s6, s5, $0x38;
	[tilespmem:$0x1FFA0] =	vst v63  }
0x201: {  	_ =	swait.ge [sflag:s3], $0xF80  }
0x202: {  	s19 =	sld [smem:$0x7F0]  }
0x203: {  	[sflag:s3] =	ssyncset.done $0x0  }
0x204: {  	[sflag:s3] =	ssyncadd.s32 $0xFFFFF080  }
0x205: {  	[hbm:s19@s8], [sflag:s30] =	dma.strided [spmem:s15@s9], $0xF80, s7, $0x10   }
0x206: {  	_ =	swait.ge [sflag:s10], $0x7C00  }
0x207: {  	[sflag:s10] =	ssyncset.done $0x0  }
0x208: {  	[sflag:s10] =	ssyncadd.s32 $0xFFFF8400  }
0x209: {  	_ =	swait.ge [sflag:s11], $0xF80  }
0x20a: {  	[sflag:s11] =	ssyncset.done $0x0;
	s19 =	sld [smem:$0x7F1]  }
0x20b: {  	[sflag:s11] =	ssyncadd.s32 $0xFFFFF080  }
0x20c: {  	[tilespmem:s2], [sflag:$0x1] =	stream.indirect.gather [spmem:s1], $0x80, s18, s17, $0xb8;
	[tilespmem:$0x1FFA0] =	vst v63  }
0x20d: {  	[spmem:s28], [sflag:s26] =	dma.local [hbm:s19], $0x980  }
0x20e: {  	_ =	swait.ge [sflag:s4], $0x4C00  }
0x20f: {  	s19 =	sld [smem:$0x7F2]  }
0x210: {  	[sflag:s4] =	ssyncset.done $0x0  }
0x211: {  	[sflag:s4] =	ssyncadd.s32 $0xFFFFB400  }
0x212: {  	[hbm4b:s19+s5] =	stream.strided.scatter [tilespmem:s2], [sflag:$0x3], $0x4C00, s6, s5, $0x38;
	[tilespmem:$0x1FFA0] =	vst v63  }
0x213: {  	_ =	swait.ge [sflag:s3], $0x980  }
0x214: {  	s19 =	sld [smem:$0x7F3]  }
0x215: {  	[sflag:s3] =	ssyncset.done $0x0  }
0x216: {  	[sflag:s3] =	ssyncadd.s32 $0xFFFFF680  }
0x217: {  	[hbm:s19@s8], [sflag:s29] =	dma.strided [spmem:s28@s9], $0x980, s7, $0x10   }
0x218: {  	_ =	swait.ge [sflag:s12], $0x7C00  }
0x219: {  	[sflag:s12] =	ssyncset.done $0x0  }
0x21a: {  	[sflag:s12] =	ssyncadd.s32 $0xFFFF8400  }
0x21b: {  	_ =	swait.ge [sflag:s13], $0xF80  }
0x21c: {  	s31 =	sadd.s32 $0xFFFFFFFF, s31;
	[sflag:s13] =	ssyncset.done $0x0  }
0x21d: {  	p2 =	sne.s32 s31, $0x0;
	[sflag:s13] =	ssyncadd.s32 $0xFFFFF080  }
.Ltmp2:
0x21e: {  	_ =	swait.ge [sflag:s10], $0x4C00;
	(pc) =	sbr.rel @p2 .LBB2_3-.Ltmp2, $4  }
0x21f: {  	[sflag:s10] =	ssyncset.done $0x0  }
0x220: {  	[sflag:s10] =	ssyncadd.s32 $0xFFFFB400  }
0x221: {  	_ =	swait.ge [sflag:s11], $0x980  }
0x222: {  	s0 =	rddreg [dreg:$0x7];
	[sflag:s11] =	ssyncset.done $0x0  }
0x223: {  	s24 =	rddreg [dreg:$0x6];
	s26 =	stileid.u32  }
.LBB2_5:
0x224: {  	[sflag:s11] =	ssyncadd.s32 @p1 $0xFFFFF680;
	s19 =	simm.s32 @!p0 $0x1C07  }
0x225: {  	[spmem:s23], [sflag:s19] =	dma.local @!p0 [hbm:s0], $0x640  }
0x226: {  	s0 =	simm.s32 @!p0 $0x7  }
0x227: {  	_ =	swait.ge @!p0 [sflag:s0], $0x640  }
0x228: {  	[sflag:s0] =	ssyncset.done @!p0 $0x0  }
0x229: {  	s29 =	rddreg [dreg:$0x8];
	[sflag:s0] =	ssyncadd.s32 @!p0 $0xFFFFF9C0  }
0x22a: {  	[tilespmem:s20], [sflag:$0x7] =	stream.linear.gather [hbm4b:s29+s20], $0xC38, $0x38;
	[tilespmem:$0x1FFA0] =	vst v63  }
0x22b: {  	_ =	swait.ge [sflag:s22], $0xC38  }
0x22c: {  	[sflag:s22] =	ssyncset.done $0x0  }
0x22d: {  	[sflag:s22] =	ssyncadd.s32 $0xFFFFF3C8  }
0x22e: {  	s30 =	sshll.u32 s26, $0x6;
	[bflag:$0x0] =	sbarrier.arrive $0xFFFF  }
0x22f: {  	[tilespmem:s2], [sflag:$0x1] =	stream.indirect.gather [spmem:s1], $0x80, s20, s14, $0xb8;
	[tilespmem:$0x1FFA0] =	vst v63  }
0x230: {  	s19 =	sshrl.u32 s21, $0x3;
	s31 =	rddreg [dreg:$0x9];
	s20 =	sor.u32 $0x1C02, s30  }
0x231: {  	[spmem:s19], [sflag:s20] =	dma.local [hbm:s31], $0xF80  }
0x232: {  	_ =	swait.ge [sflag:s4], $0x7C00  }
0x233: {  	[sflag:s4] =	ssyncset.done $0x0  }
0x234: {  	s23 =	rddreg [dreg:$0xa];
	[sflag:s4] =	ssyncadd.s32 $0xFFFF8400  }
0x235: {  	[hbm4b:s23+s5] =	stream.strided.scatter [tilespmem:s2], [sflag:$0x3], $0x7C00, s6, s5, $0x38;
	[tilespmem:$0x1FFA0] =	vst v63  }
0x236: {  	_ =	swait.ge [sflag:s3], $0xF80  }
0x237: {  	[sflag:s3] =	ssyncset.done $0x0  }
0x238: {  	s21 =	sor.u32 $0x1C05, s30;
	s25 =	rddreg [dreg:$0xb];
	[sflag:s3] =	ssyncadd.s32 $0xFFFFF080  }
0x239: {  	[hbm:s25@s8], [sflag:s21] =	dma.strided [spmem:s19@s9], $0xF80, s7, $0x10   }
0x23a: {  	s22 =	rddreg [dreg:$0xc]  }
0x23b: {  	[tilespmem:s16], [sflag:$0x1] =	stream.indirect.gather [spmem:s1], $0x80, s14, s14, $0xb8;
	[tilespmem:$0x1FFA0] =	vst v63  }
0x23c: {  	[spmem:s15], [sflag:s20] =	dma.local [hbm:s22], $0xF80  }
0x23d: {  	_ =	swait.ge [sflag:s4], $0x7C00  }
0x23e: {  	[sflag:s4] =	ssyncset.done $0x0  }
0x23f: {  	s26 =	rddreg [dreg:$0xd];
	[sflag:s4] =	ssyncadd.s32 $0xFFFF8400  }
0x240: {  	[hbm4b:s26+s5] =	stream.strided.scatter [tilespmem:s16], [sflag:$0x4], $0x7C00, s6, s5, $0x38;
	[tilespmem:$0x1FFA0] =	vst v63  }
0x241: {  	_ =	swait.ge [sflag:s3], $0xF80  }
0x242: {  	[sflag:s3] =	ssyncset.done $0x0  }
0x243: {  	s22 =	sor.u32 $0x1C06, s30;
	s28 =	rddreg [dreg:$0xe];
	[sflag:s3] =	ssyncadd.s32 $0xFFFFF080  }
0x244: {  	[hbm:s28@s8], [sflag:s22] =	dma.strided [spmem:s15@s9], $0xF80, s7, $0x10   }
0x245: {  	_ =	swait.ge [sflag:s10], $0x7C00  }
0x246: {  	[sflag:s10] =	ssyncset.done $0x0  }
0x247: {  	[sflag:s10] =	ssyncadd.s32 $0xFFFF8400  }
0x248: {  	_ =	swait.ge [sflag:s11], $0xF80  }
0x249: {  	s29 =	sld [smem:$0x7F4]  }
0x24a: {  	[sflag:s11] =	ssyncset.done $0x0  }
0x24b: {  	s30 =	rddreg [dreg:$0xf];
	[sflag:s11] =	ssyncadd.s32 $0xFFFFF080  }
0x24c: {  	[tilespmem:s2], [sflag:$0x1] =	stream.indirect.gather [spmem:s1], $0x80, s29, s14, $0xb8;
	[tilespmem:$0x1FFA0] =	vst v63  }
0x24d: {  	[spmem:s19], [sflag:s20] =	dma.local [hbm:s30], $0xF80  }
0x24e: {  	_ =	swait.ge [sflag:s4], $0x7C00  }
0x24f: {  	[sflag:s4] =	ssyncset.done $0x0  }
0x250: {  	s31 =	rddreg [dreg:$0x10];
	[sflag:s4] =	ssyncadd.s32 $0xFFFF8400  }
0x251: {  	[hbm4b:s31+s5] =	stream.strided.scatter [tilespmem:s2], [sflag:$0x3], $0x7C00, s6, s5, $0x38;
	[tilespmem:$0x1FFA0] =	vst v63  }
0x252: {  	_ =	swait.ge [sflag:s3], $0xF80  }
0x253: {  	[sflag:s3] =	ssyncset.done $0x0  }
0x254: {  	s23 =	rddreg [dreg:$0x11];
	[sflag:s3] =	ssyncadd.s32 $0xFFFFF080  }
0x255: {  	[hbm:s23@s8], [sflag:s21] =	dma.strided [spmem:s19@s9], $0xF80, s7, $0x10   }
0x256: {  	_ =	swait.ge [sflag:s12], $0x7C00  }
0x257: {  	[sflag:s12] =	ssyncset.done $0x0  }
0x258: {  	[sflag:s12] =	ssyncadd.s32 $0xFFFF8400  }
0x259: {  	_ =	swait.ge [sflag:s13], $0xF80  }
0x25a: {  	s25 =	sld [smem:$0x7F5]  }
0x25b: {  	[sflag:s13] =	ssyncset.done $0x0  }
0x25c: {  	s26 =	rddreg [dreg:$0x12];
	[sflag:s13] =	ssyncadd.s32 $0xFFFFF080  }
0x25d: {  	[tilespmem:s16], [sflag:$0x1] =	stream.indirect.gather [spmem:s1], $0x80, s25, s14, $0xb8;
	[tilespmem:$0x1FFA0] =	vst v63  }
0x25e: {  	[spmem:s15], [sflag:s20] =	dma.local [hbm:s26], $0xF80  }
0x25f: {  	_ =	swait.ge [sflag:s4], $0x7C00  }
0x260: {  	[sflag:s4] =	ssyncset.done $0x0  }
0x261: {  	s28 =	rddreg [dreg:$0x13];
	[sflag:s4] =	ssyncadd.s32 $0xFFFF8400  }
0x262: {  	[hbm4b:s28+s5] =	stream.strided.scatter [tilespmem:s16], [sflag:$0x4], $0x7C00, s6, s5, $0x38;
	[tilespmem:$0x1FFA0] =	vst v63  }
0x263: {  	_ =	swait.ge [sflag:s3], $0xF80  }
0x264: {  	[sflag:s3] =	ssyncset.done $0x0  }
0x265: {  	s29 =	rddreg [dreg:$0x14];
	[sflag:s3] =	ssyncadd.s32 $0xFFFFF080  }
0x266: {  	[hbm:s29@s8], [sflag:s22] =	dma.strided [spmem:s15@s9], $0xF80, s7, $0x10   }
0x267: {  	_ =	swait.ge [sflag:s10], $0x7C00  }
0x268: {  	[sflag:s10] =	ssyncset.done $0x0  }
0x269: {  	[sflag:s10] =	ssyncadd.s32 $0xFFFF8400  }
0x26a: {  	_ =	swait.ge [sflag:s11], $0xF80  }
0x26b: {  	s30 =	sld [smem:$0x7F6]  }
0x26c: {  	[sflag:s11] =	ssyncset.done $0x0  }
0x26d: {  	s31 =	rddreg [dreg:$0x15];
	[sflag:s11] =	ssyncadd.s32 $0xFFFFF080  }
0x26e: {  	[tilespmem:s2], [sflag:$0x1] =	stream.indirect.gather [spmem:s1], $0x80, s30, s14, $0xb8;
	[tilespmem:$0x1FFA0] =	vst v63  }
0x26f: {  	[spmem:s19], [sflag:s20] =	dma.local [hbm:s31], $0xF80  }
0x270: {  	_ =	swait.ge [sflag:s4], $0x7C00  }
0x271: {  	[sflag:s4] =	ssyncset.done $0x0  }
0x272: {  	s25 =	rddreg [dreg:$0x16];
	[sflag:s4] =	ssyncadd.s32 $0xFFFF8400  }
0x273: {  	[hbm4b:s25+s5] =	stream.strided.scatter [tilespmem:s2], [sflag:$0x3], $0x7C00, s6, s5, $0x38;
	[tilespmem:$0x1FFA0] =	vst v63  }
0x274: {  	_ =	swait.ge [sflag:s3], $0xF80  }
0x275: {  	[sflag:s3] =	ssyncset.done $0x0  }
0x276: {  	s26 =	rddreg [dreg:$0x17];
	[sflag:s3] =	ssyncadd.s32 $0xFFFFF080  }
0x277: {  	[hbm:s26@s8], [sflag:s21] =	dma.strided [spmem:s19@s9], $0xF80, s7, $0x10   }
0x278: {  	_ =	swait.ge [sflag:s12], $0x7C00  }
0x279: {  	[sflag:s12] =	ssyncset.done $0x0  }
0x27a: {  	[sflag:s12] =	ssyncadd.s32 $0xFFFF8400  }
0x27b: {  	_ =	swait.ge [sflag:s13], $0xF80  }
0x27c: {  	s28 =	sld [smem:$0x7F7]  }
0x27d: {  	[sflag:s13] =	ssyncset.done $0x0  }
0x27e: {  	s29 =	rddreg [dreg:$0x18];
	[sflag:s13] =	ssyncadd.s32 $0xFFFFF080  }
0x27f: {  	[tilespmem:s16], [sflag:$0x1] =	stream.indirect.gather [spmem:s1], $0x80, s28, s14, $0xb8;
	[tilespmem:$0x1FFA0] =	vst v63  }
0x280: {  	[spmem:s15], [sflag:s20] =	dma.local [hbm:s29], $0xF80  }
0x281: {  	_ =	swait.ge [sflag:s4], $0x7C00  }
0x282: {  	[sflag:s4] =	ssyncset.done $0x0  }
0x283: {  	s30 =	rddreg [dreg:$0x19];
	[sflag:s4] =	ssyncadd.s32 $0xFFFF8400  }
0x284: {  	[hbm4b:s30+s5] =	stream.strided.scatter [tilespmem:s16], [sflag:$0x4], $0x7C00, s6, s5, $0x38;
	[tilespmem:$0x1FFA0] =	vst v63  }
0x285: {  	_ =	swait.ge [sflag:s3], $0xF80  }
0x286: {  	[sflag:s3] =	ssyncset.done $0x0  }
0x287: {  	s31 =	rddreg [dreg:$0x1a];
	[sflag:s3] =	ssyncadd.s32 $0xFFFFF080  }
0x288: {  	[hbm:s31@s8], [sflag:s22] =	dma.strided [spmem:s15@s9], $0xF80, s7, $0x10   }
0x289: {  	_ =	swait.ge [sflag:s10], $0x7C00  }
0x28a: {  	[sflag:s10] =	ssyncset.done $0x0  }
0x28b: {  	[sflag:s10] =	ssyncadd.s32 $0xFFFF8400  }
0x28c: {  	_ =	swait.ge [sflag:s11], $0xF80  }
0x28d: {  	s23 =	sld [smem:$0x7F8]  }
0x28e: {  	[sflag:s11] =	ssyncset.done $0x0  }
0x28f: {  	s25 =	rddreg [dreg:$0x1b];
	[sflag:s11] =	ssyncadd.s32 $0xFFFFF080  }
0x290: {  	[tilespmem:s2], [sflag:$0x1] =	stream.indirect.gather [spmem:s1], $0x80, s23, s14, $0xb8;
	[tilespmem:$0x1FFA0] =	vst v63  }
0x291: {  	[spmem:s19], [sflag:s20] =	dma.local [hbm:s25], $0xF80  }
0x292: {  	_ =	swait.ge [sflag:s4], $0x7C00  }
0x293: {  	[sflag:s4] =	ssyncset.done $0x0  }
0x294: {  	s26 =	rddreg [dreg:$0x1c];
	[sflag:s4] =	ssyncadd.s32 $0xFFFF8400  }
0x295: {  	[hbm4b:s26+s5] =	stream.strided.scatter [tilespmem:s2], [sflag:$0x3], $0x7C00, s6, s5, $0x38;
	[tilespmem:$0x1FFA0] =	vst v63  }
0x296: {  	_ =	swait.ge [sflag:s3], $0xF80  }
0x297: {  	[sflag:s3] =	ssyncset.done $0x0  }
0x298: {  	s28 =	rddreg [dreg:$0x1d];
	[sflag:s3] =	ssyncadd.s32 $0xFFFFF080  }
0x299: {  	[hbm:s28@s8], [sflag:s21] =	dma.strided [spmem:s19@s9], $0xF80, s7, $0x10   }
0x29a: {  	_ =	swait.ge [sflag:s12], $0x7C00  }
0x29b: {  	[sflag:s12] =	ssyncset.done $0x0  }
0x29c: {  	[sflag:s12] =	ssyncadd.s32 $0xFFFF8400  }
0x29d: {  	_ =	swait.ge [sflag:s13], $0xF80  }
0x29e: {  	s29 =	sld [smem:$0x7F9]  }
0x29f: {  	[sflag:s13] =	ssyncset.done $0x0  }
0x2a0: {  	s30 =	rddreg [dreg:$0x1e];
	[sflag:s13] =	ssyncadd.s32 $0xFFFFF080  }
0x2a1: {  	[tilespmem:s16], [sflag:$0x1] =	stream.indirect.gather [spmem:s1], $0x80, s29, s14, $0xb8;
	[tilespmem:$0x1FFA0] =	vst v63  }
0x2a2: {  	[spmem:s15], [sflag:s20] =	dma.local [hbm:s30], $0xF80  }
0x2a3: {  	_ =	swait.ge [sflag:s4], $0x7C00  }
0x2a4: {  	[sflag:s4] =	ssyncset.done $0x0  }
0x2a5: {  	s31 =	rddreg [dreg:$0x1f];
	[sflag:s4] =	ssyncadd.s32 $0xFFFF8400  }
0x2a6: {  	[hbm4b:s31+s5] =	stream.strided.scatter [tilespmem:s16], [sflag:$0x4], $0x7C00, s6, s5, $0x38;
	[tilespmem:$0x1FFA0] =	vst v63  }
0x2a7: {  	_ =	swait.ge [sflag:s3], $0xF80  }
0x2a8: {  	s23 =	sld [smem:$0x7E4]  }
0x2a9: {  	[sflag:s3] =	ssyncset.done $0x0  }
0x2aa: {  	[sflag:s3] =	ssyncadd.s32 $0xFFFFF080  }
0x2ab: {  	[hbm:s23@s8], [sflag:s22] =	dma.strided [spmem:s15@s9], $0xF80, s7, $0x10   }
0x2ac: {  	_ =	swait.ge [sflag:s10], $0x7C00  }
0x2ad: {  	[sflag:s10] =	ssyncset.done $0x0  }
0x2ae: {  	[sflag:s10] =	ssyncadd.s32 $0xFFFF8400  }
0x2af: {  	_ =	swait.ge [sflag:s11], $0xF80  }
0x2b0: {  	s25 =	sld [smem:$0x7FA]  }
0x2b1: {  	[sflag:s11] =	ssyncset.done $0x0;
	s26 =	sld [smem:$0x7E5]  }
0x2b2: {  	[sflag:s11] =	ssyncadd.s32 $0xFFFFF080  }
0x2b3: {  	[tilespmem:s2], [sflag:$0x1] =	stream.indirect.gather [spmem:s1], $0x80, s25, s14, $0xb8;
	[tilespmem:$0x1FFA0] =	vst v63  }
0x2b4: {  	[spmem:s19], [sflag:s20] =	dma.local [hbm:s26], $0xF80  }
0x2b5: {  	_ =	swait.ge [sflag:s4], $0x7C00  }
0x2b6: {  	s28 =	sld [smem:$0x7E6]  }
0x2b7: {  	[sflag:s4] =	ssyncset.done $0x0  }
0x2b8: {  	[sflag:s4] =	ssyncadd.s32 $0xFFFF8400  }
0x2b9: {  	[hbm4b:s28+s5] =	stream.strided.scatter [tilespmem:s2], [sflag:$0x3], $0x7C00, s6, s5, $0x38;
	[tilespmem:$0x1FFA0] =	vst v63  }
0x2ba: {  	_ =	swait.ge [sflag:s3], $0xF80  }
0x2bb: {  	s29 =	sld [smem:$0x7E7]  }
0x2bc: {  	[sflag:s3] =	ssyncset.done $0x0  }
0x2bd: {  	[sflag:s3] =	ssyncadd.s32 $0xFFFFF080  }
0x2be: {  	[hbm:s29@s8], [sflag:s21] =	dma.strided [spmem:s19@s9], $0xF80, s7, $0x10   }
0x2bf: {  	_ =	swait.ge [sflag:s12], $0x7C00  }
0x2c0: {  	[sflag:s12] =	ssyncset.done $0x0  }
0x2c1: {  	[sflag:s12] =	ssyncadd.s32 $0xFFFF8400  }
0x2c2: {  	_ =	swait.ge [sflag:s13], $0xF80  }
0x2c3: {  	s30 =	sld [smem:$0x7FB]  }
0x2c4: {  	[sflag:s13] =	ssyncset.done $0x0;
	s31 =	sld [smem:$0x7E8]  }
0x2c5: {  	[sflag:s13] =	ssyncadd.s32 $0xFFFFF080  }
0x2c6: {  	[tilespmem:s16], [sflag:$0x1] =	stream.indirect.gather [spmem:s1], $0x80, s30, s14, $0xb8;
	[tilespmem:$0x1FFA0] =	vst v63  }
0x2c7: {  	[spmem:s15], [sflag:s20] =	dma.local [hbm:s31], $0xF80  }
0x2c8: {  	_ =	swait.ge [sflag:s4], $0x7C00  }
0x2c9: {  	s25 =	sld [smem:$0x7E9]  }
0x2ca: {  	[sflag:s4] =	ssyncset.done $0x0  }
0x2cb: {  	[sflag:s4] =	ssyncadd.s32 $0xFFFF8400  }
0x2cc: {  	[hbm4b:s25+s5] =	stream.strided.scatter [tilespmem:s16], [sflag:$0x4], $0x7C00, s6, s5, $0x38;
	[tilespmem:$0x1FFA0] =	vst v63  }
0x2cd: {  	_ =	swait.ge [sflag:s3], $0xF80  }
0x2ce: {  	s26 =	sld [smem:$0x7EA]  }
0x2cf: {  	[sflag:s3] =	ssyncset.done $0x0  }
0x2d0: {  	[sflag:s3] =	ssyncadd.s32 $0xFFFFF080  }
0x2d1: {  	[hbm:s26@s8], [sflag:s22] =	dma.strided [spmem:s15@s9], $0xF80, s7, $0x10   }
0x2d2: {  	_ =	swait.ge [sflag:s10], $0x7C00  }
0x2d3: {  	[sflag:s10] =	ssyncset.done $0x0  }
0x2d4: {  	[sflag:s10] =	ssyncadd.s32 $0xFFFF8400  }
0x2d5: {  	_ =	swait.ge [sflag:s11], $0xF80  }
0x2d6: {  	s28 =	sld [smem:$0x7FC]  }
0x2d7: {  	[sflag:s11] =	ssyncset.done $0x0;
	s29 =	sld [smem:$0x7EB]  }
0x2d8: {  	[sflag:s11] =	ssyncadd.s32 $0xFFFFF080  }
0x2d9: {  	[tilespmem:s2], [sflag:$0x1] =	stream.indirect.gather [spmem:s1], $0x80, s28, s14, $0xb8;
	[tilespmem:$0x1FFA0] =	vst v63  }
0x2da: {  	[spmem:s19], [sflag:s20] =	dma.local [hbm:s29], $0xF80  }
0x2db: {  	_ =	swait.ge [sflag:s4], $0x7C00  }
0x2dc: {  	s30 =	sld [smem:$0x7EC]  }
0x2dd: {  	[sflag:s4] =	ssyncset.done $0x0  }
0x2de: {  	[sflag:s4] =	ssyncadd.s32 $0xFFFF8400  }
0x2df: {  	[hbm4b:s30+s5] =	stream.strided.scatter [tilespmem:s2], [sflag:$0x3], $0x7C00, s6, s5, $0x38;
	[tilespmem:$0x1FFA0] =	vst v63  }
0x2e0: {  	_ =	swait.ge [sflag:s3], $0xF80  }
0x2e1: {  	s31 =	sld [smem:$0x7ED]  }
0x2e2: {  	[sflag:s3] =	ssyncset.done $0x0  }
0x2e3: {  	[sflag:s3] =	ssyncadd.s32 $0xFFFFF080  }
0x2e4: {  	[hbm:s31@s8], [sflag:s21] =	dma.strided [spmem:s19@s9], $0xF80, s7, $0x10   }
0x2e5: {  	_ =	swait.ge [sflag:s12], $0x7C00  }
0x2e6: {  	[sflag:s12] =	ssyncset.done $0x0  }
0x2e7: {  	[sflag:s12] =	ssyncadd.s32 $0xFFFF8400  }
0x2e8: {  	_ =	swait.ge [sflag:s13], $0xF80  }
0x2e9: {  	s23 =	sld [smem:$0x7FD]  }
0x2ea: {  	[sflag:s13] =	ssyncset.done $0x0;
	s25 =	sld [smem:$0x7EE]  }
0x2eb: {  	[sflag:s13] =	ssyncadd.s32 $0xFFFFF080  }
0x2ec: {  	[tilespmem:s16], [sflag:$0x1] =	stream.indirect.gather [spmem:s1], $0x80, s23, s14, $0xb8;
	[tilespmem:$0x1FFA0] =	vst v63  }
0x2ed: {  	[spmem:s15], [sflag:s20] =	dma.local [hbm:s25], $0xF80  }
0x2ee: {  	_ =	swait.ge [sflag:s4], $0x7C00  }
0x2ef: {  	s26 =	sld [smem:$0x7EF]  }
0x2f0: {  	[sflag:s4] =	ssyncset.done $0x0  }
0x2f1: {  	[sflag:s4] =	ssyncadd.s32 $0xFFFF8400  }
0x2f2: {  	[hbm4b:s26+s5] =	stream.strided.scatter [tilespmem:s16], [sflag:$0x4], $0x7C00, s6, s5, $0x38;
	[tilespmem:$0x1FFA0] =	vst v63  }
0x2f3: {  	_ =	swait.ge [sflag:s3], $0xF80  }
0x2f4: {  	s28 =	sld [smem:$0x7F0]  }
0x2f5: {  	[sflag:s3] =	ssyncset.done $0x0  }
0x2f6: {  	[sflag:s3] =	ssyncadd.s32 $0xFFFFF080  }
0x2f7: {  	[hbm:s28@s8], [sflag:s22] =	dma.strided [spmem:s15@s9], $0xF80, s7, $0x10   }
0x2f8: {  	_ =	swait.ge [sflag:s10], $0x7C00  }
0x2f9: {  	[sflag:s10] =	ssyncset.done $0x0  }
0x2fa: {  	[sflag:s10] =	ssyncadd.s32 $0xFFFF8400  }
0x2fb: {  	_ =	swait.ge [sflag:s11], $0xF80  }
0x2fc: {  	[sflag:s11] =	ssyncset.done $0x0;
	s29 =	sld [smem:$0x7F1]  }
0x2fd: {  	[sflag:s11] =	ssyncadd.s32 $0xFFFFF080  }
0x2fe: {  	[tilespmem:s2], [sflag:$0x1] =	stream.indirect.gather [spmem:s1], $0x80, s18, s17, $0xb8;
	[tilespmem:$0x1FFA0] =	vst v63  }
0x2ff: {  	[spmem:s19], [sflag:s20] =	dma.local [hbm:s29], $0x980  }
0x300: {  	_ =	swait.ge [sflag:s4], $0x4C00  }
0x301: {  	s30 =	sld [smem:$0x7F2]  }
0x302: {  	[sflag:s4] =	ssyncset.done $0x0  }
0x303: {  	[sflag:s4] =	ssyncadd.s32 $0xFFFFB400  }
0x304: {  	[hbm4b:s30+s5] =	stream.strided.scatter [tilespmem:s2], [sflag:$0x3], $0x4C00, s6, s5, $0x38;
	[tilespmem:$0x1FFA0] =	vst v63  }
0x305: {  	_ =	swait.ge [sflag:s3], $0x980  }
0x306: {  	s31 =	sld [smem:$0x7F3]  }
0x307: {  	[sflag:s3] =	ssyncset.done $0x0  }
0x308: {  	[sflag:s3] =	ssyncadd.s32 $0xFFFFF680  }
0x309: {  	[hbm:s31@s8], [sflag:s21] =	dma.strided [spmem:s19@s9], $0x980, s7, $0x10   }
0x30a: {  	_ =	swait.ge [sflag:s12], $0x7C00  }
0x30b: {  	[sflag:s12] =	ssyncset.done $0x0  }
0x30c: {  	[sflag:s12] =	ssyncadd.s32 $0xFFFF8400  }
0x30d: {  	_ =	swait.ge [sflag:s13], $0xF80  }
0x30e: {  	[sflag:s13] =	ssyncset.done $0x0  }
0x30f: {  	[sflag:s13] =	ssyncadd.s32 $0xFFFFF080  }
0x310: {  	_ =	swait.ge [sflag:s10], $0x4C00  }
0x311: {  	[sflag:s10] =	ssyncset.done $0x0  }
0x312: {  	[sflag:s10] =	ssyncadd.s32 $0xFFFFB400  }
0x313: {  	_ =	swait.ge [sflag:s11], $0x980  }
0x314: {  	[sflag:s11] =	ssyncset.done $0x0  }
0x315: {  	[sflag:s11] =	ssyncadd.s32 $0xFFFFF680  }
0x316: {  	_ =	sfence.sel $0x180000  }
0x317: {  	[bflag:$0x0] =	sbarrier.arrive $0xFFFF  }
0x318: {  	_ =	strace $0x90000047  }
0x319: {  	s0 =	sadd.s32 @!p0 $0x100000, s24;
	[bflag:$0x2] =	sbarrier.arrive $0xFFFF  }
0x31a: {  	[sflag:s0] =	ssyncadd.tile.s32 @!p0 $0x1;
	_ =	shalt  }
.LBB2_2:
.Ltmp3:
0x31b: {  	(pc) =	sbr.rel .LBB2_5-.Ltmp3, $2  }
0x31c: {  	_ =	sdelay $0x2  }
0x31d: {  	s24 =	rddreg [dreg:$0x6];
	s26 =	stileid.u32  }
.Lfunc_end2:
_tile_overlayer_lowered:
.L_overlay_start_2:
0x31e: {  	(tag) =	ssettag $0x2  }
0x31f: {  	s0 =	rddreg [dreg:$0x0];
	s2 =	stileid.u32  }
0x320: {  	s1 =	rddreg [dreg:$0x1];
	p0 =	sne.s32 s2, $0x0  }
0x321: {  	s3 =	rddreg [dreg:$0x2];
	[bflag:$0x3] =	sbarrier.arrive $0xFFFF;
	s2 =	simm.s32 @!p0 $0x1C07  }
0x322: {  	[timem:s3], [sflag:s2] =	dma.local @!p0 [hbm:s0], s1  }
0x323: {  	s0 =	simm.s32 @!p0 $0x7  }
0x324: {  	_ =	swait.ge @!p0 [sflag:s0], s1  }
0x325: {  	s1 =	ssub.s32 @!p0 $0x0, s1;
	[sflag:s0] =	ssyncset.done @!p0 $0x0  }
0x326: {  	[sflag:s0] =	ssyncadd.s32 @!p0 s1  }
0x327: {  	[bflag:$0x3] =	sbarrier.arrive $0xFFFF  }
0x328: {  	_ =	shalt  }

</sc_bundles>
